<compile_context>
chip_gen: v7x
topology: tpu7x:2x2x1
jax: 0.10.2.dev20260603
libtpu: 0.0.44.dev20260713+nightly
codegen_flags: <defaults>
</compile_context>

<pallas_src>
import functools

import jax
import jax.numpy as jnp
from jax import lax
from jax.experimental import pallas as pl
from jax.experimental.pallas import tpu as pltpu
from jax.experimental.pallas import tpu_sc as plsc

N = 10000
E = 320000
D = 128
NC, NS, L = 2, 16, 16
NW = NC * NS
NPAD = 10240
EPW = E // NW
CH = 80
NCHUNK = EPW // CH
RPT = NPAD // NS

_MESH = plsc.VectorSubcoreMesh(core_axis_name="c", subcore_axis_name="s")



@functools.partial(
    pl.kernel,
    mesh=_MESH,
    compiler_params=pltpu.CompilerParams(needs_layout_passes=False),
    out_type=jax.ShapeDtypeStruct((NW, NPAD), jnp.float32),
    scratch_types=[
        pltpu.VMEM((EPW,), jnp.int32),
        pltpu.VMEM((NPAD,), jnp.float32),
    ],
)
def _deg_kernel(dst_hbm, out_hbm, didx_v, hist_v):
    c = lax.axis_index("c")
    s = lax.axis_index("s")
    wid = s * NC + c
    pltpu.sync_copy(dst_hbm.at[pl.ds(wid * EPW, EPW)], didx_v)

    def zbody(i, carry):
        hist_v[pl.ds(i * L, L)] = jnp.zeros((L,), jnp.float32)
        return carry

    lax.fori_loop(0, NPAD // L, zbody, 0)

    ones = jnp.ones((L,), jnp.float32)

    def body(i, carry):
        idx = didx_v[pl.ds(i * L, L)]
        plsc.addupdate_scatter(hist_v, [idx], ones)
        return carry

    lax.fori_loop(0, EPW // L, body, 0)
    pltpu.sync_copy(hist_v, out_hbm.at[wid])


@functools.partial(
    pl.kernel,
    mesh=_MESH,
    out_type=jax.ShapeDtypeStruct((NC, NPAD, D), jnp.float32),
    scratch_types=[
        pltpu.VMEM((6, 2, CH), jnp.int32),
        pltpu.VMEM((CH, D), jnp.float32),
        pltpu.VMEM((CH, D), jnp.float32),
        pltpu.VMEM((CH, D), jnp.float32),
        pltpu.VMEM_SHARED((NPAD, D), jnp.float32),
        pltpu.SemaphoreType.DMA,
        pltpu.SemaphoreType.DMA,
        pltpu.SemaphoreType.DMA,
        pltpu.SemaphoreType.DMA,
        pltpu.SemaphoreType.DMA,
        pltpu.SemaphoreType.DMA,
    ],
)
def _scatter_kernel(hs_hbm, idx_hbm, out_hbm,
                    ibuf, rows0, rows1, rows2, acc_sh,
                    sem_g0, sem_g1, sem_g2, sem_i0, sem_i1, sem_i2):
    c = lax.axis_index("c")
    s = lax.axis_index("s")
    wid = s * NC + c
    rows = (rows0, rows1, rows2)
    gsems = (sem_g0, sem_g1, sem_g2)
    isems = (sem_i0, sem_i1, sem_i2)
    pltpu.sync_copy(hs_hbm.at[pl.ds(s * RPT, RPT)],
                    acc_sh.at[pl.ds(s * RPT, RPT)])
    plsc.subcore_barrier()

    def load_idx(ck, sb):
        pltpu.async_copy(idx_hbm.at[wid, ck], ibuf.at[ck % 6], isems[sb])

    def wait_idx(sb):
        pltpu.make_async_copy(idx_hbm.at[wid, 0], ibuf.at[0], isems[sb]).wait()

    def gather(ck, rb):
        pltpu.async_copy(hs_hbm.at[ibuf.at[ck % 6, 0]], rows[rb], gsems[rb])

    def drain_gather(rb):
        pltpu.make_async_copy(hs_hbm.at[pl.ds(0, CH)], rows[rb],
                              gsems[rb]).wait()

    def scatter(ck, rb):
        pltpu.sync_copy(rows[rb], acc_sh.at[ibuf.at[ck % 6, 1]], add=True)

    load_idx(0, 0)
    load_idx(1, 1)
    load_idx(2, 2)
    wait_idx(0)
    gather(0, 0)
    load_idx(3, 0)
    wait_idx(1)
    gather(1, 1)
    load_idx(4, 1)
    wait_idx(2)
    gather(2, 2)

    def body(i, carry):
        for b in range(3):
            ck = 3 * i + b
            drain_gather(b)
            scatter(ck, b)
            wait_idx(b)
            gather(ck + 3, b)
            load_idx(ck + 5, (b + 2) % 3)
        return carry

    lax.fori_loop(0, (NCHUNK - 5) // 3, body, 0)
    drain_gather(0)
    scatter(NCHUNK - 5, 0)
    wait_idx(0)
    gather(NCHUNK - 2, 0)
    drain_gather(1)
    scatter(NCHUNK - 4, 1)
    wait_idx(1)
    gather(NCHUNK - 1, 1)
    drain_gather(2)
    scatter(NCHUNK - 3, 2)
    drain_gather(0)
    scatter(NCHUNK - 2, 0)
    drain_gather(1)
    scatter(NCHUNK - 1, 1)

    plsc.subcore_barrier()
    pltpu.sync_copy(acc_sh.at[pl.ds(s * RPT, RPT)],
                    out_hbm.at[c, pl.ds(s * RPT, RPT)])



BLK = 1280


def _l1_body(x_ref, degp_ref, w_ref, hs_ref, g_ref):
    deg = jnp.sum(degp_ref[...], axis=0)
    g = lax.rsqrt(1.0 + deg)[:, None]
    h = jnp.dot(x_ref[...], w_ref[...], preferred_element_type=jnp.float32)
    hs_ref[...] = h * g
    g_ref[...] = g


def _l2_body(a0_ref, a1_ref, hs1_ref, g_ref, b_ref, w_ref, hs2_ref):
    g = g_ref[...]
    y = g * (a0_ref[...] + a1_ref[...] - hs1_ref[...]) + b_ref[...]
    y = jnp.maximum(y, 0.0)
    hs2_ref[...] = jnp.dot(y, w_ref[...],
                           preferred_element_type=jnp.float32) * g


def _l3_body(a0_ref, a1_ref, hs2_ref, g_ref, b_ref, out_ref):
    g = g_ref[...]
    out_ref[...] = g * (a0_ref[...] + a1_ref[...] - hs2_ref[...]) + b_ref[...]


_row = pl.BlockSpec((BLK, D), lambda i: (i, 0))
_gcol = pl.BlockSpec((BLK, 1), lambda i: (i, 0))
_degp = pl.BlockSpec((NW, BLK), lambda i: (0, i))
_full_w = pl.BlockSpec((D, D), lambda i: (0, 0))
_bias = pl.BlockSpec((1, D), lambda i: (0, 0))
_GRID = (NPAD // BLK,)


def _l1_call(x_pad, degp, W1):
    return pl.pallas_call(
        _l1_body,
        grid=_GRID,
        in_specs=[_row, _degp, _full_w],
        out_specs=[_row, _gcol],
        out_shape=[jax.ShapeDtypeStruct((NPAD, D), jnp.float32),
                   jax.ShapeDtypeStruct((NPAD, 1), jnp.float32)],
    )(x_pad, degp, W1)


def _l2_call(a0, a1, hs1, g, b1, W2):
    return pl.pallas_call(
        _l2_body,
        grid=_GRID,
        in_specs=[_row, _row, _row, _gcol, _bias, _full_w],
        out_specs=_row,
        out_shape=jax.ShapeDtypeStruct((NPAD, D), jnp.float32),
    )(a0, a1, hs1, g, b1, W2)


def _l3_call(a0, a1, hs2, g, b2):
    return pl.pallas_call(
        _l3_body,
        grid=_GRID,
        in_specs=[_row, _row, _row, _gcol, _bias],
        out_specs=_row,
        out_shape=jax.ShapeDtypeStruct((N, D), jnp.float32),
    )(a0, a1, hs2, g, b2)



def kernel(x, edge_index, W1, b1, W2, b2):
    src = edge_index[0].astype(jnp.int32)
    dst = edge_index[1].astype(jnp.int32)
    idx3 = jnp.stack([src.reshape(NW, NCHUNK, CH),
                      dst.reshape(NW, NCHUNK, CH)], axis=2)
    x_pad = jnp.zeros((NPAD, D), jnp.float32).at[:N].set(x)

    degp = _deg_kernel(dst)
    hs1, g = _l1_call(x_pad, degp, W1)
    acc1 = _scatter_kernel(hs1, idx3)
    hs2 = _l2_call(acc1[0], acc1[1], hs1, g,
                   b1.reshape(1, D).astype(jnp.float32), W2)
    acc2 = _scatter_kernel(hs2, idx3)
    return _l3_call(acc2[0], acc2[1], hs2, g,
                    b2.reshape(1, D).astype(jnp.float32))

# --- scband reference (transcript-rebuilt; emitter-appended) ---
"""Pipeline reference for scband-gcnsimple-12077448036413 (READ-ONLY COPY).

The authoritative reference and input builder live on the scoring server;
editing this copy changes nothing except your own understanding.
"""

import jax, jax.numpy as jnp
import numpy as np

N_NODES = 10000
N_EDGES = 320000
D0, D1, D2 = 128, 128, 128


def setup_inputs(seed: int = 0) -> dict:
    key = jax.random.key(seed)
    k_x, k_ei, k_w1, k_b1, k_w2, k_b2 = jax.random.split(key, 6)
    x = jax.random.normal(k_x, (N_NODES, D0), dtype=jnp.float32)
    edge_index = jax.random.randint(k_ei, (2, N_EDGES), 0, N_NODES, dtype=jnp.int64)
    # Glorot-style init for GCNConv linear weights (stored as [in, out] so we use x @ W)
    s1 = 1.0 / np.sqrt(D0)
    s2 = 1.0 / np.sqrt(D1)
    W1 = jax.random.uniform(k_w1, (D0, D1), dtype=jnp.float32, minval=-s1, maxval=s1)
    b1 = jnp.zeros((D1,), dtype=jnp.float32)
    W2 = jax.random.uniform(k_w2, (D1, D2), dtype=jnp.float32, minval=-s2, maxval=s2)
    b2 = jnp.zeros((D2,), dtype=jnp.float32)
    return {"x": x, "edge_index": edge_index, "W1": W1, "b1": b1, "W2": W2, "b2": b2}


def _gcn_conv(x, edge_index, W, b):
    # Faithful PyG GCNConv (normalize=True, add_self_loops=True, bias=True)
    n = x.shape[0]
    src = edge_index[0]
    dst = edge_index[1]
    loop = jnp.arange(n, dtype=edge_index.dtype)
    src = jnp.concatenate([src, loop])
    dst = jnp.concatenate([dst, loop])
    ew = jnp.ones(src.shape[0], dtype=x.dtype)
    deg = jnp.zeros((n,), dtype=x.dtype).at[dst].add(ew)
    deg_inv_sqrt = jnp.where(deg > 0, jax.lax.rsqrt(jnp.where(deg > 0, deg, 1.0)), 0.0)
    norm = deg_inv_sqrt[src] * deg_inv_sqrt[dst]
    h = x @ W
    msg = h[src] * norm[:, None]
    out = jnp.zeros((n, W.shape[1]), dtype=x.dtype).at[dst].add(msg)
    return out + b


def reference(x, edge_index, W1, b1, W2, b2):
    h = _gcn_conv(x, edge_index, W1, b1)
    h = jax.nn.relu(h)
    # F.dropout(training=self.training) is identity in eval mode
    out = _gcn_conv(h, edge_index, W2, b2)
    return out

if __name__ == "__main__":
    import jax
    _d = setup_inputs()
    print(jax.jit(kernel)(*tuple(_d.values())))

</pallas_src>

<mosaic_0001>
#map = affine_map<(d0, d1) -> (0, 0)>
#map1 = affine_map<(d0, d1) -> (0, 0, 0, 0)>
#map2 = affine_map<(d0, d1) -> (0, 0, 0)>
module attributes {stable_mosaic.version = 14 : i64} {
  func.func @_scatter_kernel(%arg0: i32, %arg1: i32, %arg2: memref<10240x128xf32, #tpu.memory_space<hbm>>, %arg3: memref<32x125x2x80xi32, #tpu.memory_space<hbm>>, %arg4: memref<2x10240x128xf32, #tpu.memory_space<hbm>>, %arg5: memref<6x2x80xi32, #tpu.memory_space<vmem>>, %arg6: memref<80x128xf32, #tpu.memory_space<vmem>>, %arg7: memref<80x128xf32, #tpu.memory_space<vmem>>, %arg8: memref<80x128xf32, #tpu.memory_space<vmem>>, %arg9: memref<10240x128xf32, #tpu.memory_space<vmem_shared>>, %arg10: memref<!tpu.dma_semaphore, #tpu.memory_space<semaphore_mem>>, %arg11: memref<!tpu.dma_semaphore, #tpu.memory_space<semaphore_mem>>, %arg12: memref<!tpu.dma_semaphore, #tpu.memory_space<semaphore_mem>>, %arg13: memref<!tpu.dma_semaphore, #tpu.memory_space<semaphore_mem>>, %arg14: memref<!tpu.dma_semaphore, #tpu.memory_space<semaphore_mem>>, %arg15: memref<!tpu.dma_semaphore, #tpu.memory_space<semaphore_mem>>) attributes {dimension_semantics = [#tpu.dimension_semantics<core_parallel>, #tpu.dimension_semantics<subcore_parallel>], iteration_bounds = array<i64: 2, 16>, scalar_prefetch = 0 : i64, scratch_operands = 11 : i64, tpu.core_type = #tpu.core_type<sc_vector_subcore>, window_params = [{transform_indices = #map}, {transform_indices = #map1}, {transform_indices = #map2}]} {
    %mul3A = arith.constant 2 : i32
    %mul3A_0 = arith.muli %arg1, %mul3A : i32
    %add3A = arith.addi %mul3A_0, %arg0 : i32
    %mul3A_1 = arith.constant 640 : i32
    %mul3A_2 = arith.muli %arg1, %mul3A_1 : i32
    %mul3A_3 = arith.constant 640 : i32
    %mul3A_4 = arith.muli %arg1, %mul3A_3 : i32
    "tpu.region"() ({
      %run_scoped3A_272 = tpu.sem_alloc : memref<!tpu.dma_semaphore, #tpu.memory_space<semaphore_mem>>
      %dma_start3A_273 = arith.constant 0 : i32
      %dma_start3A_274 = tpu.memref_slice %arg9[%mul3A_4, %dma_start3A_273] : memref<10240x128xf32, #tpu.memory_space<vmem_shared>> -> memref<640x128xf32, #tpu.memory_space<vmem_shared>>
      %dma_start3A_275 = arith.constant 0 : i32
      %dma_start3A_276 = tpu.memref_slice %arg2[%mul3A_2, %dma_start3A_275] : memref<10240x128xf32, #tpu.memory_space<hbm>> -> memref<640x128xf32, #tpu.memory_space<hbm>>
      tpu.enqueue_dma source(%dma_start3A_276 : memref<640x128xf32, #tpu.memory_space<hbm>>) target(%dma_start3A_274 : memref<640x128xf32, #tpu.memory_space<vmem_shared>>) target_semaphore(%run_scoped3A_272 : memref<!tpu.dma_semaphore, #tpu.memory_space<semaphore_mem>>)
      %dma_wait3A_277 = arith.constant 0 : i32
      %dma_wait3A_278 = tpu.memref_slice %arg9[%mul3A_4, %dma_wait3A_277] : memref<10240x128xf32, #tpu.memory_space<vmem_shared>> -> memref<640x128xf32, #tpu.memory_space<vmem_shared>>
      %dma_wait3A_279 = arith.constant 0 : i32
      %dma_wait3A_280 = tpu.memref_slice %arg2[%mul3A_2, %dma_wait3A_279] : memref<10240x128xf32, #tpu.memory_space<hbm>> -> memref<640x128xf32, #tpu.memory_space<hbm>>
      tpu.wait_dma2 semaphore(%run_scoped3A_272 : memref<!tpu.dma_semaphore, #tpu.memory_space<semaphore_mem>>) src(%dma_wait3A_280 : memref<640x128xf32, #tpu.memory_space<hbm>>) dst(%dma_wait3A_278 : memref<640x128xf32, #tpu.memory_space<vmem_shared>>)
      tpu.yield
    }) : () -> ()
    %barrier3A = arith.constant 0 : index
    tpu.barrier barrier_id(%barrier3A)
    %dma_start3A = arith.constant 0 : i32
    %dma_start3A_5 = arith.constant 0 : i32
    %dma_start3A_6 = arith.constant 0 : i32
    %dma_start3A_7 = arith.constant 0 : i32
    %dma_start3A_8 = tpu.memref_slice %arg5[%dma_start3A_5, %dma_start3A_6, %dma_start3A_7] : memref<6x2x80xi32, #tpu.memory_space<vmem>> -> memref<1x2x80xi32, #tpu.memory_space<vmem>>
    %dma_start3A_9 = tpu.memref_squeeze %dma_start3A_8 : memref<1x2x80xi32, #tpu.memory_space<vmem>> -> memref<2x80xi32, #tpu.memory_space<vmem>>
    %dma_start3A_10 = arith.constant 0 : i32
    %dma_start3A_11 = arith.constant 0 : i32
    %dma_start3A_12 = tpu.memref_slice %arg3[%add3A, %dma_start3A, %dma_start3A_10, %dma_start3A_11] : memref<32x125x2x80xi32, #tpu.memory_space<hbm>> -> memref<1x1x2x80xi32, #tpu.memory_space<hbm>>
    %dma_start3A_13 = tpu.memref_squeeze %dma_start3A_12 : memref<1x1x2x80xi32, #tpu.memory_space<hbm>> -> memref<2x80xi32, #tpu.memory_space<hbm>>
    %dma_start3A_14 = arith.constant 0 : i32
    %dma_start3A_15 = arith.constant 0 : i32
    %dma_start3A_16 = tpu.memref_slice %arg5[%dma_start3A_5, %dma_start3A_14, %dma_start3A_15] : memref<6x2x80xi32, #tpu.memory_space<vmem>> -> memref<1x2x80xi32, #tpu.memory_space<vmem>>
    %dma_start3A_17 = tpu.memref_squeeze %dma_start3A_16 : memref<1x2x80xi32, #tpu.memory_space<vmem>> -> memref<2x80xi32, #tpu.memory_space<vmem>>
    %dma_start3A_18 = arith.constant 0 : i32
    %dma_start3A_19 = arith.constant 0 : i32
    %dma_start3A_20 = tpu.memref_slice %arg3[%add3A, %dma_start3A, %dma_start3A_18, %dma_start3A_19] : memref<32x125x2x80xi32, #tpu.memory_space<hbm>> -> memref<1x1x2x80xi32, #tpu.memory_space<hbm>>
    %dma_start3A_21 = tpu.memref_squeeze %dma_start3A_20 : memref<1x1x2x80xi32, #tpu.memory_space<hbm>> -> memref<2x80xi32, #tpu.memory_space<hbm>>
    tpu.enqueue_dma source(%dma_start3A_21 : memref<2x80xi32, #tpu.memory_space<hbm>>) target(%dma_start3A_17 : memref<2x80xi32, #tpu.memory_space<vmem>>) target_semaphore(%arg13 : memref<!tpu.dma_semaphore, #tpu.memory_space<semaphore_mem>>)
    %dma_start3A_22 = arith.constant 1 : i32
    %dma_start3A_23 = arith.constant 1 : i32
    %dma_start3A_24 = arith.constant 0 : i32
    %dma_start3A_25 = arith.constant 0 : i32
    %dma_start3A_26 = tpu.memref_slice %arg5[%dma_start3A_23, %dma_start3A_24, %dma_start3A_25] : memref<6x2x80xi32, #tpu.memory_space<vmem>> -> memref<1x2x80xi32, #tpu.memory_space<vmem>>
    %dma_start3A_27 = tpu.memref_squeeze %dma_start3A_26 : memref<1x2x80xi32, #tpu.memory_space<vmem>> -> memref<2x80xi32, #tpu.memory_space<vmem>>
    %dma_start3A_28 = arith.constant 0 : i32
    %dma_start3A_29 = arith.constant 0 : i32
    %dma_start3A_30 = tpu.memref_slice %arg3[%add3A, %dma_start3A_22, %dma_start3A_28, %dma_start3A_29] : memref<32x125x2x80xi32, #tpu.memory_space<hbm>> -> memref<1x1x2x80xi32, #tpu.memory_space<hbm>>
    %dma_start3A_31 = tpu.memref_squeeze %dma_start3A_30 : memref<1x1x2x80xi32, #tpu.memory_space<hbm>> -> memref<2x80xi32, #tpu.memory_space<hbm>>
    %dma_start3A_32 = arith.constant 0 : i32
    %dma_start3A_33 = arith.constant 0 : i32
    %dma_start3A_34 = tpu.memref_slice %arg5[%dma_start3A_23, %dma_start3A_32, %dma_start3A_33] : memref<6x2x80xi32, #tpu.memory_space<vmem>> -> memref<1x2x80xi32, #tpu.memory_space<vmem>>
    %dma_start3A_35 = tpu.memref_squeeze %dma_start3A_34 : memref<1x2x80xi32, #tpu.memory_space<vmem>> -> memref<2x80xi32, #tpu.memory_space<vmem>>
    %dma_start3A_36 = arith.constant 0 : i32
    %dma_start3A_37 = arith.constant 0 : i32
    %dma_start3A_38 = tpu.memref_slice %arg3[%add3A, %dma_start3A_22, %dma_start3A_36, %dma_start3A_37] : memref<32x125x2x80xi32, #tpu.memory_space<hbm>> -> memref<1x1x2x80xi32, #tpu.memory_space<hbm>>
    %dma_start3A_39 = tpu.memref_squeeze %dma_start3A_38 : memref<1x1x2x80xi32, #tpu.memory_space<hbm>> -> memref<2x80xi32, #tpu.memory_space<hbm>>
    tpu.enqueue_dma source(%dma_start3A_39 : memref<2x80xi32, #tpu.memory_space<hbm>>) target(%dma_start3A_35 : memref<2x80xi32, #tpu.memory_space<vmem>>) target_semaphore(%arg14 : memref<!tpu.dma_semaphore, #tpu.memory_space<semaphore_mem>>)
    %dma_start3A_40 = arith.constant 2 : i32
    %dma_start3A_41 = arith.constant 2 : i32
    %dma_start3A_42 = arith.constant 0 : i32
    %dma_start3A_43 = arith.constant 0 : i32
    %dma_start3A_44 = tpu.memref_slice %arg5[%dma_start3A_41, %dma_start3A_42, %dma_start3A_43] : memref<6x2x80xi32, #tpu.memory_space<vmem>> -> memref<1x2x80xi32, #tpu.memory_space<vmem>>
    %dma_start3A_45 = tpu.memref_squeeze %dma_start3A_44 : memref<1x2x80xi32, #tpu.memory_space<vmem>> -> memref<2x80xi32, #tpu.memory_space<vmem>>
    %dma_start3A_46 = arith.constant 0 : i32
    %dma_start3A_47 = arith.constant 0 : i32
    %dma_start3A_48 = tpu.memref_slice %arg3[%add3A, %dma_start3A_40, %dma_start3A_46, %dma_start3A_47] : memref<32x125x2x80xi32, #tpu.memory_space<hbm>> -> memref<1x1x2x80xi32, #tpu.memory_space<hbm>>
    %dma_start3A_49 = tpu.memref_squeeze %dma_start3A_48 : memref<1x1x2x80xi32, #tpu.memory_space<hbm>> -> memref<2x80xi32, #tpu.memory_space<hbm>>
    %dma_start3A_50 = arith.constant 0 : i32
    %dma_start3A_51 = arith.constant 0 : i32
    %dma_start3A_52 = tpu.memref_slice %arg5[%dma_start3A_41, %dma_start3A_50, %dma_start3A_51] : memref<6x2x80xi32, #tpu.memory_space<vmem>> -> memref<1x2x80xi32, #tpu.memory_space<vmem>>
    %dma_start3A_53 = tpu.memref_squeeze %dma_start3A_52 : memref<1x2x80xi32, #tpu.memory_space<vmem>> -> memref<2x80xi32, #tpu.memory_space<vmem>>
    %dma_start3A_54 = arith.constant 0 : i32
    %dma_start3A_55 = arith.constant 0 : i32
    %dma_start3A_56 = tpu.memref_slice %arg3[%add3A, %dma_start3A_40, %dma_start3A_54, %dma_start3A_55] : memref<32x125x2x80xi32, #tpu.memory_space<hbm>> -> memref<1x1x2x80xi32, #tpu.memory_space<hbm>>
    %dma_start3A_57 = tpu.memref_squeeze %dma_start3A_56 : memref<1x1x2x80xi32, #tpu.memory_space<hbm>> -> memref<2x80xi32, #tpu.memory_space<hbm>>
    tpu.enqueue_dma source(%dma_start3A_57 : memref<2x80xi32, #tpu.memory_space<hbm>>) target(%dma_start3A_53 : memref<2x80xi32, #tpu.memory_space<vmem>>) target_semaphore(%arg15 : memref<!tpu.dma_semaphore, #tpu.memory_space<semaphore_mem>>)
    %dma_wait3A = arith.constant 0 : i32
    %dma_wait3A_58 = arith.constant 0 : i32
    %dma_wait3A_59 = arith.constant 0 : i32
    %dma_wait3A_60 = arith.constant 0 : i32
    %dma_wait3A_61 = tpu.memref_slice %arg5[%dma_wait3A_58, %dma_wait3A_59, %dma_wait3A_60] : memref<6x2x80xi32, #tpu.memory_space<vmem>> -> memref<1x2x80xi32, #tpu.memory_space<vmem>>
    %dma_wait3A_62 = tpu.memref_squeeze %dma_wait3A_61 : memref<1x2x80xi32, #tpu.memory_space<vmem>> -> memref<2x80xi32, #tpu.memory_space<vmem>>
    %dma_wait3A_63 = arith.constant 0 : i32
    %dma_wait3A_64 = arith.constant 0 : i32
    %dma_wait3A_65 = tpu.memref_slice %arg3[%add3A, %dma_wait3A, %dma_wait3A_63, %dma_wait3A_64] : memref<32x125x2x80xi32, #tpu.memory_space<hbm>> -> memref<1x1x2x80xi32, #tpu.memory_space<hbm>>
    %dma_wait3A_66 = tpu.memref_squeeze %dma_wait3A_65 : memref<1x1x2x80xi32, #tpu.memory_space<hbm>> -> memref<2x80xi32, #tpu.memory_space<hbm>>
    %dma_wait3A_67 = arith.constant 0 : i32
    %dma_wait3A_68 = arith.constant 0 : i32
    %dma_wait3A_69 = tpu.memref_slice %arg5[%dma_wait3A_58, %dma_wait3A_67, %dma_wait3A_68] : memref<6x2x80xi32, #tpu.memory_space<vmem>> -> memref<1x2x80xi32, #tpu.memory_space<vmem>>
    %dma_wait3A_70 = tpu.memref_squeeze %dma_wait3A_69 : memref<1x2x80xi32, #tpu.memory_space<vmem>> -> memref<2x80xi32, #tpu.memory_space<vmem>>
    %dma_wait3A_71 = arith.constant 0 : i32
    %dma_wait3A_72 = arith.constant 0 : i32
    %dma_wait3A_73 = tpu.memref_slice %arg3[%add3A, %dma_wait3A, %dma_wait3A_71, %dma_wait3A_72] : memref<32x125x2x80xi32, #tpu.memory_space<hbm>> -> memref<1x1x2x80xi32, #tpu.memory_space<hbm>>
    %dma_wait3A_74 = tpu.memref_squeeze %dma_wait3A_73 : memref<1x1x2x80xi32, #tpu.memory_space<hbm>> -> memref<2x80xi32, #tpu.memory_space<hbm>>
    tpu.wait_dma2 semaphore(%arg13 : memref<!tpu.dma_semaphore, #tpu.memory_space<semaphore_mem>>) src(%dma_wait3A_74 : memref<2x80xi32, #tpu.memory_space<hbm>>) dst(%dma_wait3A_70 : memref<2x80xi32, #tpu.memory_space<vmem>>)
    %dma_start3A_75 = arith.constant 0 : i32
    %dma_start3A_76 = arith.constant 0 : i32
    %dma_start3A_77 = arith.constant 0 : i32
    %dma_start3A_78 = tpu.memref_slice %arg5[%dma_start3A_75, %dma_start3A_76, %dma_start3A_77] : memref<6x2x80xi32, #tpu.memory_space<vmem>> -> memref<1x1x80xi32, #tpu.memory_space<vmem>>
    %dma_start3A_79 = tpu.memref_squeeze %dma_start3A_78 : memref<1x1x80xi32, #tpu.memory_space<vmem>> -> memref<80xi32, #tpu.memory_space<vmem>>
    %dma_start3A_80 = arith.constant 0 : i32
    %dma_start3A_81 = arith.constant 0 : i32
    %dma_start3A_82 = tpu.memref_slice %arg2[%dma_start3A_80, %dma_start3A_81] : memref<10240x128xf32, #tpu.memory_space<hbm>> -> memref<10240x128xf32, #tpu.memory_space<hbm>>
    tpu.enqueue_indirect_dma source(%dma_start3A_82 : memref<10240x128xf32, #tpu.memory_space<hbm>>) target(%arg6 : memref<80x128xf32, #tpu.memory_space<vmem>>) offsets(%dma_start3A_79 : memref<80xi32, #tpu.memory_space<vmem>>) semaphore(%arg10 : memref<!tpu.dma_semaphore, #tpu.memory_space<semaphore_mem>>)
    %dma_start3A_83 = arith.constant 3 : i32
    %dma_start3A_84 = arith.constant 3 : i32
    %dma_start3A_85 = arith.constant 0 : i32
    %dma_start3A_86 = arith.constant 0 : i32
    %dma_start3A_87 = tpu.memref_slice %arg5[%dma_start3A_84, %dma_start3A_85, %dma_start3A_86] : memref<6x2x80xi32, #tpu.memory_space<vmem>> -> memref<1x2x80xi32, #tpu.memory_space<vmem>>
    %dma_start3A_88 = tpu.memref_squeeze %dma_start3A_87 : memref<1x2x80xi32, #tpu.memory_space<vmem>> -> memref<2x80xi32, #tpu.memory_space<vmem>>
    %dma_start3A_89 = arith.constant 0 : i32
    %dma_start3A_90 = arith.constant 0 : i32
    %dma_start3A_91 = tpu.memref_slice %arg3[%add3A, %dma_start3A_83, %dma_start3A_89, %dma_start3A_90] : memref<32x125x2x80xi32, #tpu.memory_space<hbm>> -> memref<1x1x2x80xi32, #tpu.memory_space<hbm>>
    %dma_start3A_92 = tpu.memref_squeeze %dma_start3A_91 : memref<1x1x2x80xi32, #tpu.memory_space<hbm>> -> memref<2x80xi32, #tpu.memory_space<hbm>>
    %dma_start3A_93 = arith.constant 0 : i32
    %dma_start3A_94 = arith.constant 0 : i32
    %dma_start3A_95 = tpu.memref_slice %arg5[%dma_start3A_84, %dma_start3A_93, %dma_start3A_94] : memref<6x2x80xi32, #tpu.memory_space<vmem>> -> memref<1x2x80xi32, #tpu.memory_space<vmem>>
    %dma_start3A_96 = tpu.memref_squeeze %dma_start3A_95 : memref<1x2x80xi32, #tpu.memory_space<vmem>> -> memref<2x80xi32, #tpu.memory_space<vmem>>
    %dma_start3A_97 = arith.constant 0 : i32
    %dma_start3A_98 = arith.constant 0 : i32
    %dma_start3A_99 = tpu.memref_slice %arg3[%add3A, %dma_start3A_83, %dma_start3A_97, %dma_start3A_98] : memref<32x125x2x80xi32, #tpu.memory_space<hbm>> -> memref<1x1x2x80xi32, #tpu.memory_space<hbm>>
    %dma_start3A_100 = tpu.memref_squeeze %dma_start3A_99 : memref<1x1x2x80xi32, #tpu.memory_space<hbm>> -> memref<2x80xi32, #tpu.memory_space<hbm>>
    tpu.enqueue_dma source(%dma_start3A_100 : memref<2x80xi32, #tpu.memory_space<hbm>>) target(%dma_start3A_96 : memref<2x80xi32, #tpu.memory_space<vmem>>) target_semaphore(%arg13 : memref<!tpu.dma_semaphore, #tpu.memory_space<semaphore_mem>>)
    %dma_wait3A_101 = arith.constant 0 : i32
    %dma_wait3A_102 = arith.constant 0 : i32
    %dma_wait3A_103 = arith.constant 0 : i32
    %dma_wait3A_104 = arith.constant 0 : i32
    %dma_wait3A_105 = tpu.memref_slice %arg5[%dma_wait3A_102, %dma_wait3A_103, %dma_wait3A_104] : memref<6x2x80xi32, #tpu.memory_space<vmem>> -> memref<1x2x80xi32, #tpu.memory_space<vmem>>
    %dma_wait3A_106 = tpu.memref_squeeze %dma_wait3A_105 : memref<1x2x80xi32, #tpu.memory_space<vmem>> -> memref<2x80xi32, #tpu.memory_space<vmem>>
    %dma_wait3A_107 = arith.constant 0 : i32
    %dma_wait3A_108 = arith.constant 0 : i32
    %dma_wait3A_109 = tpu.memref_slice %arg3[%add3A, %dma_wait3A_101, %dma_wait3A_107, %dma_wait3A_108] : memref<32x125x2x80xi32, #tpu.memory_space<hbm>> -> memref<1x1x2x80xi32, #tpu.memory_space<hbm>>
    %dma_wait3A_110 = tpu.memref_squeeze %dma_wait3A_109 : memref<1x1x2x80xi32, #tpu.memory_space<hbm>> -> memref<2x80xi32, #tpu.memory_space<hbm>>
    %dma_wait3A_111 = arith.constant 0 : i32
    %dma_wait3A_112 = arith.constant 0 : i32
    %dma_wait3A_113 = tpu.memref_slice %arg5[%dma_wait3A_102, %dma_wait3A_111, %dma_wait3A_112] : memref<6x2x80xi32, #tpu.memory_space<vmem>> -> memref<1x2x80xi32, #tpu.memory_space<vmem>>
    %dma_wait3A_114 = tpu.memref_squeeze %dma_wait3A_113 : memref<1x2x80xi32, #tpu.memory_space<vmem>> -> memref<2x80xi32, #tpu.memory_space<vmem>>
    %dma_wait3A_115 = arith.constant 0 : i32
    %dma_wait3A_116 = arith.constant 0 : i32
    %dma_wait3A_117 = tpu.memref_slice %arg3[%add3A, %dma_wait3A_101, %dma_wait3A_115, %dma_wait3A_116] : memref<32x125x2x80xi32, #tpu.memory_space<hbm>> -> memref<1x1x2x80xi32, #tpu.memory_space<hbm>>
    %dma_wait3A_118 = tpu.memref_squeeze %dma_wait3A_117 : memref<1x1x2x80xi32, #tpu.memory_space<hbm>> -> memref<2x80xi32, #tpu.memory_space<hbm>>
    tpu.wait_dma2 semaphore(%arg14 : memref<!tpu.dma_semaphore, #tpu.memory_space<semaphore_mem>>) src(%dma_wait3A_118 : memref<2x80xi32, #tpu.memory_space<hbm>>) dst(%dma_wait3A_114 : memref<2x80xi32, #tpu.memory_space<vmem>>)
    %dma_start3A_119 = arith.constant 1 : i32
    %dma_start3A_120 = arith.constant 0 : i32
    %dma_start3A_121 = arith.constant 0 : i32
    %dma_start3A_122 = tpu.memref_slice %arg5[%dma_start3A_119, %dma_start3A_120, %dma_start3A_121] : memref<6x2x80xi32, #tpu.memory_space<vmem>> -> memref<1x1x80xi32, #tpu.memory_space<vmem>>
    %dma_start3A_123 = tpu.memref_squeeze %dma_start3A_122 : memref<1x1x80xi32, #tpu.memory_space<vmem>> -> memref<80xi32, #tpu.memory_space<vmem>>
    %dma_start3A_124 = arith.constant 0 : i32
    %dma_start3A_125 = arith.constant 0 : i32
    %dma_start3A_126 = tpu.memref_slice %arg2[%dma_start3A_124, %dma_start3A_125] : memref<10240x128xf32, #tpu.memory_space<hbm>> -> memref<10240x128xf32, #tpu.memory_space<hbm>>
    tpu.enqueue_indirect_dma source(%dma_start3A_126 : memref<10240x128xf32, #tpu.memory_space<hbm>>) target(%arg7 : memref<80x128xf32, #tpu.memory_space<vmem>>) offsets(%dma_start3A_123 : memref<80xi32, #tpu.memory_space<vmem>>) semaphore(%arg11 : memref<!tpu.dma_semaphore, #tpu.memory_space<semaphore_mem>>)
    %dma_start3A_127 = arith.constant 4 : i32
    %dma_start3A_128 = arith.constant 4 : i32
    %dma_start3A_129 = arith.constant 0 : i32
    %dma_start3A_130 = arith.constant 0 : i32
    %dma_start3A_131 = tpu.memref_slice %arg5[%dma_start3A_128, %dma_start3A_129, %dma_start3A_130] : memref<6x2x80xi32, #tpu.memory_space<vmem>> -> memref<1x2x80xi32, #tpu.memory_space<vmem>>
    %dma_start3A_132 = tpu.memref_squeeze %dma_start3A_131 : memref<1x2x80xi32, #tpu.memory_space<vmem>> -> memref<2x80xi32, #tpu.memory_space<vmem>>
    %dma_start3A_133 = arith.constant 0 : i32
    %dma_start3A_134 = arith.constant 0 : i32
    %dma_start3A_135 = tpu.memref_slice %arg3[%add3A, %dma_start3A_127, %dma_start3A_133, %dma_start3A_134] : memref<32x125x2x80xi32, #tpu.memory_space<hbm>> -> memref<1x1x2x80xi32, #tpu.memory_space<hbm>>
    %dma_start3A_136 = tpu.memref_squeeze %dma_start3A_135 : memref<1x1x2x80xi32, #tpu.memory_space<hbm>> -> memref<2x80xi32, #tpu.memory_space<hbm>>
    %dma_start3A_137 = arith.constant 0 : i32
    %dma_start3A_138 = arith.constant 0 : i32
    %dma_start3A_139 = tpu.memref_slice %arg5[%dma_start3A_128, %dma_start3A_137, %dma_start3A_138] : memref<6x2x80xi32, #tpu.memory_space<vmem>> -> memref<1x2x80xi32, #tpu.memory_space<vmem>>
    %dma_start3A_140 = tpu.memref_squeeze %dma_start3A_139 : memref<1x2x80xi32, #tpu.memory_space<vmem>> -> memref<2x80xi32, #tpu.memory_space<vmem>>
    %dma_start3A_141 = arith.constant 0 : i32
    %dma_start3A_142 = arith.constant 0 : i32
    %dma_start3A_143 = tpu.memref_slice %arg3[%add3A, %dma_start3A_127, %dma_start3A_141, %dma_start3A_142] : memref<32x125x2x80xi32, #tpu.memory_space<hbm>> -> memref<1x1x2x80xi32, #tpu.memory_space<hbm>>
    %dma_start3A_144 = tpu.memref_squeeze %dma_start3A_143 : memref<1x1x2x80xi32, #tpu.memory_space<hbm>> -> memref<2x80xi32, #tpu.memory_space<hbm>>
    tpu.enqueue_dma source(%dma_start3A_144 : memref<2x80xi32, #tpu.memory_space<hbm>>) target(%dma_start3A_140 : memref<2x80xi32, #tpu.memory_space<vmem>>) target_semaphore(%arg14 : memref<!tpu.dma_semaphore, #tpu.memory_space<semaphore_mem>>)
    %dma_wait3A_145 = arith.constant 0 : i32
    %dma_wait3A_146 = arith.constant 0 : i32
    %dma_wait3A_147 = arith.constant 0 : i32
    %dma_wait3A_148 = arith.constant 0 : i32
    %dma_wait3A_149 = tpu.memref_slice %arg5[%dma_wait3A_146, %dma_wait3A_147, %dma_wait3A_148] : memref<6x2x80xi32, #tpu.memory_space<vmem>> -> memref<1x2x80xi32, #tpu.memory_space<vmem>>
    %dma_wait3A_150 = tpu.memref_squeeze %dma_wait3A_149 : memref<1x2x80xi32, #tpu.memory_space<vmem>> -> memref<2x80xi32, #tpu.memory_space<vmem>>
    %dma_wait3A_151 = arith.constant 0 : i32
    %dma_wait3A_152 = arith.constant 0 : i32
    %dma_wait3A_153 = tpu.memref_slice %arg3[%add3A, %dma_wait3A_145, %dma_wait3A_151, %dma_wait3A_152] : memref<32x125x2x80xi32, #tpu.memory_space<hbm>> -> memref<1x1x2x80xi32, #tpu.memory_space<hbm>>
    %dma_wait3A_154 = tpu.memref_squeeze %dma_wait3A_153 : memref<1x1x2x80xi32, #tpu.memory_space<hbm>> -> memref<2x80xi32, #tpu.memory_space<hbm>>
    %dma_wait3A_155 = arith.constant 0 : i32
    %dma_wait3A_156 = arith.constant 0 : i32
    %dma_wait3A_157 = tpu.memref_slice %arg5[%dma_wait3A_146, %dma_wait3A_155, %dma_wait3A_156] : memref<6x2x80xi32, #tpu.memory_space<vmem>> -> memref<1x2x80xi32, #tpu.memory_space<vmem>>
    %dma_wait3A_158 = tpu.memref_squeeze %dma_wait3A_157 : memref<1x2x80xi32, #tpu.memory_space<vmem>> -> memref<2x80xi32, #tpu.memory_space<vmem>>
    %dma_wait3A_159 = arith.constant 0 : i32
    %dma_wait3A_160 = arith.constant 0 : i32
    %dma_wait3A_161 = tpu.memref_slice %arg3[%add3A, %dma_wait3A_145, %dma_wait3A_159, %dma_wait3A_160] : memref<32x125x2x80xi32, #tpu.memory_space<hbm>> -> memref<1x1x2x80xi32, #tpu.memory_space<hbm>>
    %dma_wait3A_162 = tpu.memref_squeeze %dma_wait3A_161 : memref<1x1x2x80xi32, #tpu.memory_space<hbm>> -> memref<2x80xi32, #tpu.memory_space<hbm>>
    tpu.wait_dma2 semaphore(%arg15 : memref<!tpu.dma_semaphore, #tpu.memory_space<semaphore_mem>>) src(%dma_wait3A_162 : memref<2x80xi32, #tpu.memory_space<hbm>>) dst(%dma_wait3A_158 : memref<2x80xi32, #tpu.memory_space<vmem>>)
    %dma_start3A_163 = arith.constant 2 : i32
    %dma_start3A_164 = arith.constant 0 : i32
    %dma_start3A_165 = arith.constant 0 : i32
    %dma_start3A_166 = tpu.memref_slice %arg5[%dma_start3A_163, %dma_start3A_164, %dma_start3A_165] : memref<6x2x80xi32, #tpu.memory_space<vmem>> -> memref<1x1x80xi32, #tpu.memory_space<vmem>>
    %dma_start3A_167 = tpu.memref_squeeze %dma_start3A_166 : memref<1x1x80xi32, #tpu.memory_space<vmem>> -> memref<80xi32, #tpu.memory_space<vmem>>
    %dma_start3A_168 = arith.constant 0 : i32
    %dma_start3A_169 = arith.constant 0 : i32
    %dma_start3A_170 = tpu.memref_slice %arg2[%dma_start3A_168, %dma_start3A_169] : memref<10240x128xf32, #tpu.memory_space<hbm>> -> memref<10240x128xf32, #tpu.memory_space<hbm>>
    tpu.enqueue_indirect_dma source(%dma_start3A_170 : memref<10240x128xf32, #tpu.memory_space<hbm>>) target(%arg8 : memref<80x128xf32, #tpu.memory_space<vmem>>) offsets(%dma_start3A_167 : memref<80xi32, #tpu.memory_space<vmem>>) semaphore(%arg12 : memref<!tpu.dma_semaphore, #tpu.memory_space<semaphore_mem>>)
    %scan3A = arith.constant 0 : i32
    %scan3A_171 = arith.constant 0 : i32
    %scan3A_172 = arith.constant 40 : i32
    %scan3A_173 = arith.addi %scan3A_171, %scan3A_172 : i32
    %scan3A_174 = arith.constant 1 : i32
    scf.for %scan3A_272 = %scan3A_171 to %scan3A_173 step %scan3A_174  : i32 {
      %mul3A_273 = arith.constant 3 : i32
      %mul3A_274 = arith.muli %mul3A_273, %scan3A_272 : i32
      %add3A_275 = arith.constant 0 : i32
      %add3A_276 = arith.addi %mul3A_274, %add3A_275 : i32
      %dma_wait3A_277 = arith.constant 0 : i32
      %dma_wait3A_278 = arith.constant 0 : i32
      %dma_wait3A_279 = tpu.memref_slice %arg2[%dma_wait3A_277, %dma_wait3A_278] : memref<10240x128xf32, #tpu.memory_space<hbm>> -> memref<80x128xf32, #tpu.memory_space<hbm>>
      %dma_wait3A_280 = arith.constant 0 : i32
      %dma_wait3A_281 = arith.constant 0 : i32
      %dma_wait3A_282 = tpu.memref_slice %arg2[%dma_wait3A_280, %dma_wait3A_281] : memref<10240x128xf32, #tpu.memory_space<hbm>> -> memref<80x128xf32, #tpu.memory_space<hbm>>
      tpu.wait_dma2 semaphore(%arg10 : memref<!tpu.dma_semaphore, #tpu.memory_space<semaphore_mem>>) src(%dma_wait3A_282 : memref<80x128xf32, #tpu.memory_space<hbm>>) dst(%arg6 : memref<80x128xf32, #tpu.memory_space<vmem>>)
      %jit3A = arith.constant 6 : i32
      %eq3A = arith.constant 0 : i32
      %eq3A_283 = arith.cmpi eq, %jit3A, %eq3A : i32
      %jit3A_284 = arith.constant 1 : i32
      %select_n3A = arith.select %eq3A_283, %jit3A_284, %jit3A : i32
      %rem3A = arith.remsi %add3A_276, %select_n3A : i32
      %ne3A = arith.constant 0 : i32
      %ne3A_285 = arith.cmpi ne, %rem3A, %ne3A : i32
      %lt3A = arith.constant 0 : i32
      %lt3A_286 = arith.cmpi slt, %rem3A, %lt3A : i32
      %lt3A_287 = arith.constant 0 : i32
      %lt3A_288 = arith.cmpi slt, %select_n3A, %lt3A_287 : i32
      %ne3A_289 = arith.xori %lt3A_286, %lt3A_288 : i1
      %and3A = arith.andi %ne3A_289, %ne3A_285 : i1
      %add3A_290 = arith.addi %rem3A, %select_n3A : i32
      %select_n3A_291 = arith.select %and3A, %add3A_290, %rem3A : i32
      %run_scoped3A_292 = arith.constant 1 : i32
      "tpu.region"() ({
        %run_scoped3A_578 = tpu.sem_alloc : memref<!tpu.dma_semaphore, #tpu.memory_space<semaphore_mem>>
        %dma_start3A_579 = arith.constant 0 : i32
        %dma_start3A_580 = tpu.memref_slice %arg5[%select_n3A_291, %run_scoped3A_292, %dma_start3A_579] : memref<6x2x80xi32, #tpu.memory_space<vmem>> -> memref<1x1x80xi32, #tpu.memory_space<vmem>>
        %dma_start3A_581 = tpu.memref_squeeze %dma_start3A_580 : memref<1x1x80xi32, #tpu.memory_space<vmem>> -> memref<80xi32, #tpu.memory_space<vmem>>
        %dma_start3A_582 = arith.constant 0 : i32
        %dma_start3A_583 = arith.constant 0 : i32
        %dma_start3A_584 = tpu.memref_slice %arg9[%dma_start3A_582, %dma_start3A_583] : memref<10240x128xf32, #tpu.memory_space<vmem_shared>> -> memref<10240x128xf32, #tpu.memory_space<vmem_shared>>
        tpu.enqueue_indirect_dma source(%arg6 : memref<80x128xf32, #tpu.memory_space<vmem>>) target(%dma_start3A_584 : memref<10240x128xf32, #tpu.memory_space<vmem_shared>>) offsets(%dma_start3A_581 : memref<80xi32, #tpu.memory_space<vmem>>) semaphore(%run_scoped3A_578 : memref<!tpu.dma_semaphore, #tpu.memory_space<semaphore_mem>>) {add = true}
        %dma_wait3A_585 = arith.constant 0 : i32
        %dma_wait3A_586 = tpu.memref_slice %arg5[%select_n3A_291, %run_scoped3A_292, %dma_wait3A_585] : memref<6x2x80xi32, #tpu.memory_space<vmem>> -> memref<1x1x80xi32, #tpu.memory_space<vmem>>
        %dma_wait3A_587 = tpu.memref_squeeze %dma_wait3A_586 : memref<1x1x80xi32, #tpu.memory_space<vmem>> -> memref<80xi32, #tpu.memory_space<vmem>>
        %dma_wait3A_588 = arith.constant 0 : i32
        %dma_wait3A_589 = arith.constant 0 : i32
        %dma_wait3A_590 = tpu.memref_slice %arg9[%dma_wait3A_588, %dma_wait3A_589] : memref<10240x128xf32, #tpu.memory_space<vmem_shared>> -> memref<10240x128xf32, #tpu.memory_space<vmem_shared>>
        tpu.wait_indirect_dma semaphore(%run_scoped3A_578 : memref<!tpu.dma_semaphore, #tpu.memory_space<semaphore_mem>>) src(%arg6 : memref<80x128xf32, #tpu.memory_space<vmem>>) dst(%dma_wait3A_590 : memref<10240x128xf32, #tpu.memory_space<vmem_shared>>)
        tpu.yield
      }) : () -> ()
      %dma_wait3A_293 = arith.constant 0 : i32
      %dma_wait3A_294 = arith.constant 0 : i32
      %dma_wait3A_295 = arith.constant 0 : i32
      %dma_wait3A_296 = arith.constant 0 : i32
      %dma_wait3A_297 = tpu.memref_slice %arg5[%dma_wait3A_294, %dma_wait3A_295, %dma_wait3A_296] : memref<6x2x80xi32, #tpu.memory_space<vmem>> -> memref<1x2x80xi32, #tpu.memory_space<vmem>>
      %dma_wait3A_298 = tpu.memref_squeeze %dma_wait3A_297 : memref<1x2x80xi32, #tpu.memory_space<vmem>> -> memref<2x80xi32, #tpu.memory_space<vmem>>
      %dma_wait3A_299 = arith.constant 0 : i32
      %dma_wait3A_300 = arith.constant 0 : i32
      %dma_wait3A_301 = tpu.memref_slice %arg3[%add3A, %dma_wait3A_293, %dma_wait3A_299, %dma_wait3A_300] : memref<32x125x2x80xi32, #tpu.memory_space<hbm>> -> memref<1x1x2x80xi32, #tpu.memory_space<hbm>>
      %dma_wait3A_302 = tpu.memref_squeeze %dma_wait3A_301 : memref<1x1x2x80xi32, #tpu.memory_space<hbm>> -> memref<2x80xi32, #tpu.memory_space<hbm>>
      %dma_wait3A_303 = arith.constant 0 : i32
      %dma_wait3A_304 = arith.constant 0 : i32
      %dma_wait3A_305 = tpu.memref_slice %arg5[%dma_wait3A_294, %dma_wait3A_303, %dma_wait3A_304] : memref<6x2x80xi32, #tpu.memory_space<vmem>> -> memref<1x2x80xi32, #tpu.memory_space<vmem>>
      %dma_wait3A_306 = tpu.memref_squeeze %dma_wait3A_305 : memref<1x2x80xi32, #tpu.memory_space<vmem>> -> memref<2x80xi32, #tpu.memory_space<vmem>>
      %dma_wait3A_307 = arith.constant 0 : i32
      %dma_wait3A_308 = arith.constant 0 : i32
      %dma_wait3A_309 = tpu.memref_slice %arg3[%add3A, %dma_wait3A_293, %dma_wait3A_307, %dma_wait3A_308] : memref<32x125x2x80xi32, #tpu.memory_space<hbm>> -> memref<1x1x2x80xi32, #tpu.memory_space<hbm>>
      %dma_wait3A_310 = tpu.memref_squeeze %dma_wait3A_309 : memref<1x1x2x80xi32, #tpu.memory_space<hbm>> -> memref<2x80xi32, #tpu.memory_space<hbm>>
      tpu.wait_dma2 semaphore(%arg13 : memref<!tpu.dma_semaphore, #tpu.memory_space<semaphore_mem>>) src(%dma_wait3A_310 : memref<2x80xi32, #tpu.memory_space<hbm>>) dst(%dma_wait3A_306 : memref<2x80xi32, #tpu.memory_space<vmem>>)
      %add3A_311 = arith.constant 3 : i32
      %add3A_312 = arith.addi %add3A_276, %add3A_311 : i32
      %jit3A_313 = arith.constant 6 : i32
      %eq3A_314 = arith.constant 0 : i32
      %eq3A_315 = arith.cmpi eq, %jit3A_313, %eq3A_314 : i32
      %jit3A_316 = arith.constant 1 : i32
      %select_n3A_317 = arith.select %eq3A_315, %jit3A_316, %jit3A_313 : i32
      %rem3A_318 = arith.remsi %add3A_312, %select_n3A_317 : i32
      %ne3A_319 = arith.constant 0 : i32
      %ne3A_320 = arith.cmpi ne, %rem3A_318, %ne3A_319 : i32
      %lt3A_321 = arith.constant 0 : i32
      %lt3A_322 = arith.cmpi slt, %rem3A_318, %lt3A_321 : i32
      %lt3A_323 = arith.constant 0 : i32
      %lt3A_324 = arith.cmpi slt, %select_n3A_317, %lt3A_323 : i32
      %ne3A_325 = arith.xori %lt3A_322, %lt3A_324 : i1
      %and3A_326 = arith.andi %ne3A_325, %ne3A_320 : i1
      %add3A_327 = arith.addi %rem3A_318, %select_n3A_317 : i32
      %select_n3A_328 = arith.select %and3A_326, %add3A_327, %rem3A_318 : i32
      %dma_start3A_329 = arith.constant 0 : i32
      %dma_start3A_330 = arith.constant 0 : i32
      %dma_start3A_331 = tpu.memref_slice %arg5[%select_n3A_328, %dma_start3A_329, %dma_start3A_330] : memref<6x2x80xi32, #tpu.memory_space<vmem>> -> memref<1x1x80xi32, #tpu.memory_space<vmem>>
      %dma_start3A_332 = tpu.memref_squeeze %dma_start3A_331 : memref<1x1x80xi32, #tpu.memory_space<vmem>> -> memref<80xi32, #tpu.memory_space<vmem>>
      %dma_start3A_333 = arith.constant 0 : i32
      %dma_start3A_334 = arith.constant 0 : i32
      %dma_start3A_335 = tpu.memref_slice %arg2[%dma_start3A_333, %dma_start3A_334] : memref<10240x128xf32, #tpu.memory_space<hbm>> -> memref<10240x128xf32, #tpu.memory_space<hbm>>
      tpu.enqueue_indirect_dma source(%dma_start3A_335 : memref<10240x128xf32, #tpu.memory_space<hbm>>) target(%arg6 : memref<80x128xf32, #tpu.memory_space<vmem>>) offsets(%dma_start3A_332 : memref<80xi32, #tpu.memory_space<vmem>>) semaphore(%arg10 : memref<!tpu.dma_semaphore, #tpu.memory_space<semaphore_mem>>)
      %add3A_336 = arith.constant 5 : i32
      %add3A_337 = arith.addi %add3A_276, %add3A_336 : i32
      %jit3A_338 = arith.constant 6 : i32
      %eq3A_339 = arith.constant 0 : i32
      %eq3A_340 = arith.cmpi eq, %jit3A_338, %eq3A_339 : i32
      %jit3A_341 = arith.constant 1 : i32
      %select_n3A_342 = arith.select %eq3A_340, %jit3A_341, %jit3A_338 : i32
      %rem3A_343 = arith.remsi %add3A_337, %select_n3A_342 : i32
      %ne3A_344 = arith.constant 0 : i32
      %ne3A_345 = arith.cmpi ne, %rem3A_343, %ne3A_344 : i32
      %lt3A_346 = arith.constant 0 : i32
      %lt3A_347 = arith.cmpi slt, %rem3A_343, %lt3A_346 : i32
      %lt3A_348 = arith.constant 0 : i32
      %lt3A_349 = arith.cmpi slt, %select_n3A_342, %lt3A_348 : i32
      %ne3A_350 = arith.xori %lt3A_347, %lt3A_349 : i1
      %and3A_351 = arith.andi %ne3A_350, %ne3A_345 : i1
      %add3A_352 = arith.addi %rem3A_343, %select_n3A_342 : i32
      %select_n3A_353 = arith.select %and3A_351, %add3A_352, %rem3A_343 : i32
      %dma_start3A_354 = arith.constant 0 : i32
      %dma_start3A_355 = arith.constant 0 : i32
      %dma_start3A_356 = tpu.memref_slice %arg5[%select_n3A_353, %dma_start3A_354, %dma_start3A_355] : memref<6x2x80xi32, #tpu.memory_space<vmem>> -> memref<1x2x80xi32, #tpu.memory_space<vmem>>
      %dma_start3A_357 = tpu.memref_squeeze %dma_start3A_356 : memref<1x2x80xi32, #tpu.memory_space<vmem>> -> memref<2x80xi32, #tpu.memory_space<vmem>>
      %dma_start3A_358 = arith.constant 0 : i32
      %dma_start3A_359 = arith.constant 0 : i32
      %dma_start3A_360 = tpu.memref_slice %arg3[%add3A, %add3A_337, %dma_start3A_358, %dma_start3A_359] : memref<32x125x2x80xi32, #tpu.memory_space<hbm>> -> memref<1x1x2x80xi32, #tpu.memory_space<hbm>>
      %dma_start3A_361 = tpu.memref_squeeze %dma_start3A_360 : memref<1x1x2x80xi32, #tpu.memory_space<hbm>> -> memref<2x80xi32, #tpu.memory_space<hbm>>
      %dma_start3A_362 = arith.constant 0 : i32
      %dma_start3A_363 = arith.constant 0 : i32
      %dma_start3A_364 = tpu.memref_slice %arg5[%select_n3A_353, %dma_start3A_362, %dma_start3A_363] : memref<6x2x80xi32, #tpu.memory_space<vmem>> -> memref<1x2x80xi32, #tpu.memory_space<vmem>>
      %dma_start3A_365 = tpu.memref_squeeze %dma_start3A_364 : memref<1x2x80xi32, #tpu.memory_space<vmem>> -> memref<2x80xi32, #tpu.memory_space<vmem>>
      %dma_start3A_366 = arith.constant 0 : i32
      %dma_start3A_367 = arith.constant 0 : i32
      %dma_start3A_368 = tpu.memref_slice %arg3[%add3A, %add3A_337, %dma_start3A_366, %dma_start3A_367] : memref<32x125x2x80xi32, #tpu.memory_space<hbm>> -> memref<1x1x2x80xi32, #tpu.memory_space<hbm>>
      %dma_start3A_369 = tpu.memref_squeeze %dma_start3A_368 : memref<1x1x2x80xi32, #tpu.memory_space<hbm>> -> memref<2x80xi32, #tpu.memory_space<hbm>>
      tpu.enqueue_dma source(%dma_start3A_369 : memref<2x80xi32, #tpu.memory_space<hbm>>) target(%dma_start3A_365 : memref<2x80xi32, #tpu.memory_space<vmem>>) target_semaphore(%arg15 : memref<!tpu.dma_semaphore, #tpu.memory_space<semaphore_mem>>)
      %mul3A_370 = arith.constant 3 : i32
      %mul3A_371 = arith.muli %mul3A_370, %scan3A_272 : i32
      %add3A_372 = arith.constant 1 : i32
      %add3A_373 = arith.addi %mul3A_371, %add3A_372 : i32
      %dma_wait3A_374 = arith.constant 0 : i32
      %dma_wait3A_375 = arith.constant 0 : i32
      %dma_wait3A_376 = tpu.memref_slice %arg2[%dma_wait3A_374, %dma_wait3A_375] : memref<10240x128xf32, #tpu.memory_space<hbm>> -> memref<80x128xf32, #tpu.memory_space<hbm>>
      %dma_wait3A_377 = arith.constant 0 : i32
      %dma_wait3A_378 = arith.constant 0 : i32
      %dma_wait3A_379 = tpu.memref_slice %arg2[%dma_wait3A_377, %dma_wait3A_378] : memref<10240x128xf32, #tpu.memory_space<hbm>> -> memref<80x128xf32, #tpu.memory_space<hbm>>
      tpu.wait_dma2 semaphore(%arg11 : memref<!tpu.dma_semaphore, #tpu.memory_space<semaphore_mem>>) src(%dma_wait3A_379 : memref<80x128xf32, #tpu.memory_space<hbm>>) dst(%arg7 : memref<80x128xf32, #tpu.memory_space<vmem>>)
      %jit3A_380 = arith.constant 6 : i32
      %eq3A_381 = arith.constant 0 : i32
      %eq3A_382 = arith.cmpi eq, %jit3A_380, %eq3A_381 : i32
      %jit3A_383 = arith.constant 1 : i32
      %select_n3A_384 = arith.select %eq3A_382, %jit3A_383, %jit3A_380 : i32
      %rem3A_385 = arith.remsi %add3A_373, %select_n3A_384 : i32
      %ne3A_386 = arith.constant 0 : i32
      %ne3A_387 = arith.cmpi ne, %rem3A_385, %ne3A_386 : i32
      %lt3A_388 = arith.constant 0 : i32
      %lt3A_389 = arith.cmpi slt, %rem3A_385, %lt3A_388 : i32
      %lt3A_390 = arith.constant 0 : i32
      %lt3A_391 = arith.cmpi slt, %select_n3A_384, %lt3A_390 : i32
      %ne3A_392 = arith.xori %lt3A_389, %lt3A_391 : i1
      %and3A_393 = arith.andi %ne3A_392, %ne3A_387 : i1
      %add3A_394 = arith.addi %rem3A_385, %select_n3A_384 : i32
      %select_n3A_395 = arith.select %and3A_393, %add3A_394, %rem3A_385 : i32
      %run_scoped3A_396 = arith.constant 1 : i32
      "tpu.region"() ({
        %run_scoped3A_578 = tpu.sem_alloc : memref<!tpu.dma_semaphore, #tpu.memory_space<semaphore_mem>>
        %dma_start3A_579 = arith.constant 0 : i32
        %dma_start3A_580 = tpu.memref_slice %arg5[%select_n3A_395, %run_scoped3A_396, %dma_start3A_579] : memref<6x2x80xi32, #tpu.memory_space<vmem>> -> memref<1x1x80xi32, #tpu.memory_space<vmem>>
        %dma_start3A_581 = tpu.memref_squeeze %dma_start3A_580 : memref<1x1x80xi32, #tpu.memory_space<vmem>> -> memref<80xi32, #tpu.memory_space<vmem>>
        %dma_start3A_582 = arith.constant 0 : i32
        %dma_start3A_583 = arith.constant 0 : i32
        %dma_start3A_584 = tpu.memref_slice %arg9[%dma_start3A_582, %dma_start3A_583] : memref<10240x128xf32, #tpu.memory_space<vmem_shared>> -> memref<10240x128xf32, #tpu.memory_space<vmem_shared>>
        tpu.enqueue_indirect_dma source(%arg7 : memref<80x128xf32, #tpu.memory_space<vmem>>) target(%dma_start3A_584 : memref<10240x128xf32, #tpu.memory_space<vmem_shared>>) offsets(%dma_start3A_581 : memref<80xi32, #tpu.memory_space<vmem>>) semaphore(%run_scoped3A_578 : memref<!tpu.dma_semaphore, #tpu.memory_space<semaphore_mem>>) {add = true}
        %dma_wait3A_585 = arith.constant 0 : i32
        %dma_wait3A_586 = tpu.memref_slice %arg5[%select_n3A_395, %run_scoped3A_396, %dma_wait3A_585] : memref<6x2x80xi32, #tpu.memory_space<vmem>> -> memref<1x1x80xi32, #tpu.memory_space<vmem>>
        %dma_wait3A_587 = tpu.memref_squeeze %dma_wait3A_586 : memref<1x1x80xi32, #tpu.memory_space<vmem>> -> memref<80xi32, #tpu.memory_space<vmem>>
        %dma_wait3A_588 = arith.constant 0 : i32
        %dma_wait3A_589 = arith.constant 0 : i32
        %dma_wait3A_590 = tpu.memref_slice %arg9[%dma_wait3A_588, %dma_wait3A_589] : memref<10240x128xf32, #tpu.memory_space<vmem_shared>> -> memref<10240x128xf32, #tpu.memory_space<vmem_shared>>
        tpu.wait_indirect_dma semaphore(%run_scoped3A_578 : memref<!tpu.dma_semaphore, #tpu.memory_space<semaphore_mem>>) src(%arg7 : memref<80x128xf32, #tpu.memory_space<vmem>>) dst(%dma_wait3A_590 : memref<10240x128xf32, #tpu.memory_space<vmem_shared>>)
        tpu.yield
      }) : () -> ()
      %dma_wait3A_397 = arith.constant 0 : i32
      %dma_wait3A_398 = arith.constant 0 : i32
      %dma_wait3A_399 = arith.constant 0 : i32
      %dma_wait3A_400 = arith.constant 0 : i32
      %dma_wait3A_401 = tpu.memref_slice %arg5[%dma_wait3A_398, %dma_wait3A_399, %dma_wait3A_400] : memref<6x2x80xi32, #tpu.memory_space<vmem>> -> memref<1x2x80xi32, #tpu.memory_space<vmem>>
      %dma_wait3A_402 = tpu.memref_squeeze %dma_wait3A_401 : memref<1x2x80xi32, #tpu.memory_space<vmem>> -> memref<2x80xi32, #tpu.memory_space<vmem>>
      %dma_wait3A_403 = arith.constant 0 : i32
      %dma_wait3A_404 = arith.constant 0 : i32
      %dma_wait3A_405 = tpu.memref_slice %arg3[%add3A, %dma_wait3A_397, %dma_wait3A_403, %dma_wait3A_404] : memref<32x125x2x80xi32, #tpu.memory_space<hbm>> -> memref<1x1x2x80xi32, #tpu.memory_space<hbm>>
      %dma_wait3A_406 = tpu.memref_squeeze %dma_wait3A_405 : memref<1x1x2x80xi32, #tpu.memory_space<hbm>> -> memref<2x80xi32, #tpu.memory_space<hbm>>
      %dma_wait3A_407 = arith.constant 0 : i32
      %dma_wait3A_408 = arith.constant 0 : i32
      %dma_wait3A_409 = tpu.memref_slice %arg5[%dma_wait3A_398, %dma_wait3A_407, %dma_wait3A_408] : memref<6x2x80xi32, #tpu.memory_space<vmem>> -> memref<1x2x80xi32, #tpu.memory_space<vmem>>
      %dma_wait3A_410 = tpu.memref_squeeze %dma_wait3A_409 : memref<1x2x80xi32, #tpu.memory_space<vmem>> -> memref<2x80xi32, #tpu.memory_space<vmem>>
      %dma_wait3A_411 = arith.constant 0 : i32
      %dma_wait3A_412 = arith.constant 0 : i32
      %dma_wait3A_413 = tpu.memref_slice %arg3[%add3A, %dma_wait3A_397, %dma_wait3A_411, %dma_wait3A_412] : memref<32x125x2x80xi32, #tpu.memory_space<hbm>> -> memref<1x1x2x80xi32, #tpu.memory_space<hbm>>
      %dma_wait3A_414 = tpu.memref_squeeze %dma_wait3A_413 : memref<1x1x2x80xi32, #tpu.memory_space<hbm>> -> memref<2x80xi32, #tpu.memory_space<hbm>>
      tpu.wait_dma2 semaphore(%arg14 : memref<!tpu.dma_semaphore, #tpu.memory_space<semaphore_mem>>) src(%dma_wait3A_414 : memref<2x80xi32, #tpu.memory_space<hbm>>) dst(%dma_wait3A_410 : memref<2x80xi32, #tpu.memory_space<vmem>>)
      %add3A_415 = arith.constant 3 : i32
      %add3A_416 = arith.addi %add3A_373, %add3A_415 : i32
      %jit3A_417 = arith.constant 6 : i32
      %eq3A_418 = arith.constant 0 : i32
      %eq3A_419 = arith.cmpi eq, %jit3A_417, %eq3A_418 : i32
      %jit3A_420 = arith.constant 1 : i32
      %select_n3A_421 = arith.select %eq3A_419, %jit3A_420, %jit3A_417 : i32
      %rem3A_422 = arith.remsi %add3A_416, %select_n3A_421 : i32
      %ne3A_423 = arith.constant 0 : i32
      %ne3A_424 = arith.cmpi ne, %rem3A_422, %ne3A_423 : i32
      %lt3A_425 = arith.constant 0 : i32
      %lt3A_426 = arith.cmpi slt, %rem3A_422, %lt3A_425 : i32
      %lt3A_427 = arith.constant 0 : i32
      %lt3A_428 = arith.cmpi slt, %select_n3A_421, %lt3A_427 : i32
      %ne3A_429 = arith.xori %lt3A_426, %lt3A_428 : i1
      %and3A_430 = arith.andi %ne3A_429, %ne3A_424 : i1
      %add3A_431 = arith.addi %rem3A_422, %select_n3A_421 : i32
      %select_n3A_432 = arith.select %and3A_430, %add3A_431, %rem3A_422 : i32
      %dma_start3A_433 = arith.constant 0 : i32
      %dma_start3A_434 = arith.constant 0 : i32
      %dma_start3A_435 = tpu.memref_slice %arg5[%select_n3A_432, %dma_start3A_433, %dma_start3A_434] : memref<6x2x80xi32, #tpu.memory_space<vmem>> -> memref<1x1x80xi32, #tpu.memory_space<vmem>>
      %dma_start3A_436 = tpu.memref_squeeze %dma_start3A_435 : memref<1x1x80xi32, #tpu.memory_space<vmem>> -> memref<80xi32, #tpu.memory_space<vmem>>
      %dma_start3A_437 = arith.constant 0 : i32
      %dma_start3A_438 = arith.constant 0 : i32
      %dma_start3A_439 = tpu.memref_slice %arg2[%dma_start3A_437, %dma_start3A_438] : memref<10240x128xf32, #tpu.memory_space<hbm>> -> memref<10240x128xf32, #tpu.memory_space<hbm>>
      tpu.enqueue_indirect_dma source(%dma_start3A_439 : memref<10240x128xf32, #tpu.memory_space<hbm>>) target(%arg7 : memref<80x128xf32, #tpu.memory_space<vmem>>) offsets(%dma_start3A_436 : memref<80xi32, #tpu.memory_space<vmem>>) semaphore(%arg11 : memref<!tpu.dma_semaphore, #tpu.memory_space<semaphore_mem>>)
      %add3A_440 = arith.constant 5 : i32
      %add3A_441 = arith.addi %add3A_373, %add3A_440 : i32
      %jit3A_442 = arith.constant 6 : i32
      %eq3A_443 = arith.constant 0 : i32
      %eq3A_444 = arith.cmpi eq, %jit3A_442, %eq3A_443 : i32
      %jit3A_445 = arith.constant 1 : i32
      %select_n3A_446 = arith.select %eq3A_444, %jit3A_445, %jit3A_442 : i32
      %rem3A_447 = arith.remsi %add3A_441, %select_n3A_446 : i32
      %ne3A_448 = arith.constant 0 : i32
      %ne3A_449 = arith.cmpi ne, %rem3A_447, %ne3A_448 : i32
      %lt3A_450 = arith.constant 0 : i32
      %lt3A_451 = arith.cmpi slt, %rem3A_447, %lt3A_450 : i32
      %lt3A_452 = arith.constant 0 : i32
      %lt3A_453 = arith.cmpi slt, %select_n3A_446, %lt3A_452 : i32
      %ne3A_454 = arith.xori %lt3A_451, %lt3A_453 : i1
      %and3A_455 = arith.andi %ne3A_454, %ne3A_449 : i1
      %add3A_456 = arith.addi %rem3A_447, %select_n3A_446 : i32
      %select_n3A_457 = arith.select %and3A_455, %add3A_456, %rem3A_447 : i32
      %dma_start3A_458 = arith.constant 0 : i32
      %dma_start3A_459 = arith.constant 0 : i32
      %dma_start3A_460 = tpu.memref_slice %arg5[%select_n3A_457, %dma_start3A_458, %dma_start3A_459] : memref<6x2x80xi32, #tpu.memory_space<vmem>> -> memref<1x2x80xi32, #tpu.memory_space<vmem>>
      %dma_start3A_461 = tpu.memref_squeeze %dma_start3A_460 : memref<1x2x80xi32, #tpu.memory_space<vmem>> -> memref<2x80xi32, #tpu.memory_space<vmem>>
      %dma_start3A_462 = arith.constant 0 : i32
      %dma_start3A_463 = arith.constant 0 : i32
      %dma_start3A_464 = tpu.memref_slice %arg3[%add3A, %add3A_441, %dma_start3A_462, %dma_start3A_463] : memref<32x125x2x80xi32, #tpu.memory_space<hbm>> -> memref<1x1x2x80xi32, #tpu.memory_space<hbm>>
      %dma_start3A_465 = tpu.memref_squeeze %dma_start3A_464 : memref<1x1x2x80xi32, #tpu.memory_space<hbm>> -> memref<2x80xi32, #tpu.memory_space<hbm>>
      %dma_start3A_466 = arith.constant 0 : i32
      %dma_start3A_467 = arith.constant 0 : i32
      %dma_start3A_468 = tpu.memref_slice %arg5[%select_n3A_457, %dma_start3A_466, %dma_start3A_467] : memref<6x2x80xi32, #tpu.memory_space<vmem>> -> memref<1x2x80xi32, #tpu.memory_space<vmem>>
      %dma_start3A_469 = tpu.memref_squeeze %dma_start3A_468 : memref<1x2x80xi32, #tpu.memory_space<vmem>> -> memref<2x80xi32, #tpu.memory_space<vmem>>
      %dma_start3A_470 = arith.constant 0 : i32
      %dma_start3A_471 = arith.constant 0 : i32
      %dma_start3A_472 = tpu.memref_slice %arg3[%add3A, %add3A_441, %dma_start3A_470, %dma_start3A_471] : memref<32x125x2x80xi32, #tpu.memory_space<hbm>> -> memref<1x1x2x80xi32, #tpu.memory_space<hbm>>
      %dma_start3A_473 = tpu.memref_squeeze %dma_start3A_472 : memref<1x1x2x80xi32, #tpu.memory_space<hbm>> -> memref<2x80xi32, #tpu.memory_space<hbm>>
      tpu.enqueue_dma source(%dma_start3A_473 : memref<2x80xi32, #tpu.memory_space<hbm>>) target(%dma_start3A_469 : memref<2x80xi32, #tpu.memory_space<vmem>>) target_semaphore(%arg13 : memref<!tpu.dma_semaphore, #tpu.memory_space<semaphore_mem>>)
      %mul3A_474 = arith.constant 3 : i32
      %mul3A_475 = arith.muli %mul3A_474, %scan3A_272 : i32
      %add3A_476 = arith.constant 2 : i32
      %add3A_477 = arith.addi %mul3A_475, %add3A_476 : i32
      %dma_wait3A_478 = arith.constant 0 : i32
      %dma_wait3A_479 = arith.constant 0 : i32
      %dma_wait3A_480 = tpu.memref_slice %arg2[%dma_wait3A_478, %dma_wait3A_479] : memref<10240x128xf32, #tpu.memory_space<hbm>> -> memref<80x128xf32, #tpu.memory_space<hbm>>
      %dma_wait3A_481 = arith.constant 0 : i32
      %dma_wait3A_482 = arith.constant 0 : i32
      %dma_wait3A_483 = tpu.memref_slice %arg2[%dma_wait3A_481, %dma_wait3A_482] : memref<10240x128xf32, #tpu.memory_space<hbm>> -> memref<80x128xf32, #tpu.memory_space<hbm>>
      tpu.wait_dma2 semaphore(%arg12 : memref<!tpu.dma_semaphore, #tpu.memory_space<semaphore_mem>>) src(%dma_wait3A_483 : memref<80x128xf32, #tpu.memory_space<hbm>>) dst(%arg8 : memref<80x128xf32, #tpu.memory_space<vmem>>)
      %jit3A_484 = arith.constant 6 : i32
      %eq3A_485 = arith.constant 0 : i32
      %eq3A_486 = arith.cmpi eq, %jit3A_484, %eq3A_485 : i32
      %jit3A_487 = arith.constant 1 : i32
      %select_n3A_488 = arith.select %eq3A_486, %jit3A_487, %jit3A_484 : i32
      %rem3A_489 = arith.remsi %add3A_477, %select_n3A_488 : i32
      %ne3A_490 = arith.constant 0 : i32
      %ne3A_491 = arith.cmpi ne, %rem3A_489, %ne3A_490 : i32
      %lt3A_492 = arith.constant 0 : i32
      %lt3A_493 = arith.cmpi slt, %rem3A_489, %lt3A_492 : i32
      %lt3A_494 = arith.constant 0 : i32
      %lt3A_495 = arith.cmpi slt, %select_n3A_488, %lt3A_494 : i32
      %ne3A_496 = arith.xori %lt3A_493, %lt3A_495 : i1
      %and3A_497 = arith.andi %ne3A_496, %ne3A_491 : i1
      %add3A_498 = arith.addi %rem3A_489, %select_n3A_488 : i32
      %select_n3A_499 = arith.select %and3A_497, %add3A_498, %rem3A_489 : i32
      %run_scoped3A_500 = arith.constant 1 : i32
      "tpu.region"() ({
        %run_scoped3A_578 = tpu.sem_alloc : memref<!tpu.dma_semaphore, #tpu.memory_space<semaphore_mem>>
        %dma_start3A_579 = arith.constant 0 : i32
        %dma_start3A_580 = tpu.memref_slice %arg5[%select_n3A_499, %run_scoped3A_500, %dma_start3A_579] : memref<6x2x80xi32, #tpu.memory_space<vmem>> -> memref<1x1x80xi32, #tpu.memory_space<vmem>>
        %dma_start3A_581 = tpu.memref_squeeze %dma_start3A_580 : memref<1x1x80xi32, #tpu.memory_space<vmem>> -> memref<80xi32, #tpu.memory_space<vmem>>
        %dma_start3A_582 = arith.constant 0 : i32
        %dma_start3A_583 = arith.constant 0 : i32
        %dma_start3A_584 = tpu.memref_slice %arg9[%dma_start3A_582, %dma_start3A_583] : memref<10240x128xf32, #tpu.memory_space<vmem_shared>> -> memref<10240x128xf32, #tpu.memory_space<vmem_shared>>
        tpu.enqueue_indirect_dma source(%arg8 : memref<80x128xf32, #tpu.memory_space<vmem>>) target(%dma_start3A_584 : memref<10240x128xf32, #tpu.memory_space<vmem_shared>>) offsets(%dma_start3A_581 : memref<80xi32, #tpu.memory_space<vmem>>) semaphore(%run_scoped3A_578 : memref<!tpu.dma_semaphore, #tpu.memory_space<semaphore_mem>>) {add = true}
        %dma_wait3A_585 = arith.constant 0 : i32
        %dma_wait3A_586 = tpu.memref_slice %arg5[%select_n3A_499, %run_scoped3A_500, %dma_wait3A_585] : memref<6x2x80xi32, #tpu.memory_space<vmem>> -> memref<1x1x80xi32, #tpu.memory_space<vmem>>
        %dma_wait3A_587 = tpu.memref_squeeze %dma_wait3A_586 : memref<1x1x80xi32, #tpu.memory_space<vmem>> -> memref<80xi32, #tpu.memory_space<vmem>>
        %dma_wait3A_588 = arith.constant 0 : i32
        %dma_wait3A_589 = arith.constant 0 : i32
        %dma_wait3A_590 = tpu.memref_slice %arg9[%dma_wait3A_588, %dma_wait3A_589] : memref<10240x128xf32, #tpu.memory_space<vmem_shared>> -> memref<10240x128xf32, #tpu.memory_space<vmem_shared>>
        tpu.wait_indirect_dma semaphore(%run_scoped3A_578 : memref<!tpu.dma_semaphore, #tpu.memory_space<semaphore_mem>>) src(%arg8 : memref<80x128xf32, #tpu.memory_space<vmem>>) dst(%dma_wait3A_590 : memref<10240x128xf32, #tpu.memory_space<vmem_shared>>)
        tpu.yield
      }) : () -> ()
      %dma_wait3A_501 = arith.constant 0 : i32
      %dma_wait3A_502 = arith.constant 0 : i32
      %dma_wait3A_503 = arith.constant 0 : i32
      %dma_wait3A_504 = arith.constant 0 : i32
      %dma_wait3A_505 = tpu.memref_slice %arg5[%dma_wait3A_502, %dma_wait3A_503, %dma_wait3A_504] : memref<6x2x80xi32, #tpu.memory_space<vmem>> -> memref<1x2x80xi32, #tpu.memory_space<vmem>>
      %dma_wait3A_506 = tpu.memref_squeeze %dma_wait3A_505 : memref<1x2x80xi32, #tpu.memory_space<vmem>> -> memref<2x80xi32, #tpu.memory_space<vmem>>
      %dma_wait3A_507 = arith.constant 0 : i32
      %dma_wait3A_508 = arith.constant 0 : i32
      %dma_wait3A_509 = tpu.memref_slice %arg3[%add3A, %dma_wait3A_501, %dma_wait3A_507, %dma_wait3A_508] : memref<32x125x2x80xi32, #tpu.memory_space<hbm>> -> memref<1x1x2x80xi32, #tpu.memory_space<hbm>>
      %dma_wait3A_510 = tpu.memref_squeeze %dma_wait3A_509 : memref<1x1x2x80xi32, #tpu.memory_space<hbm>> -> memref<2x80xi32, #tpu.memory_space<hbm>>
      %dma_wait3A_511 = arith.constant 0 : i32
      %dma_wait3A_512 = arith.constant 0 : i32
      %dma_wait3A_513 = tpu.memref_slice %arg5[%dma_wait3A_502, %dma_wait3A_511, %dma_wait3A_512] : memref<6x2x80xi32, #tpu.memory_space<vmem>> -> memref<1x2x80xi32, #tpu.memory_space<vmem>>
      %dma_wait3A_514 = tpu.memref_squeeze %dma_wait3A_513 : memref<1x2x80xi32, #tpu.memory_space<vmem>> -> memref<2x80xi32, #tpu.memory_space<vmem>>
      %dma_wait3A_515 = arith.constant 0 : i32
      %dma_wait3A_516 = arith.constant 0 : i32
      %dma_wait3A_517 = tpu.memref_slice %arg3[%add3A, %dma_wait3A_501, %dma_wait3A_515, %dma_wait3A_516] : memref<32x125x2x80xi32, #tpu.memory_space<hbm>> -> memref<1x1x2x80xi32, #tpu.memory_space<hbm>>
      %dma_wait3A_518 = tpu.memref_squeeze %dma_wait3A_517 : memref<1x1x2x80xi32, #tpu.memory_space<hbm>> -> memref<2x80xi32, #tpu.memory_space<hbm>>
      tpu.wait_dma2 semaphore(%arg15 : memref<!tpu.dma_semaphore, #tpu.memory_space<semaphore_mem>>) src(%dma_wait3A_518 : memref<2x80xi32, #tpu.memory_space<hbm>>) dst(%dma_wait3A_514 : memref<2x80xi32, #tpu.memory_space<vmem>>)
      %add3A_519 = arith.constant 3 : i32
      %add3A_520 = arith.addi %add3A_477, %add3A_519 : i32
      %jit3A_521 = arith.constant 6 : i32
      %eq3A_522 = arith.constant 0 : i32
      %eq3A_523 = arith.cmpi eq, %jit3A_521, %eq3A_522 : i32
      %jit3A_524 = arith.constant 1 : i32
      %select_n3A_525 = arith.select %eq3A_523, %jit3A_524, %jit3A_521 : i32
      %rem3A_526 = arith.remsi %add3A_520, %select_n3A_525 : i32
      %ne3A_527 = arith.constant 0 : i32
      %ne3A_528 = arith.cmpi ne, %rem3A_526, %ne3A_527 : i32
      %lt3A_529 = arith.constant 0 : i32
      %lt3A_530 = arith.cmpi slt, %rem3A_526, %lt3A_529 : i32
      %lt3A_531 = arith.constant 0 : i32
      %lt3A_532 = arith.cmpi slt, %select_n3A_525, %lt3A_531 : i32
      %ne3A_533 = arith.xori %lt3A_530, %lt3A_532 : i1
      %and3A_534 = arith.andi %ne3A_533, %ne3A_528 : i1
      %add3A_535 = arith.addi %rem3A_526, %select_n3A_525 : i32
      %select_n3A_536 = arith.select %and3A_534, %add3A_535, %rem3A_526 : i32
      %dma_start3A_537 = arith.constant 0 : i32
      %dma_start3A_538 = arith.constant 0 : i32
      %dma_start3A_539 = tpu.memref_slice %arg5[%select_n3A_536, %dma_start3A_537, %dma_start3A_538] : memref<6x2x80xi32, #tpu.memory_space<vmem>> -> memref<1x1x80xi32, #tpu.memory_space<vmem>>
      %dma_start3A_540 = tpu.memref_squeeze %dma_start3A_539 : memref<1x1x80xi32, #tpu.memory_space<vmem>> -> memref<80xi32, #tpu.memory_space<vmem>>
      %dma_start3A_541 = arith.constant 0 : i32
      %dma_start3A_542 = arith.constant 0 : i32
      %dma_start3A_543 = tpu.memref_slice %arg2[%dma_start3A_541, %dma_start3A_542] : memref<10240x128xf32, #tpu.memory_space<hbm>> -> memref<10240x128xf32, #tpu.memory_space<hbm>>
      tpu.enqueue_indirect_dma source(%dma_start3A_543 : memref<10240x128xf32, #tpu.memory_space<hbm>>) target(%arg8 : memref<80x128xf32, #tpu.memory_space<vmem>>) offsets(%dma_start3A_540 : memref<80xi32, #tpu.memory_space<vmem>>) semaphore(%arg12 : memref<!tpu.dma_semaphore, #tpu.memory_space<semaphore_mem>>)
      %add3A_544 = arith.constant 5 : i32
      %add3A_545 = arith.addi %add3A_477, %add3A_544 : i32
      %jit3A_546 = arith.constant 6 : i32
      %eq3A_547 = arith.constant 0 : i32
      %eq3A_548 = arith.cmpi eq, %jit3A_546, %eq3A_547 : i32
      %jit3A_549 = arith.constant 1 : i32
      %select_n3A_550 = arith.select %eq3A_548, %jit3A_549, %jit3A_546 : i32
      %rem3A_551 = arith.remsi %add3A_545, %select_n3A_550 : i32
      %ne3A_552 = arith.constant 0 : i32
      %ne3A_553 = arith.cmpi ne, %rem3A_551, %ne3A_552 : i32
      %lt3A_554 = arith.constant 0 : i32
      %lt3A_555 = arith.cmpi slt, %rem3A_551, %lt3A_554 : i32
      %lt3A_556 = arith.constant 0 : i32
      %lt3A_557 = arith.cmpi slt, %select_n3A_550, %lt3A_556 : i32
      %ne3A_558 = arith.xori %lt3A_555, %lt3A_557 : i1
      %and3A_559 = arith.andi %ne3A_558, %ne3A_553 : i1
      %add3A_560 = arith.addi %rem3A_551, %select_n3A_550 : i32
      %select_n3A_561 = arith.select %and3A_559, %add3A_560, %rem3A_551 : i32
      %dma_start3A_562 = arith.constant 0 : i32
      %dma_start3A_563 = arith.constant 0 : i32
      %dma_start3A_564 = tpu.memref_slice %arg5[%select_n3A_561, %dma_start3A_562, %dma_start3A_563] : memref<6x2x80xi32, #tpu.memory_space<vmem>> -> memref<1x2x80xi32, #tpu.memory_space<vmem>>
      %dma_start3A_565 = tpu.memref_squeeze %dma_start3A_564 : memref<1x2x80xi32, #tpu.memory_space<vmem>> -> memref<2x80xi32, #tpu.memory_space<vmem>>
      %dma_start3A_566 = arith.constant 0 : i32
      %dma_start3A_567 = arith.constant 0 : i32
      %dma_start3A_568 = tpu.memref_slice %arg3[%add3A, %add3A_545, %dma_start3A_566, %dma_start3A_567] : memref<32x125x2x80xi32, #tpu.memory_space<hbm>> -> memref<1x1x2x80xi32, #tpu.memory_space<hbm>>
      %dma_start3A_569 = tpu.memref_squeeze %dma_start3A_568 : memref<1x1x2x80xi32, #tpu.memory_space<hbm>> -> memref<2x80xi32, #tpu.memory_space<hbm>>
      %dma_start3A_570 = arith.constant 0 : i32
      %dma_start3A_571 = arith.constant 0 : i32
      %dma_start3A_572 = tpu.memref_slice %arg5[%select_n3A_561, %dma_start3A_570, %dma_start3A_571] : memref<6x2x80xi32, #tpu.memory_space<vmem>> -> memref<1x2x80xi32, #tpu.memory_space<vmem>>
      %dma_start3A_573 = tpu.memref_squeeze %dma_start3A_572 : memref<1x2x80xi32, #tpu.memory_space<vmem>> -> memref<2x80xi32, #tpu.memory_space<vmem>>
      %dma_start3A_574 = arith.constant 0 : i32
      %dma_start3A_575 = arith.constant 0 : i32
      %dma_start3A_576 = tpu.memref_slice %arg3[%add3A, %add3A_545, %dma_start3A_574, %dma_start3A_575] : memref<32x125x2x80xi32, #tpu.memory_space<hbm>> -> memref<1x1x2x80xi32, #tpu.memory_space<hbm>>
      %dma_start3A_577 = tpu.memref_squeeze %dma_start3A_576 : memref<1x1x2x80xi32, #tpu.memory_space<hbm>> -> memref<2x80xi32, #tpu.memory_space<hbm>>
      tpu.enqueue_dma source(%dma_start3A_577 : memref<2x80xi32, #tpu.memory_space<hbm>>) target(%dma_start3A_573 : memref<2x80xi32, #tpu.memory_space<vmem>>) target_semaphore(%arg14 : memref<!tpu.dma_semaphore, #tpu.memory_space<semaphore_mem>>)
    }
    %scan3A_175 = arith.constant 40 : i32
    %dma_wait3A_176 = arith.constant 0 : i32
    %dma_wait3A_177 = arith.constant 0 : i32
    %dma_wait3A_178 = tpu.memref_slice %arg2[%dma_wait3A_176, %dma_wait3A_177] : memref<10240x128xf32, #tpu.memory_space<hbm>> -> memref<80x128xf32, #tpu.memory_space<hbm>>
    %dma_wait3A_179 = arith.constant 0 : i32
    %dma_wait3A_180 = arith.constant 0 : i32
    %dma_wait3A_181 = tpu.memref_slice %arg2[%dma_wait3A_179, %dma_wait3A_180] : memref<10240x128xf32, #tpu.memory_space<hbm>> -> memref<80x128xf32, #tpu.memory_space<hbm>>
    tpu.wait_dma2 semaphore(%arg10 : memref<!tpu.dma_semaphore, #tpu.memory_space<semaphore_mem>>) src(%dma_wait3A_181 : memref<80x128xf32, #tpu.memory_space<hbm>>) dst(%arg6 : memref<80x128xf32, #tpu.memory_space<vmem>>)
    %run_scoped3A = arith.constant 0 : i32
    %run_scoped3A_182 = arith.constant 1 : i32
    "tpu.region"() ({
      %run_scoped3A_272 = tpu.sem_alloc : memref<!tpu.dma_semaphore, #tpu.memory_space<semaphore_mem>>
      %dma_start3A_273 = arith.constant 0 : i32
      %dma_start3A_274 = tpu.memref_slice %arg5[%run_scoped3A, %run_scoped3A_182, %dma_start3A_273] : memref<6x2x80xi32, #tpu.memory_space<vmem>> -> memref<1x1x80xi32, #tpu.memory_space<vmem>>
      %dma_start3A_275 = tpu.memref_squeeze %dma_start3A_274 : memref<1x1x80xi32, #tpu.memory_space<vmem>> -> memref<80xi32, #tpu.memory_space<vmem>>
      %dma_start3A_276 = arith.constant 0 : i32
      %dma_start3A_277 = arith.constant 0 : i32
      %dma_start3A_278 = tpu.memref_slice %arg9[%dma_start3A_276, %dma_start3A_277] : memref<10240x128xf32, #tpu.memory_space<vmem_shared>> -> memref<10240x128xf32, #tpu.memory_space<vmem_shared>>
      tpu.enqueue_indirect_dma source(%arg6 : memref<80x128xf32, #tpu.memory_space<vmem>>) target(%dma_start3A_278 : memref<10240x128xf32, #tpu.memory_space<vmem_shared>>) offsets(%dma_start3A_275 : memref<80xi32, #tpu.memory_space<vmem>>) semaphore(%run_scoped3A_272 : memref<!tpu.dma_semaphore, #tpu.memory_space<semaphore_mem>>) {add = true}
      %dma_wait3A_279 = arith.constant 0 : i32
      %dma_wait3A_280 = tpu.memref_slice %arg5[%run_scoped3A, %run_scoped3A_182, %dma_wait3A_279] : memref<6x2x80xi32, #tpu.memory_space<vmem>> -> memref<1x1x80xi32, #tpu.memory_space<vmem>>
      %dma_wait3A_281 = tpu.memref_squeeze %dma_wait3A_280 : memref<1x1x80xi32, #tpu.memory_space<vmem>> -> memref<80xi32, #tpu.memory_space<vmem>>
      %dma_wait3A_282 = arith.constant 0 : i32
      %dma_wait3A_283 = arith.constant 0 : i32
      %dma_wait3A_284 = tpu.memref_slice %arg9[%dma_wait3A_282, %dma_wait3A_283] : memref<10240x128xf32, #tpu.memory_space<vmem_shared>> -> memref<10240x128xf32, #tpu.memory_space<vmem_shared>>
      tpu.wait_indirect_dma semaphore(%run_scoped3A_272 : memref<!tpu.dma_semaphore, #tpu.memory_space<semaphore_mem>>) src(%arg6 : memref<80x128xf32, #tpu.memory_space<vmem>>) dst(%dma_wait3A_284 : memref<10240x128xf32, #tpu.memory_space<vmem_shared>>)
      tpu.yield
    }) : () -> ()
    %dma_wait3A_183 = arith.constant 0 : i32
    %dma_wait3A_184 = arith.constant 0 : i32
    %dma_wait3A_185 = arith.constant 0 : i32
    %dma_wait3A_186 = arith.constant 0 : i32
    %dma_wait3A_187 = tpu.memref_slice %arg5[%dma_wait3A_184, %dma_wait3A_185, %dma_wait3A_186] : memref<6x2x80xi32, #tpu.memory_space<vmem>> -> memref<1x2x80xi32, #tpu.memory_space<vmem>>
    %dma_wait3A_188 = tpu.memref_squeeze %dma_wait3A_187 : memref<1x2x80xi32, #tpu.memory_space<vmem>> -> memref<2x80xi32, #tpu.memory_space<vmem>>
    %dma_wait3A_189 = arith.constant 0 : i32
    %dma_wait3A_190 = arith.constant 0 : i32
    %dma_wait3A_191 = tpu.memref_slice %arg3[%add3A, %dma_wait3A_183, %dma_wait3A_189, %dma_wait3A_190] : memref<32x125x2x80xi32, #tpu.memory_space<hbm>> -> memref<1x1x2x80xi32, #tpu.memory_space<hbm>>
    %dma_wait3A_192 = tpu.memref_squeeze %dma_wait3A_191 : memref<1x1x2x80xi32, #tpu.memory_space<hbm>> -> memref<2x80xi32, #tpu.memory_space<hbm>>
    %dma_wait3A_193 = arith.constant 0 : i32
    %dma_wait3A_194 = arith.constant 0 : i32
    %dma_wait3A_195 = tpu.memref_slice %arg5[%dma_wait3A_184, %dma_wait3A_193, %dma_wait3A_194] : memref<6x2x80xi32, #tpu.memory_space<vmem>> -> memref<1x2x80xi32, #tpu.memory_space<vmem>>
    %dma_wait3A_196 = tpu.memref_squeeze %dma_wait3A_195 : memref<1x2x80xi32, #tpu.memory_space<vmem>> -> memref<2x80xi32, #tpu.memory_space<vmem>>
    %dma_wait3A_197 = arith.constant 0 : i32
    %dma_wait3A_198 = arith.constant 0 : i32
    %dma_wait3A_199 = tpu.memref_slice %arg3[%add3A, %dma_wait3A_183, %dma_wait3A_197, %dma_wait3A_198] : memref<32x125x2x80xi32, #tpu.memory_space<hbm>> -> memref<1x1x2x80xi32, #tpu.memory_space<hbm>>
    %dma_wait3A_200 = tpu.memref_squeeze %dma_wait3A_199 : memref<1x1x2x80xi32, #tpu.memory_space<hbm>> -> memref<2x80xi32, #tpu.memory_space<hbm>>
    tpu.wait_dma2 semaphore(%arg13 : memref<!tpu.dma_semaphore, #tpu.memory_space<semaphore_mem>>) src(%dma_wait3A_200 : memref<2x80xi32, #tpu.memory_space<hbm>>) dst(%dma_wait3A_196 : memref<2x80xi32, #tpu.memory_space<vmem>>)
    %dma_start3A_201 = arith.constant 3 : i32
    %dma_start3A_202 = arith.constant 0 : i32
    %dma_start3A_203 = arith.constant 0 : i32
    %dma_start3A_204 = tpu.memref_slice %arg5[%dma_start3A_201, %dma_start3A_202, %dma_start3A_203] : memref<6x2x80xi32, #tpu.memory_space<vmem>> -> memref<1x1x80xi32, #tpu.memory_space<vmem>>
    %dma_start3A_205 = tpu.memref_squeeze %dma_start3A_204 : memref<1x1x80xi32, #tpu.memory_space<vmem>> -> memref<80xi32, #tpu.memory_space<vmem>>
    %dma_start3A_206 = arith.constant 0 : i32
    %dma_start3A_207 = arith.constant 0 : i32
    %dma_start3A_208 = tpu.memref_slice %arg2[%dma_start3A_206, %dma_start3A_207] : memref<10240x128xf32, #tpu.memory_space<hbm>> -> memref<10240x128xf32, #tpu.memory_space<hbm>>
    tpu.enqueue_indirect_dma source(%dma_start3A_208 : memref<10240x128xf32, #tpu.memory_space<hbm>>) target(%arg6 : memref<80x128xf32, #tpu.memory_space<vmem>>) offsets(%dma_start3A_205 : memref<80xi32, #tpu.memory_space<vmem>>) semaphore(%arg10 : memref<!tpu.dma_semaphore, #tpu.memory_space<semaphore_mem>>)
    %dma_wait3A_209 = arith.constant 0 : i32
    %dma_wait3A_210 = arith.constant 0 : i32
    %dma_wait3A_211 = tpu.memref_slice %arg2[%dma_wait3A_209, %dma_wait3A_210] : memref<10240x128xf32, #tpu.memory_space<hbm>> -> memref<80x128xf32, #tpu.memory_space<hbm>>
    %dma_wait3A_212 = arith.constant 0 : i32
    %dma_wait3A_213 = arith.constant 0 : i32
    %dma_wait3A_214 = tpu.memref_slice %arg2[%dma_wait3A_212, %dma_wait3A_213] : memref<10240x128xf32, #tpu.memory_space<hbm>> -> memref<80x128xf32, #tpu.memory_space<hbm>>
    tpu.wait_dma2 semaphore(%arg11 : memref<!tpu.dma_semaphore, #tpu.memory_space<semaphore_mem>>) src(%dma_wait3A_214 : memref<80x128xf32, #tpu.memory_space<hbm>>) dst(%arg7 : memref<80x128xf32, #tpu.memory_space<vmem>>)
    %run_scoped3A_215 = arith.constant 1 : i32
    %run_scoped3A_216 = arith.constant 1 : i32
    "tpu.region"() ({
      %run_scoped3A_272 = tpu.sem_alloc : memref<!tpu.dma_semaphore, #tpu.memory_space<semaphore_mem>>
      %dma_start3A_273 = arith.constant 0 : i32
      %dma_start3A_274 = tpu.memref_slice %arg5[%run_scoped3A_215, %run_scoped3A_216, %dma_start3A_273] : memref<6x2x80xi32, #tpu.memory_space<vmem>> -> memref<1x1x80xi32, #tpu.memory_space<vmem>>
      %dma_start3A_275 = tpu.memref_squeeze %dma_start3A_274 : memref<1x1x80xi32, #tpu.memory_space<vmem>> -> memref<80xi32, #tpu.memory_space<vmem>>
      %dma_start3A_276 = arith.constant 0 : i32
      %dma_start3A_277 = arith.constant 0 : i32
      %dma_start3A_278 = tpu.memref_slice %arg9[%dma_start3A_276, %dma_start3A_277] : memref<10240x128xf32, #tpu.memory_space<vmem_shared>> -> memref<10240x128xf32, #tpu.memory_space<vmem_shared>>
      tpu.enqueue_indirect_dma source(%arg7 : memref<80x128xf32, #tpu.memory_space<vmem>>) target(%dma_start3A_278 : memref<10240x128xf32, #tpu.memory_space<vmem_shared>>) offsets(%dma_start3A_275 : memref<80xi32, #tpu.memory_space<vmem>>) semaphore(%run_scoped3A_272 : memref<!tpu.dma_semaphore, #tpu.memory_space<semaphore_mem>>) {add = true}
      %dma_wait3A_279 = arith.constant 0 : i32
      %dma_wait3A_280 = tpu.memref_slice %arg5[%run_scoped3A_215, %run_scoped3A_216, %dma_wait3A_279] : memref<6x2x80xi32, #tpu.memory_space<vmem>> -> memref<1x1x80xi32, #tpu.memory_space<vmem>>
      %dma_wait3A_281 = tpu.memref_squeeze %dma_wait3A_280 : memref<1x1x80xi32, #tpu.memory_space<vmem>> -> memref<80xi32, #tpu.memory_space<vmem>>
      %dma_wait3A_282 = arith.constant 0 : i32
      %dma_wait3A_283 = arith.constant 0 : i32
      %dma_wait3A_284 = tpu.memref_slice %arg9[%dma_wait3A_282, %dma_wait3A_283] : memref<10240x128xf32, #tpu.memory_space<vmem_shared>> -> memref<10240x128xf32, #tpu.memory_space<vmem_shared>>
      tpu.wait_indirect_dma semaphore(%run_scoped3A_272 : memref<!tpu.dma_semaphore, #tpu.memory_space<semaphore_mem>>) src(%arg7 : memref<80x128xf32, #tpu.memory_space<vmem>>) dst(%dma_wait3A_284 : memref<10240x128xf32, #tpu.memory_space<vmem_shared>>)
      tpu.yield
    }) : () -> ()
    %dma_wait3A_217 = arith.constant 0 : i32
    %dma_wait3A_218 = arith.constant 0 : i32
    %dma_wait3A_219 = arith.constant 0 : i32
    %dma_wait3A_220 = arith.constant 0 : i32
    %dma_wait3A_221 = tpu.memref_slice %arg5[%dma_wait3A_218, %dma_wait3A_219, %dma_wait3A_220] : memref<6x2x80xi32, #tpu.memory_space<vmem>> -> memref<1x2x80xi32, #tpu.memory_space<vmem>>
    %dma_wait3A_222 = tpu.memref_squeeze %dma_wait3A_221 : memref<1x2x80xi32, #tpu.memory_space<vmem>> -> memref<2x80xi32, #tpu.memory_space<vmem>>
    %dma_wait3A_223 = arith.constant 0 : i32
    %dma_wait3A_224 = arith.constant 0 : i32
    %dma_wait3A_225 = tpu.memref_slice %arg3[%add3A, %dma_wait3A_217, %dma_wait3A_223, %dma_wait3A_224] : memref<32x125x2x80xi32, #tpu.memory_space<hbm>> -> memref<1x1x2x80xi32, #tpu.memory_space<hbm>>
    %dma_wait3A_226 = tpu.memref_squeeze %dma_wait3A_225 : memref<1x1x2x80xi32, #tpu.memory_space<hbm>> -> memref<2x80xi32, #tpu.memory_space<hbm>>
    %dma_wait3A_227 = arith.constant 0 : i32
    %dma_wait3A_228 = arith.constant 0 : i32
    %dma_wait3A_229 = tpu.memref_slice %arg5[%dma_wait3A_218, %dma_wait3A_227, %dma_wait3A_228] : memref<6x2x80xi32, #tpu.memory_space<vmem>> -> memref<1x2x80xi32, #tpu.memory_space<vmem>>
    %dma_wait3A_230 = tpu.memref_squeeze %dma_wait3A_229 : memref<1x2x80xi32, #tpu.memory_space<vmem>> -> memref<2x80xi32, #tpu.memory_space<vmem>>
    %dma_wait3A_231 = arith.constant 0 : i32
    %dma_wait3A_232 = arith.constant 0 : i32
    %dma_wait3A_233 = tpu.memref_slice %arg3[%add3A, %dma_wait3A_217, %dma_wait3A_231, %dma_wait3A_232] : memref<32x125x2x80xi32, #tpu.memory_space<hbm>> -> memref<1x1x2x80xi32, #tpu.memory_space<hbm>>
    %dma_wait3A_234 = tpu.memref_squeeze %dma_wait3A_233 : memref<1x1x2x80xi32, #tpu.memory_space<hbm>> -> memref<2x80xi32, #tpu.memory_space<hbm>>
    tpu.wait_dma2 semaphore(%arg14 : memref<!tpu.dma_semaphore, #tpu.memory_space<semaphore_mem>>) src(%dma_wait3A_234 : memref<2x80xi32, #tpu.memory_space<hbm>>) dst(%dma_wait3A_230 : memref<2x80xi32, #tpu.memory_space<vmem>>)
    %dma_start3A_235 = arith.constant 4 : i32
    %dma_start3A_236 = arith.constant 0 : i32
    %dma_start3A_237 = arith.constant 0 : i32
    %dma_start3A_238 = tpu.memref_slice %arg5[%dma_start3A_235, %dma_start3A_236, %dma_start3A_237] : memref<6x2x80xi32, #tpu.memory_space<vmem>> -> memref<1x1x80xi32, #tpu.memory_space<vmem>>
    %dma_start3A_239 = tpu.memref_squeeze %dma_start3A_238 : memref<1x1x80xi32, #tpu.memory_space<vmem>> -> memref<80xi32, #tpu.memory_space<vmem>>
    %dma_start3A_240 = arith.constant 0 : i32
    %dma_start3A_241 = arith.constant 0 : i32
    %dma_start3A_242 = tpu.memref_slice %arg2[%dma_start3A_240, %dma_start3A_241] : memref<10240x128xf32, #tpu.memory_space<hbm>> -> memref<10240x128xf32, #tpu.memory_space<hbm>>
    tpu.enqueue_indirect_dma source(%dma_start3A_242 : memref<10240x128xf32, #tpu.memory_space<hbm>>) target(%arg7 : memref<80x128xf32, #tpu.memory_space<vmem>>) offsets(%dma_start3A_239 : memref<80xi32, #tpu.memory_space<vmem>>) semaphore(%arg11 : memref<!tpu.dma_semaphore, #tpu.memory_space<semaphore_mem>>)
    %dma_wait3A_243 = arith.constant 0 : i32
    %dma_wait3A_244 = arith.constant 0 : i32
    %dma_wait3A_245 = tpu.memref_slice %arg2[%dma_wait3A_243, %dma_wait3A_244] : memref<10240x128xf32, #tpu.memory_space<hbm>> -> memref<80x128xf32, #tpu.memory_space<hbm>>
    %dma_wait3A_246 = arith.constant 0 : i32
    %dma_wait3A_247 = arith.constant 0 : i32
    %dma_wait3A_248 = tpu.memref_slice %arg2[%dma_wait3A_246, %dma_wait3A_247] : memref<10240x128xf32, #tpu.memory_space<hbm>> -> memref<80x128xf32, #tpu.memory_space<hbm>>
    tpu.wait_dma2 semaphore(%arg12 : memref<!tpu.dma_semaphore, #tpu.memory_space<semaphore_mem>>) src(%dma_wait3A_248 : memref<80x128xf32, #tpu.memory_space<hbm>>) dst(%arg8 : memref<80x128xf32, #tpu.memory_space<vmem>>)
    %run_scoped3A_249 = arith.constant 2 : i32
    %run_scoped3A_250 = arith.constant 1 : i32
    "tpu.region"() ({
      %run_scoped3A_272 = tpu.sem_alloc : memref<!tpu.dma_semaphore, #tpu.memory_space<semaphore_mem>>
      %dma_start3A_273 = arith.constant 0 : i32
      %dma_start3A_274 = tpu.memref_slice %arg5[%run_scoped3A_249, %run_scoped3A_250, %dma_start3A_273] : memref<6x2x80xi32, #tpu.memory_space<vmem>> -> memref<1x1x80xi32, #tpu.memory_space<vmem>>
      %dma_start3A_275 = tpu.memref_squeeze %dma_start3A_274 : memref<1x1x80xi32, #tpu.memory_space<vmem>> -> memref<80xi32, #tpu.memory_space<vmem>>
      %dma_start3A_276 = arith.constant 0 : i32
      %dma_start3A_277 = arith.constant 0 : i32
      %dma_start3A_278 = tpu.memref_slice %arg9[%dma_start3A_276, %dma_start3A_277] : memref<10240x128xf32, #tpu.memory_space<vmem_shared>> -> memref<10240x128xf32, #tpu.memory_space<vmem_shared>>
      tpu.enqueue_indirect_dma source(%arg8 : memref<80x128xf32, #tpu.memory_space<vmem>>) target(%dma_start3A_278 : memref<10240x128xf32, #tpu.memory_space<vmem_shared>>) offsets(%dma_start3A_275 : memref<80xi32, #tpu.memory_space<vmem>>) semaphore(%run_scoped3A_272 : memref<!tpu.dma_semaphore, #tpu.memory_space<semaphore_mem>>) {add = true}
      %dma_wait3A_279 = arith.constant 0 : i32
      %dma_wait3A_280 = tpu.memref_slice %arg5[%run_scoped3A_249, %run_scoped3A_250, %dma_wait3A_279] : memref<6x2x80xi32, #tpu.memory_space<vmem>> -> memref<1x1x80xi32, #tpu.memory_space<vmem>>
      %dma_wait3A_281 = tpu.memref_squeeze %dma_wait3A_280 : memref<1x1x80xi32, #tpu.memory_space<vmem>> -> memref<80xi32, #tpu.memory_space<vmem>>
      %dma_wait3A_282 = arith.constant 0 : i32
      %dma_wait3A_283 = arith.constant 0 : i32
      %dma_wait3A_284 = tpu.memref_slice %arg9[%dma_wait3A_282, %dma_wait3A_283] : memref<10240x128xf32, #tpu.memory_space<vmem_shared>> -> memref<10240x128xf32, #tpu.memory_space<vmem_shared>>
      tpu.wait_indirect_dma semaphore(%run_scoped3A_272 : memref<!tpu.dma_semaphore, #tpu.memory_space<semaphore_mem>>) src(%arg8 : memref<80x128xf32, #tpu.memory_space<vmem>>) dst(%dma_wait3A_284 : memref<10240x128xf32, #tpu.memory_space<vmem_shared>>)
      tpu.yield
    }) : () -> ()
    %dma_wait3A_251 = arith.constant 0 : i32
    %dma_wait3A_252 = arith.constant 0 : i32
    %dma_wait3A_253 = tpu.memref_slice %arg2[%dma_wait3A_251, %dma_wait3A_252] : memref<10240x128xf32, #tpu.memory_space<hbm>> -> memref<80x128xf32, #tpu.memory_space<hbm>>
    %dma_wait3A_254 = arith.constant 0 : i32
    %dma_wait3A_255 = arith.constant 0 : i32
    %dma_wait3A_256 = tpu.memref_slice %arg2[%dma_wait3A_254, %dma_wait3A_255] : memref<10240x128xf32, #tpu.memory_space<hbm>> -> memref<80x128xf32, #tpu.memory_space<hbm>>
    tpu.wait_dma2 semaphore(%arg10 : memref<!tpu.dma_semaphore, #tpu.memory_space<semaphore_mem>>) src(%dma_wait3A_256 : memref<80x128xf32, #tpu.memory_space<hbm>>) dst(%arg6 : memref<80x128xf32, #tpu.memory_space<vmem>>)
    %run_scoped3A_257 = arith.constant 3 : i32
    %run_scoped3A_258 = arith.constant 1 : i32
    "tpu.region"() ({
      %run_scoped3A_272 = tpu.sem_alloc : memref<!tpu.dma_semaphore, #tpu.memory_space<semaphore_mem>>
      %dma_start3A_273 = arith.constant 0 : i32
      %dma_start3A_274 = tpu.memref_slice %arg5[%run_scoped3A_257, %run_scoped3A_258, %dma_start3A_273] : memref<6x2x80xi32, #tpu.memory_space<vmem>> -> memref<1x1x80xi32, #tpu.memory_space<vmem>>
      %dma_start3A_275 = tpu.memref_squeeze %dma_start3A_274 : memref<1x1x80xi32, #tpu.memory_space<vmem>> -> memref<80xi32, #tpu.memory_space<vmem>>
      %dma_start3A_276 = arith.constant 0 : i32
      %dma_start3A_277 = arith.constant 0 : i32
      %dma_start3A_278 = tpu.memref_slice %arg9[%dma_start3A_276, %dma_start3A_277] : memref<10240x128xf32, #tpu.memory_space<vmem_shared>> -> memref<10240x128xf32, #tpu.memory_space<vmem_shared>>
      tpu.enqueue_indirect_dma source(%arg6 : memref<80x128xf32, #tpu.memory_space<vmem>>) target(%dma_start3A_278 : memref<10240x128xf32, #tpu.memory_space<vmem_shared>>) offsets(%dma_start3A_275 : memref<80xi32, #tpu.memory_space<vmem>>) semaphore(%run_scoped3A_272 : memref<!tpu.dma_semaphore, #tpu.memory_space<semaphore_mem>>) {add = true}
      %dma_wait3A_279 = arith.constant 0 : i32
      %dma_wait3A_280 = tpu.memref_slice %arg5[%run_scoped3A_257, %run_scoped3A_258, %dma_wait3A_279] : memref<6x2x80xi32, #tpu.memory_space<vmem>> -> memref<1x1x80xi32, #tpu.memory_space<vmem>>
      %dma_wait3A_281 = tpu.memref_squeeze %dma_wait3A_280 : memref<1x1x80xi32, #tpu.memory_space<vmem>> -> memref<80xi32, #tpu.memory_space<vmem>>
      %dma_wait3A_282 = arith.constant 0 : i32
      %dma_wait3A_283 = arith.constant 0 : i32
      %dma_wait3A_284 = tpu.memref_slice %arg9[%dma_wait3A_282, %dma_wait3A_283] : memref<10240x128xf32, #tpu.memory_space<vmem_shared>> -> memref<10240x128xf32, #tpu.memory_space<vmem_shared>>
      tpu.wait_indirect_dma semaphore(%run_scoped3A_272 : memref<!tpu.dma_semaphore, #tpu.memory_space<semaphore_mem>>) src(%arg6 : memref<80x128xf32, #tpu.memory_space<vmem>>) dst(%dma_wait3A_284 : memref<10240x128xf32, #tpu.memory_space<vmem_shared>>)
      tpu.yield
    }) : () -> ()
    %dma_wait3A_259 = arith.constant 0 : i32
    %dma_wait3A_260 = arith.constant 0 : i32
    %dma_wait3A_261 = tpu.memref_slice %arg2[%dma_wait3A_259, %dma_wait3A_260] : memref<10240x128xf32, #tpu.memory_space<hbm>> -> memref<80x128xf32, #tpu.memory_space<hbm>>
    %dma_wait3A_262 = arith.constant 0 : i32
    %dma_wait3A_263 = arith.constant 0 : i32
    %dma_wait3A_264 = tpu.memref_slice %arg2[%dma_wait3A_262, %dma_wait3A_263] : memref<10240x128xf32, #tpu.memory_space<hbm>> -> memref<80x128xf32, #tpu.memory_space<hbm>>
    tpu.wait_dma2 semaphore(%arg11 : memref<!tpu.dma_semaphore, #tpu.memory_space<semaphore_mem>>) src(%dma_wait3A_264 : memref<80x128xf32, #tpu.memory_space<hbm>>) dst(%arg7 : memref<80x128xf32, #tpu.memory_space<vmem>>)
    %run_scoped3A_265 = arith.constant 4 : i32
    %run_scoped3A_266 = arith.constant 1 : i32
    "tpu.region"() ({
      %run_scoped3A_272 = tpu.sem_alloc : memref<!tpu.dma_semaphore, #tpu.memory_space<semaphore_mem>>
      %dma_start3A_273 = arith.constant 0 : i32
      %dma_start3A_274 = tpu.memref_slice %arg5[%run_scoped3A_265, %run_scoped3A_266, %dma_start3A_273] : memref<6x2x80xi32, #tpu.memory_space<vmem>> -> memref<1x1x80xi32, #tpu.memory_space<vmem>>
      %dma_start3A_275 = tpu.memref_squeeze %dma_start3A_274 : memref<1x1x80xi32, #tpu.memory_space<vmem>> -> memref<80xi32, #tpu.memory_space<vmem>>
      %dma_start3A_276 = arith.constant 0 : i32
      %dma_start3A_277 = arith.constant 0 : i32
      %dma_start3A_278 = tpu.memref_slice %arg9[%dma_start3A_276, %dma_start3A_277] : memref<10240x128xf32, #tpu.memory_space<vmem_shared>> -> memref<10240x128xf32, #tpu.memory_space<vmem_shared>>
      tpu.enqueue_indirect_dma source(%arg7 : memref<80x128xf32, #tpu.memory_space<vmem>>) target(%dma_start3A_278 : memref<10240x128xf32, #tpu.memory_space<vmem_shared>>) offsets(%dma_start3A_275 : memref<80xi32, #tpu.memory_space<vmem>>) semaphore(%run_scoped3A_272 : memref<!tpu.dma_semaphore, #tpu.memory_space<semaphore_mem>>) {add = true}
      %dma_wait3A_279 = arith.constant 0 : i32
      %dma_wait3A_280 = tpu.memref_slice %arg5[%run_scoped3A_265, %run_scoped3A_266, %dma_wait3A_279] : memref<6x2x80xi32, #tpu.memory_space<vmem>> -> memref<1x1x80xi32, #tpu.memory_space<vmem>>
      %dma_wait3A_281 = tpu.memref_squeeze %dma_wait3A_280 : memref<1x1x80xi32, #tpu.memory_space<vmem>> -> memref<80xi32, #tpu.memory_space<vmem>>
      %dma_wait3A_282 = arith.constant 0 : i32
      %dma_wait3A_283 = arith.constant 0 : i32
      %dma_wait3A_284 = tpu.memref_slice %arg9[%dma_wait3A_282, %dma_wait3A_283] : memref<10240x128xf32, #tpu.memory_space<vmem_shared>> -> memref<10240x128xf32, #tpu.memory_space<vmem_shared>>
      tpu.wait_indirect_dma semaphore(%run_scoped3A_272 : memref<!tpu.dma_semaphore, #tpu.memory_space<semaphore_mem>>) src(%arg7 : memref<80x128xf32, #tpu.memory_space<vmem>>) dst(%dma_wait3A_284 : memref<10240x128xf32, #tpu.memory_space<vmem_shared>>)
      tpu.yield
    }) : () -> ()
    %barrier3A_267 = arith.constant 0 : index
    tpu.barrier barrier_id(%barrier3A_267)
    %mul3A_268 = arith.constant 640 : i32
    %mul3A_269 = arith.muli %arg1, %mul3A_268 : i32
    %mul3A_270 = arith.constant 640 : i32
    %mul3A_271 = arith.muli %arg1, %mul3A_270 : i32
    "tpu.region"() ({
      %run_scoped3A_272 = tpu.sem_alloc : memref<!tpu.dma_semaphore, #tpu.memory_space<semaphore_mem>>
      %dma_start3A_273 = arith.constant 0 : i32
      %dma_start3A_274 = tpu.memref_slice %arg4[%arg0, %mul3A_271, %dma_start3A_273] : memref<2x10240x128xf32, #tpu.memory_space<hbm>> -> memref<1x640x128xf32, #tpu.memory_space<hbm>>
      %dma_start3A_275 = tpu.memref_squeeze %dma_start3A_274 : memref<1x640x128xf32, #tpu.memory_space<hbm>> -> memref<640x128xf32, #tpu.memory_space<hbm>>
      %dma_start3A_276 = arith.constant 0 : i32
      %dma_start3A_277 = tpu.memref_slice %arg9[%mul3A_269, %dma_start3A_276] : memref<10240x128xf32, #tpu.memory_space<vmem_shared>> -> memref<640x128xf32, #tpu.memory_space<vmem_shared>>
      tpu.enqueue_dma source(%dma_start3A_277 : memref<640x128xf32, #tpu.memory_space<vmem_shared>>) target(%dma_start3A_275 : memref<640x128xf32, #tpu.memory_space<hbm>>) target_semaphore(%run_scoped3A_272 : memref<!tpu.dma_semaphore, #tpu.memory_space<semaphore_mem>>)
      %dma_wait3A_278 = arith.constant 0 : i32
      %dma_wait3A_279 = tpu.memref_slice %arg4[%arg0, %mul3A_271, %dma_wait3A_278] : memref<2x10240x128xf32, #tpu.memory_space<hbm>> -> memref<1x640x128xf32, #tpu.memory_space<hbm>>
      %dma_wait3A_280 = tpu.memref_squeeze %dma_wait3A_279 : memref<1x640x128xf32, #tpu.memory_space<hbm>> -> memref<640x128xf32, #tpu.memory_space<hbm>>
      %dma_wait3A_281 = arith.constant 0 : i32
      %dma_wait3A_282 = tpu.memref_slice %arg9[%mul3A_269, %dma_wait3A_281] : memref<10240x128xf32, #tpu.memory_space<vmem_shared>> -> memref<640x128xf32, #tpu.memory_space<vmem_shared>>
      tpu.wait_dma2 semaphore(%run_scoped3A_272 : memref<!tpu.dma_semaphore, #tpu.memory_space<semaphore_mem>>) src(%dma_wait3A_282 : memref<640x128xf32, #tpu.memory_space<vmem_shared>>) dst(%dma_wait3A_280 : memref<640x128xf32, #tpu.memory_space<hbm>>)
      tpu.yield
    }) : () -> ()
    return
  }
}

#map = affine_map<(d0, d1) -> (0)>
#map1 = affine_map<(d0, d1) -> (0, 0)>
module attributes {stable_mosaic.version = 14 : i64} {
  func.func @_deg_kernel(%arg0: i32, %arg1: i32, %arg2: memref<320000xi32, #tpu.memory_space<hbm>>, %arg3: memref<32x10240xf32, #tpu.memory_space<hbm>>, %arg4: memref<10000xi32, #tpu.memory_space<vmem>>, %arg5: memref<10240xf32, #tpu.memory_space<vmem>>) attributes {dimension_semantics = [#tpu.dimension_semantics<core_parallel>, #tpu.dimension_semantics<subcore_parallel>], iteration_bounds = array<i64: 2, 16>, scalar_prefetch = 0 : i64, scratch_operands = 2 : i64, tpu.core_type = #tpu.core_type<sc_vector_subcore>, window_params = [{transform_indices = #map}, {transform_indices = #map1}]} {
    %mul3A = arith.constant 2 : i32
    %mul3A_0 = arith.muli %arg1, %mul3A : i32
    %add3A = arith.addi %mul3A_0, %arg0 : i32
    %mul3A_1 = arith.constant 10000 : i32
    %mul3A_2 = arith.muli %add3A, %mul3A_1 : i32
    "tpu.region"() ({
      %run_scoped3A = tpu.sem_alloc : memref<!tpu.dma_semaphore, #tpu.memory_space<semaphore_mem>>
      %dma_start3A = tpu.memref_slice %arg2[%mul3A_2] : memref<320000xi32, #tpu.memory_space<hbm>> -> memref<10000xi32, #tpu.memory_space<hbm>>
      %dma_start3A_15 = tpu.memref_slice %arg2[%mul3A_2] : memref<320000xi32, #tpu.memory_space<hbm>> -> memref<10000xi32, #tpu.memory_space<hbm>>
      tpu.enqueue_dma source(%dma_start3A_15 : memref<10000xi32, #tpu.memory_space<hbm>>) target(%arg4 : memref<10000xi32, #tpu.memory_space<vmem>>) target_semaphore(%run_scoped3A : memref<!tpu.dma_semaphore, #tpu.memory_space<semaphore_mem>>)
      %dma_wait3A = tpu.memref_slice %arg2[%mul3A_2] : memref<320000xi32, #tpu.memory_space<hbm>> -> memref<10000xi32, #tpu.memory_space<hbm>>
      %dma_wait3A_16 = tpu.memref_slice %arg2[%mul3A_2] : memref<320000xi32, #tpu.memory_space<hbm>> -> memref<10000xi32, #tpu.memory_space<hbm>>
      tpu.wait_dma2 semaphore(%run_scoped3A : memref<!tpu.dma_semaphore, #tpu.memory_space<semaphore_mem>>) src(%dma_wait3A_16 : memref<10000xi32, #tpu.memory_space<hbm>>) dst(%arg4 : memref<10000xi32, #tpu.memory_space<vmem>>)
      tpu.yield
    }) : () -> ()
    %scan3A = arith.constant 0 : i32
    %scan3A_3 = arith.constant 0 : i32
    %scan3A_4 = arith.constant 640 : i32
    %scan3A_5 = arith.addi %scan3A_3, %scan3A_4 : i32
    %scan3A_6 = arith.constant 1 : i32
    scf.for %scan3A_15 = %scan3A_3 to %scan3A_5 step %scan3A_6  : i32 {
      %broadcast_in_dim3A_16 = arith.constant 0.000000e+00 : f32
      %broadcast_in_dim3A_17 = vector.broadcast %broadcast_in_dim3A_16 : f32 to vector<16xf32>
      %mul3A_18 = arith.constant 16 : i32
      %mul3A_19 = arith.muli %scan3A_15, %mul3A_18 : i32
      %swap3A = arith.index_cast %mul3A_19 : i32 to index
      %swap3A_20 = tpu.vector_load %arg5[%swap3A] {strides = array<i32>} : memref<10240xf32, #tpu.memory_space<vmem>>, vector<16xf32>,
      tpu.vector_store %arg5[%swap3A], %broadcast_in_dim3A_17 {strides = array<i32>} : memref<10240xf32, #tpu.memory_space<vmem>>, vector<16xf32>,
    }
    %scan3A_7 = arith.constant 640 : i32
    %broadcast_in_dim3A = arith.constant 1.000000e+00 : f32
    %broadcast_in_dim3A_8 = vector.broadcast %broadcast_in_dim3A : f32 to vector<16xf32>
    %scan3A_9 = arith.constant 0 : i32
    %scan3A_10 = arith.constant 0 : i32
    %scan3A_11 = arith.constant 625 : i32
    %scan3A_12 = arith.addi %scan3A_10, %scan3A_11 : i32
    %scan3A_13 = arith.constant 1 : i32
    scf.for %scan3A_15 = %scan3A_10 to %scan3A_12 step %scan3A_13  : i32 {
      %mul3A_16 = arith.constant 16 : i32
      %mul3A_17 = arith.muli %scan3A_15, %mul3A_16 : i32
      %get3A = arith.index_cast %mul3A_17 : i32 to index
      %get3A_18 = tpu.vector_load %arg4[%get3A] {strides = array<i32>} : memref<10000xi32, #tpu.memory_space<vmem>>, vector<16xi32>,
      tpu.vector_store_idx %arg5[%get3A_18], %broadcast_in_dim3A_8 {add = true} : memref<10240xf32, #tpu.memory_space<vmem>>[vector<16xi32>], vector<16xf32>,
    }
    %scan3A_14 = arith.constant 625 : i32
    "tpu.region"() ({
      %run_scoped3A = tpu.sem_alloc : memref<!tpu.dma_semaphore, #tpu.memory_space<semaphore_mem>>
      %dma_start3A = arith.constant 0 : i32
      %dma_start3A_15 = tpu.memref_slice %arg3[%add3A, %dma_start3A] : memref<32x10240xf32, #tpu.memory_space<hbm>> -> memref<1x10240xf32, #tpu.memory_space<hbm>>
      %dma_start3A_16 = tpu.memref_squeeze %dma_start3A_15 : memref<1x10240xf32, #tpu.memory_space<hbm>> -> memref<10240xf32, #tpu.memory_space<hbm>>
      %dma_start3A_17 = arith.constant 0 : i32
      %dma_start3A_18 = tpu.memref_slice %arg3[%add3A, %dma_start3A_17] : memref<32x10240xf32, #tpu.memory_space<hbm>> -> memref<1x10240xf32, #tpu.memory_space<hbm>>
      %dma_start3A_19 = tpu.memref_squeeze %dma_start3A_18 : memref<1x10240xf32, #tpu.memory_space<hbm>> -> memref<10240xf32, #tpu.memory_space<hbm>>
      tpu.enqueue_dma source(%arg5 : memref<10240xf32, #tpu.memory_space<vmem>>) target(%dma_start3A_19 : memref<10240xf32, #tpu.memory_space<hbm>>) target_semaphore(%run_scoped3A : memref<!tpu.dma_semaphore, #tpu.memory_space<semaphore_mem>>)
      %dma_wait3A = arith.constant 0 : i32
      %dma_wait3A_20 = tpu.memref_slice %arg3[%add3A, %dma_wait3A] : memref<32x10240xf32, #tpu.memory_space<hbm>> -> memref<1x10240xf32, #tpu.memory_space<hbm>>
      %dma_wait3A_21 = tpu.memref_squeeze %dma_wait3A_20 : memref<1x10240xf32, #tpu.memory_space<hbm>> -> memref<10240xf32, #tpu.memory_space<hbm>>
      %dma_wait3A_22 = arith.constant 0 : i32
      %dma_wait3A_23 = tpu.memref_slice %arg3[%add3A, %dma_wait3A_22] : memref<32x10240xf32, #tpu.memory_space<hbm>> -> memref<1x10240xf32, #tpu.memory_space<hbm>>
      %dma_wait3A_24 = tpu.memref_squeeze %dma_wait3A_23 : memref<1x10240xf32, #tpu.memory_space<hbm>> -> memref<10240xf32, #tpu.memory_space<hbm>>
      tpu.wait_dma2 semaphore(%run_scoped3A : memref<!tpu.dma_semaphore, #tpu.memory_space<semaphore_mem>>) src(%arg5 : memref<10240xf32, #tpu.memory_space<vmem>>) dst(%dma_wait3A_24 : memref<10240xf32, #tpu.memory_space<hbm>>)
      tpu.yield
    }) : () -> ()
    return
  }
}

#map = affine_map<(d0, d1) -> (0, 0)>
#map1 = affine_map<(d0, d1) -> (0, 0, 0, 0)>
#map2 = affine_map<(d0, d1) -> (0, 0, 0)>
module attributes {stable_mosaic.version = 14 : i64} {
  func.func @_scatter_kernel(%arg0: i32, %arg1: i32, %arg2: memref<10240x128xf32, #tpu.memory_space<hbm>>, %arg3: memref<32x125x2x80xi32, #tpu.memory_space<hbm>>, %arg4: memref<2x10240x128xf32, #tpu.memory_space<hbm>>, %arg5: memref<6x2x80xi32, #tpu.memory_space<vmem>>, %arg6: memref<80x128xf32, #tpu.memory_space<vmem>>, %arg7: memref<80x128xf32, #tpu.memory_space<vmem>>, %arg8: memref<80x128xf32, #tpu.memory_space<vmem>>, %arg9: memref<10240x128xf32, #tpu.memory_space<vmem_shared>>, %arg10: memref<!tpu.dma_semaphore, #tpu.memory_space<semaphore_mem>>, %arg11: memref<!tpu.dma_semaphore, #tpu.memory_space<semaphore_mem>>, %arg12: memref<!tpu.dma_semaphore, #tpu.memory_space<semaphore_mem>>, %arg13: memref<!tpu.dma_semaphore, #tpu.memory_space<semaphore_mem>>, %arg14: memref<!tpu.dma_semaphore, #tpu.memory_space<semaphore_mem>>, %arg15: memref<!tpu.dma_semaphore, #tpu.memory_space<semaphore_mem>>) attributes {dimension_semantics = [#tpu.dimension_semantics<core_parallel>, #tpu.dimension_semantics<subcore_parallel>], iteration_bounds = array<i64: 2, 16>, scalar_prefetch = 0 : i64, scratch_operands = 11 : i64, tpu.core_type = #tpu.core_type<sc_vector_subcore>, window_params = [{transform_indices = #map}, {transform_indices = #map1}, {transform_indices = #map2}]} {
    %mul3A = arith.constant 2 : i32
    %mul3A_0 = arith.muli %arg1, %mul3A : i32
    %add3A = arith.addi %mul3A_0, %arg0 : i32
    %mul3A_1 = arith.constant 640 : i32
    %mul3A_2 = arith.muli %arg1, %mul3A_1 : i32
    %mul3A_3 = arith.constant 640 : i32
    %mul3A_4 = arith.muli %arg1, %mul3A_3 : i32
    "tpu.region"() ({
      %run_scoped3A_272 = tpu.sem_alloc : memref<!tpu.dma_semaphore, #tpu.memory_space<semaphore_mem>>
      %dma_start3A_273 = arith.constant 0 : i32
      %dma_start3A_274 = tpu.memref_slice %arg9[%mul3A_4, %dma_start3A_273] : memref<10240x128xf32, #tpu.memory_space<vmem_shared>> -> memref<640x128xf32, #tpu.memory_space<vmem_shared>>
      %dma_start3A_275 = arith.constant 0 : i32
      %dma_start3A_276 = tpu.memref_slice %arg2[%mul3A_2, %dma_start3A_275] : memref<10240x128xf32, #tpu.memory_space<hbm>> -> memref<640x128xf32, #tpu.memory_space<hbm>>
      tpu.enqueue_dma source(%dma_start3A_276 : memref<640x128xf32, #tpu.memory_space<hbm>>) target(%dma_start3A_274 : memref<640x128xf32, #tpu.memory_space<vmem_shared>>) target_semaphore(%run_scoped3A_272 : memref<!tpu.dma_semaphore, #tpu.memory_space<semaphore_mem>>)
      %dma_wait3A_277 = arith.constant 0 : i32
      %dma_wait3A_278 = tpu.memref_slice %arg9[%mul3A_4, %dma_wait3A_277] : memref<10240x128xf32, #tpu.memory_space<vmem_shared>> -> memref<640x128xf32, #tpu.memory_space<vmem_shared>>
      %dma_wait3A_279 = arith.constant 0 : i32
      %dma_wait3A_280 = tpu.memref_slice %arg2[%mul3A_2, %dma_wait3A_279] : memref<10240x128xf32, #tpu.memory_space<hbm>> -> memref<640x128xf32, #tpu.memory_space<hbm>>
      tpu.wait_dma2 semaphore(%run_scoped3A_272 : memref<!tpu.dma_semaphore, #tpu.memory_space<semaphore_mem>>) src(%dma_wait3A_280 : memref<640x128xf32, #tpu.memory_space<hbm>>) dst(%dma_wait3A_278 : memref<640x128xf32, #tpu.memory_space<vmem_shared>>)
      tpu.yield
    }) : () -> ()
    %barrier3A = arith.constant 0 : index
    tpu.barrier barrier_id(%barrier3A)
    %dma_start3A = arith.constant 0 : i32
    %dma_start3A_5 = arith.constant 0 : i32
    %dma_start3A_6 = arith.constant 0 : i32
    %dma_start3A_7 = arith.constant 0 : i32
    %dma_start3A_8 = tpu.memref_slice %arg5[%dma_start3A_5, %dma_start3A_6, %dma_start3A_7] : memref<6x2x80xi32, #tpu.memory_space<vmem>> -> memref<1x2x80xi32, #tpu.memory_space<vmem>>
    %dma_start3A_9 = tpu.memref_squeeze %dma_start3A_8 : memref<1x2x80xi32, #tpu.memory_space<vmem>> -> memref<2x80xi32, #tpu.memory_space<vmem>>
    %dma_start3A_10 = arith.constant 0 : i32
    %dma_start3A_11 = arith.constant 0 : i32
    %dma_start3A_12 = tpu.memref_slice %arg3[%add3A, %dma_start3A, %dma_start3A_10, %dma_start3A_11] : memref<32x125x2x80xi32, #tpu.memory_space<hbm>> -> memref<1x1x2x80xi32, #tpu.memory_space<hbm>>
    %dma_start3A_13 = tpu.memref_squeeze %dma_start3A_12 : memref<1x1x2x80xi32, #tpu.memory_space<hbm>> -> memref<2x80xi32, #tpu.memory_space<hbm>>
    %dma_start3A_14 = arith.constant 0 : i32
    %dma_start3A_15 = arith.constant 0 : i32
    %dma_start3A_16 = tpu.memref_slice %arg5[%dma_start3A_5, %dma_start3A_14, %dma_start3A_15] : memref<6x2x80xi32, #tpu.memory_space<vmem>> -> memref<1x2x80xi32, #tpu.memory_space<vmem>>
    %dma_start3A_17 = tpu.memref_squeeze %dma_start3A_16 : memref<1x2x80xi32, #tpu.memory_space<vmem>> -> memref<2x80xi32, #tpu.memory_space<vmem>>
    %dma_start3A_18 = arith.constant 0 : i32
    %dma_start3A_19 = arith.constant 0 : i32
    %dma_start3A_20 = tpu.memref_slice %arg3[%add3A, %dma_start3A, %dma_start3A_18, %dma_start3A_19] : memref<32x125x2x80xi32, #tpu.memory_space<hbm>> -> memref<1x1x2x80xi32, #tpu.memory_space<hbm>>
    %dma_start3A_21 = tpu.memref_squeeze %dma_start3A_20 : memref<1x1x2x80xi32, #tpu.memory_space<hbm>> -> memref<2x80xi32, #tpu.memory_space<hbm>>
    tpu.enqueue_dma source(%dma_start3A_21 : memref<2x80xi32, #tpu.memory_space<hbm>>) target(%dma_start3A_17 : memref<2x80xi32, #tpu.memory_space<vmem>>) target_semaphore(%arg13 : memref<!tpu.dma_semaphore, #tpu.memory_space<semaphore_mem>>)
    %dma_start3A_22 = arith.constant 1 : i32
    %dma_start3A_23 = arith.constant 1 : i32
    %dma_start3A_24 = arith.constant 0 : i32
    %dma_start3A_25 = arith.constant 0 : i32
    %dma_start3A_26 = tpu.memref_slice %arg5[%dma_start3A_23, %dma_start3A_24, %dma_start3A_25] : memref<6x2x80xi32, #tpu.memory_space<vmem>> -> memref<1x2x80xi32, #tpu.memory_space<vmem>>
    %dma_start3A_27 = tpu.memref_squeeze %dma_start3A_26 : memref<1x2x80xi32, #tpu.memory_space<vmem>> -> memref<2x80xi32, #tpu.memory_space<vmem>>
    %dma_start3A_28 = arith.constant 0 : i32
    %dma_start3A_29 = arith.constant 0 : i32
    %dma_start3A_30 = tpu.memref_slice %arg3[%add3A, %dma_start3A_22, %dma_start3A_28, %dma_start3A_29] : memref<32x125x2x80xi32, #tpu.memory_space<hbm>> -> memref<1x1x2x80xi32, #tpu.memory_space<hbm>>
    %dma_start3A_31 = tpu.memref_squeeze %dma_start3A_30 : memref<1x1x2x80xi32, #tpu.memory_space<hbm>> -> memref<2x80xi32, #tpu.memory_space<hbm>>
    %dma_start3A_32 = arith.constant 0 : i32
    %dma_start3A_33 = arith.constant 0 : i32
    %dma_start3A_34 = tpu.memref_slice %arg5[%dma_start3A_23, %dma_start3A_32, %dma_start3A_33] : memref<6x2x80xi32, #tpu.memory_space<vmem>> -> memref<1x2x80xi32, #tpu.memory_space<vmem>>
    %dma_start3A_35 = tpu.memref_squeeze %dma_start3A_34 : memref<1x2x80xi32, #tpu.memory_space<vmem>> -> memref<2x80xi32, #tpu.memory_space<vmem>>
    %dma_start3A_36 = arith.constant 0 : i32
    %dma_start3A_37 = arith.constant 0 : i32
    %dma_start3A_38 = tpu.memref_slice %arg3[%add3A, %dma_start3A_22, %dma_start3A_36, %dma_start3A_37] : memref<32x125x2x80xi32, #tpu.memory_space<hbm>> -> memref<1x1x2x80xi32, #tpu.memory_space<hbm>>
    %dma_start3A_39 = tpu.memref_squeeze %dma_start3A_38 : memref<1x1x2x80xi32, #tpu.memory_space<hbm>> -> memref<2x80xi32, #tpu.memory_space<hbm>>
    tpu.enqueue_dma source(%dma_start3A_39 : memref<2x80xi32, #tpu.memory_space<hbm>>) target(%dma_start3A_35 : memref<2x80xi32, #tpu.memory_space<vmem>>) target_semaphore(%arg14 : memref<!tpu.dma_semaphore, #tpu.memory_space<semaphore_mem>>)
    %dma_start3A_40 = arith.constant 2 : i32
    %dma_start3A_41 = arith.constant 2 : i32
    %dma_start3A_42 = arith.constant 0 : i32
    %dma_start3A_43 = arith.constant 0 : i32
    %dma_start3A_44 = tpu.memref_slice %arg5[%dma_start3A_41, %dma_start3A_42, %dma_start3A_43] : memref<6x2x80xi32, #tpu.memory_space<vmem>> -> memref<1x2x80xi32, #tpu.memory_space<vmem>>
    %dma_start3A_45 = tpu.memref_squeeze %dma_start3A_44 : memref<1x2x80xi32, #tpu.memory_space<vmem>> -> memref<2x80xi32, #tpu.memory_space<vmem>>
    %dma_start3A_46 = arith.constant 0 : i32
    %dma_start3A_47 = arith.constant 0 : i32
    %dma_start3A_48 = tpu.memref_slice %arg3[%add3A, %dma_start3A_40, %dma_start3A_46, %dma_start3A_47] : memref<32x125x2x80xi32, #tpu.memory_space<hbm>> -> memref<1x1x2x80xi32, #tpu.memory_space<hbm>>
    %dma_start3A_49 = tpu.memref_squeeze %dma_start3A_48 : memref<1x1x2x80xi32, #tpu.memory_space<hbm>> -> memref<2x80xi32, #tpu.memory_space<hbm>>
    %dma_start3A_50 = arith.constant 0 : i32
    %dma_start3A_51 = arith.constant 0 : i32
    %dma_start3A_52 = tpu.memref_slice %arg5[%dma_start3A_41, %dma_start3A_50, %dma_start3A_51] : memref<6x2x80xi32, #tpu.memory_space<vmem>> -> memref<1x2x80xi32, #tpu.memory_space<vmem>>
    %dma_start3A_53 = tpu.memref_squeeze %dma_start3A_52 : memref<1x2x80xi32, #tpu.memory_space<vmem>> -> memref<2x80xi32, #tpu.memory_space<vmem>>
    %dma_start3A_54 = arith.constant 0 : i32
    %dma_start3A_55 = arith.constant 0 : i32
    %dma_start3A_56 = tpu.memref_slice %arg3[%add3A, %dma_start3A_40, %dma_start3A_54, %dma_start3A_55] : memref<32x125x2x80xi32, #tpu.memory_space<hbm>> -> memref<1x1x2x80xi32, #tpu.memory_space<hbm>>
    %dma_start3A_57 = tpu.memref_squeeze %dma_start3A_56 : memref<1x1x2x80xi32, #tpu.memory_space<hbm>> -> memref<2x80xi32, #tpu.memory_space<hbm>>
    tpu.enqueue_dma source(%dma_start3A_57 : memref<2x80xi32, #tpu.memory_space<hbm>>) target(%dma_start3A_53 : memref<2x80xi32, #tpu.memory_space<vmem>>) target_semaphore(%arg15 : memref<!tpu.dma_semaphore, #tpu.memory_space<semaphore_mem>>)
    %dma_wait3A = arith.constant 0 : i32
    %dma_wait3A_58 = arith.constant 0 : i32
    %dma_wait3A_59 = arith.constant 0 : i32
    %dma_wait3A_60 = arith.constant 0 : i32
    %dma_wait3A_61 = tpu.memref_slice %arg5[%dma_wait3A_58, %dma_wait3A_59, %dma_wait3A_60] : memref<6x2x80xi32, #tpu.memory_space<vmem>> -> memref<1x2x80xi32, #tpu.memory_space<vmem>>
    %dma_wait3A_62 = tpu.memref_squeeze %dma_wait3A_61 : memref<1x2x80xi32, #tpu.memory_space<vmem>> -> memref<2x80xi32, #tpu.memory_space<vmem>>
    %dma_wait3A_63 = arith.constant 0 : i32
    %dma_wait3A_64 = arith.constant 0 : i32
    %dma_wait3A_65 = tpu.memref_slice %arg3[%add3A, %dma_wait3A, %dma_wait3A_63, %dma_wait3A_64] : memref<32x125x2x80xi32, #tpu.memory_space<hbm>> -> memref<1x1x2x80xi32, #tpu.memory_space<hbm>>
    %dma_wait3A_66 = tpu.memref_squeeze %dma_wait3A_65 : memref<1x1x2x80xi32, #tpu.memory_space<hbm>> -> memref<2x80xi32, #tpu.memory_space<hbm>>
    %dma_wait3A_67 = arith.constant 0 : i32
    %dma_wait3A_68 = arith.constant 0 : i32
    %dma_wait3A_69 = tpu.memref_slice %arg5[%dma_wait3A_58, %dma_wait3A_67, %dma_wait3A_68] : memref<6x2x80xi32, #tpu.memory_space<vmem>> -> memref<1x2x80xi32, #tpu.memory_space<vmem>>
    %dma_wait3A_70 = tpu.memref_squeeze %dma_wait3A_69 : memref<1x2x80xi32, #tpu.memory_space<vmem>> -> memref<2x80xi32, #tpu.memory_space<vmem>>
    %dma_wait3A_71 = arith.constant 0 : i32
    %dma_wait3A_72 = arith.constant 0 : i32
    %dma_wait3A_73 = tpu.memref_slice %arg3[%add3A, %dma_wait3A, %dma_wait3A_71, %dma_wait3A_72] : memref<32x125x2x80xi32, #tpu.memory_space<hbm>> -> memref<1x1x2x80xi32, #tpu.memory_space<hbm>>
    %dma_wait3A_74 = tpu.memref_squeeze %dma_wait3A_73 : memref<1x1x2x80xi32, #tpu.memory_space<hbm>> -> memref<2x80xi32, #tpu.memory_space<hbm>>
    tpu.wait_dma2 semaphore(%arg13 : memref<!tpu.dma_semaphore, #tpu.memory_space<semaphore_mem>>) src(%dma_wait3A_74 : memref<2x80xi32, #tpu.memory_space<hbm>>) dst(%dma_wait3A_70 : memref<2x80xi32, #tpu.memory_space<vmem>>)
    %dma_start3A_75 = arith.constant 0 : i32
    %dma_start3A_76 = arith.constant 0 : i32
    %dma_start3A_77 = arith.constant 0 : i32
    %dma_start3A_78 = tpu.memref_slice %arg5[%dma_start3A_75, %dma_start3A_76, %dma_start3A_77] : memref<6x2x80xi32, #tpu.memory_space<vmem>> -> memref<1x1x80xi32, #tpu.memory_space<vmem>>
    %dma_start3A_79 = tpu.memref_squeeze %dma_start3A_78 : memref<1x1x80xi32, #tpu.memory_space<vmem>> -> memref<80xi32, #tpu.memory_space<vmem>>
    %dma_start3A_80 = arith.constant 0 : i32
    %dma_start3A_81 = arith.constant 0 : i32
    %dma_start3A_82 = tpu.memref_slice %arg2[%dma_start3A_80, %dma_start3A_81] : memref<10240x128xf32, #tpu.memory_space<hbm>> -> memref<10240x128xf32, #tpu.memory_space<hbm>>
    tpu.enqueue_indirect_dma source(%dma_start3A_82 : memref<10240x128xf32, #tpu.memory_space<hbm>>) target(%arg6 : memref<80x128xf32, #tpu.memory_space<vmem>>) offsets(%dma_start3A_79 : memref<80xi32, #tpu.memory_space<vmem>>) semaphore(%arg10 : memref<!tpu.dma_semaphore, #tpu.memory_space<semaphore_mem>>)
    %dma_start3A_83 = arith.constant 3 : i32
    %dma_start3A_84 = arith.constant 3 : i32
    %dma_start3A_85 = arith.constant 0 : i32
    %dma_start3A_86 = arith.constant 0 : i32
    %dma_start3A_87 = tpu.memref_slice %arg5[%dma_start3A_84, %dma_start3A_85, %dma_start3A_86] : memref<6x2x80xi32, #tpu.memory_space<vmem>> -> memref<1x2x80xi32, #tpu.memory_space<vmem>>
    %dma_start3A_88 = tpu.memref_squeeze %dma_start3A_87 : memref<1x2x80xi32, #tpu.memory_space<vmem>> -> memref<2x80xi32, #tpu.memory_space<vmem>>
    %dma_start3A_89 = arith.constant 0 : i32
    %dma_start3A_90 = arith.constant 0 : i32
    %dma_start3A_91 = tpu.memref_slice %arg3[%add3A, %dma_start3A_83, %dma_start3A_89, %dma_start3A_90] : memref<32x125x2x80xi32, #tpu.memory_space<hbm>> -> memref<1x1x2x80xi32, #tpu.memory_space<hbm>>
    %dma_start3A_92 = tpu.memref_squeeze %dma_start3A_91 : memref<1x1x2x80xi32, #tpu.memory_space<hbm>> -> memref<2x80xi32, #tpu.memory_space<hbm>>
    %dma_start3A_93 = arith.constant 0 : i32
    %dma_start3A_94 = arith.constant 0 : i32
    %dma_start3A_95 = tpu.memref_slice %arg5[%dma_start3A_84, %dma_start3A_93, %dma_start3A_94] : memref<6x2x80xi32, #tpu.memory_space<vmem>> -> memref<1x2x80xi32, #tpu.memory_space<vmem>>
    %dma_start3A_96 = tpu.memref_squeeze %dma_start3A_95 : memref<1x2x80xi32, #tpu.memory_space<vmem>> -> memref<2x80xi32, #tpu.memory_space<vmem>>
    %dma_start3A_97 = arith.constant 0 : i32
    %dma_start3A_98 = arith.constant 0 : i32
    %dma_start3A_99 = tpu.memref_slice %arg3[%add3A, %dma_start3A_83, %dma_start3A_97, %dma_start3A_98] : memref<32x125x2x80xi32, #tpu.memory_space<hbm>> -> memref<1x1x2x80xi32, #tpu.memory_space<hbm>>
    %dma_start3A_100 = tpu.memref_squeeze %dma_start3A_99 : memref<1x1x2x80xi32, #tpu.memory_space<hbm>> -> memref<2x80xi32, #tpu.memory_space<hbm>>
    tpu.enqueue_dma source(%dma_start3A_100 : memref<2x80xi32, #tpu.memory_space<hbm>>) target(%dma_start3A_96 : memref<2x80xi32, #tpu.memory_space<vmem>>) target_semaphore(%arg13 : memref<!tpu.dma_semaphore, #tpu.memory_space<semaphore_mem>>)
    %dma_wait3A_101 = arith.constant 0 : i32
    %dma_wait3A_102 = arith.constant 0 : i32
    %dma_wait3A_103 = arith.constant 0 : i32
    %dma_wait3A_104 = arith.constant 0 : i32
    %dma_wait3A_105 = tpu.memref_slice %arg5[%dma_wait3A_102, %dma_wait3A_103, %dma_wait3A_104] : memref<6x2x80xi32, #tpu.memory_space<vmem>> -> memref<1x2x80xi32, #tpu.memory_space<vmem>>
    %dma_wait3A_106 = tpu.memref_squeeze %dma_wait3A_105 : memref<1x2x80xi32, #tpu.memory_space<vmem>> -> memref<2x80xi32, #tpu.memory_space<vmem>>
    %dma_wait3A_107 = arith.constant 0 : i32
    %dma_wait3A_108 = arith.constant 0 : i32
    %dma_wait3A_109 = tpu.memref_slice %arg3[%add3A, %dma_wait3A_101, %dma_wait3A_107, %dma_wait3A_108] : memref<32x125x2x80xi32, #tpu.memory_space<hbm>> -> memref<1x1x2x80xi32, #tpu.memory_space<hbm>>
    %dma_wait3A_110 = tpu.memref_squeeze %dma_wait3A_109 : memref<1x1x2x80xi32, #tpu.memory_space<hbm>> -> memref<2x80xi32, #tpu.memory_space<hbm>>
    %dma_wait3A_111 = arith.constant 0 : i32
    %dma_wait3A_112 = arith.constant 0 : i32
    %dma_wait3A_113 = tpu.memref_slice %arg5[%dma_wait3A_102, %dma_wait3A_111, %dma_wait3A_112] : memref<6x2x80xi32, #tpu.memory_space<vmem>> -> memref<1x2x80xi32, #tpu.memory_space<vmem>>
    %dma_wait3A_114 = tpu.memref_squeeze %dma_wait3A_113 : memref<1x2x80xi32, #tpu.memory_space<vmem>> -> memref<2x80xi32, #tpu.memory_space<vmem>>
    %dma_wait3A_115 = arith.constant 0 : i32
    %dma_wait3A_116 = arith.constant 0 : i32
    %dma_wait3A_117 = tpu.memref_slice %arg3[%add3A, %dma_wait3A_101, %dma_wait3A_115, %dma_wait3A_116] : memref<32x125x2x80xi32, #tpu.memory_space<hbm>> -> memref<1x1x2x80xi32, #tpu.memory_space<hbm>>
    %dma_wait3A_118 = tpu.memref_squeeze %dma_wait3A_117 : memref<1x1x2x80xi32, #tpu.memory_space<hbm>> -> memref<2x80xi32, #tpu.memory_space<hbm>>
    tpu.wait_dma2 semaphore(%arg14 : memref<!tpu.dma_semaphore, #tpu.memory_space<semaphore_mem>>) src(%dma_wait3A_118 : memref<2x80xi32, #tpu.memory_space<hbm>>) dst(%dma_wait3A_114 : memref<2x80xi32, #tpu.memory_space<vmem>>)
    %dma_start3A_119 = arith.constant 1 : i32
    %dma_start3A_120 = arith.constant 0 : i32
    %dma_start3A_121 = arith.constant 0 : i32
    %dma_start3A_122 = tpu.memref_slice %arg5[%dma_start3A_119, %dma_start3A_120, %dma_start3A_121] : memref<6x2x80xi32, #tpu.memory_space<vmem>> -> memref<1x1x80xi32, #tpu.memory_space<vmem>>
    %dma_start3A_123 = tpu.memref_squeeze %dma_start3A_122 : memref<1x1x80xi32, #tpu.memory_space<vmem>> -> memref<80xi32, #tpu.memory_space<vmem>>
    %dma_start3A_124 = arith.constant 0 : i32
    %dma_start3A_125 = arith.constant 0 : i32
    %dma_start3A_126 = tpu.memref_slice %arg2[%dma_start3A_124, %dma_start3A_125] : memref<10240x128xf32, #tpu.memory_space<hbm>> -> memref<10240x128xf32, #tpu.memory_space<hbm>>
    tpu.enqueue_indirect_dma source(%dma_start3A_126 : memref<10240x128xf32, #tpu.memory_space<hbm>>) target(%arg7 : memref<80x128xf32, #tpu.memory_space<vmem>>) offsets(%dma_start3A_123 : memref<80xi32, #tpu.memory_space<vmem>>) semaphore(%arg11 : memref<!tpu.dma_semaphore, #tpu.memory_space<semaphore_mem>>)
    %dma_start3A_127 = arith.constant 4 : i32
    %dma_start3A_128 = arith.constant 4 : i32
    %dma_start3A_129 = arith.constant 0 : i32
    %dma_start3A_130 = arith.constant 0 : i32
    %dma_start3A_131 = tpu.memref_slice %arg5[%dma_start3A_128, %dma_start3A_129, %dma_start3A_130] : memref<6x2x80xi32, #tpu.memory_space<vmem>> -> memref<1x2x80xi32, #tpu.memory_space<vmem>>
    %dma_start3A_132 = tpu.memref_squeeze %dma_start3A_131 : memref<1x2x80xi32, #tpu.memory_space<vmem>> -> memref<2x80xi32, #tpu.memory_space<vmem>>
    %dma_start3A_133 = arith.constant 0 : i32
    %dma_start3A_134 = arith.constant 0 : i32
    %dma_start3A_135 = tpu.memref_slice %arg3[%add3A, %dma_start3A_127, %dma_start3A_133, %dma_start3A_134] : memref<32x125x2x80xi32, #tpu.memory_space<hbm>> -> memref<1x1x2x80xi32, #tpu.memory_space<hbm>>
    %dma_start3A_136 = tpu.memref_squeeze %dma_start3A_135 : memref<1x1x2x80xi32, #tpu.memory_space<hbm>> -> memref<2x80xi32, #tpu.memory_space<hbm>>
    %dma_start3A_137 = arith.constant 0 : i32
    %dma_start3A_138 = arith.constant 0 : i32
    %dma_start3A_139 = tpu.memref_slice %arg5[%dma_start3A_128, %dma_start3A_137, %dma_start3A_138] : memref<6x2x80xi32, #tpu.memory_space<vmem>> -> memref<1x2x80xi32, #tpu.memory_space<vmem>>
    %dma_start3A_140 = tpu.memref_squeeze %dma_start3A_139 : memref<1x2x80xi32, #tpu.memory_space<vmem>> -> memref<2x80xi32, #tpu.memory_space<vmem>>
    %dma_start3A_141 = arith.constant 0 : i32
    %dma_start3A_142 = arith.constant 0 : i32
    %dma_start3A_143 = tpu.memref_slice %arg3[%add3A, %dma_start3A_127, %dma_start3A_141, %dma_start3A_142] : memref<32x125x2x80xi32, #tpu.memory_space<hbm>> -> memref<1x1x2x80xi32, #tpu.memory_space<hbm>>
    %dma_start3A_144 = tpu.memref_squeeze %dma_start3A_143 : memref<1x1x2x80xi32, #tpu.memory_space<hbm>> -> memref<2x80xi32, #tpu.memory_space<hbm>>
    tpu.enqueue_dma source(%dma_start3A_144 : memref<2x80xi32, #tpu.memory_space<hbm>>) target(%dma_start3A_140 : memref<2x80xi32, #tpu.memory_space<vmem>>) target_semaphore(%arg14 : memref<!tpu.dma_semaphore, #tpu.memory_space<semaphore_mem>>)
    %dma_wait3A_145 = arith.constant 0 : i32
    %dma_wait3A_146 = arith.constant 0 : i32
    %dma_wait3A_147 = arith.constant 0 : i32
    %dma_wait3A_148 = arith.constant 0 : i32
    %dma_wait3A_149 = tpu.memref_slice %arg5[%dma_wait3A_146, %dma_wait3A_147, %dma_wait3A_148] : memref<6x2x80xi32, #tpu.memory_space<vmem>> -> memref<1x2x80xi32, #tpu.memory_space<vmem>>
    %dma_wait3A_150 = tpu.memref_squeeze %dma_wait3A_149 : memref<1x2x80xi32, #tpu.memory_space<vmem>> -> memref<2x80xi32, #tpu.memory_space<vmem>>
    %dma_wait3A_151 = arith.constant 0 : i32
    %dma_wait3A_152 = arith.constant 0 : i32
    %dma_wait3A_153 = tpu.memref_slice %arg3[%add3A, %dma_wait3A_145, %dma_wait3A_151, %dma_wait3A_152] : memref<32x125x2x80xi32, #tpu.memory_space<hbm>> -> memref<1x1x2x80xi32, #tpu.memory_space<hbm>>
    %dma_wait3A_154 = tpu.memref_squeeze %dma_wait3A_153 : memref<1x1x2x80xi32, #tpu.memory_space<hbm>> -> memref<2x80xi32, #tpu.memory_space<hbm>>
    %dma_wait3A_155 = arith.constant 0 : i32
    %dma_wait3A_156 = arith.constant 0 : i32
    %dma_wait3A_157 = tpu.memref_slice %arg5[%dma_wait3A_146, %dma_wait3A_155, %dma_wait3A_156] : memref<6x2x80xi32, #tpu.memory_space<vmem>> -> memref<1x2x80xi32, #tpu.memory_space<vmem>>
    %dma_wait3A_158 = tpu.memref_squeeze %dma_wait3A_157 : memref<1x2x80xi32, #tpu.memory_space<vmem>> -> memref<2x80xi32, #tpu.memory_space<vmem>>
    %dma_wait3A_159 = arith.constant 0 : i32
    %dma_wait3A_160 = arith.constant 0 : i32
    %dma_wait3A_161 = tpu.memref_slice %arg3[%add3A, %dma_wait3A_145, %dma_wait3A_159, %dma_wait3A_160] : memref<32x125x2x80xi32, #tpu.memory_space<hbm>> -> memref<1x1x2x80xi32, #tpu.memory_space<hbm>>
    %dma_wait3A_162 = tpu.memref_squeeze %dma_wait3A_161 : memref<1x1x2x80xi32, #tpu.memory_space<hbm>> -> memref<2x80xi32, #tpu.memory_space<hbm>>
    tpu.wait_dma2 semaphore(%arg15 : memref<!tpu.dma_semaphore, #tpu.memory_space<semaphore_mem>>) src(%dma_wait3A_162 : memref<2x80xi32, #tpu.memory_space<hbm>>) dst(%dma_wait3A_158 : memref<2x80xi32, #tpu.memory_space<vmem>>)
    %dma_start3A_163 = arith.constant 2 : i32
    %dma_start3A_164 = arith.constant 0 : i32
    %dma_start3A_165 = arith.constant 0 : i32
    %dma_start3A_166 = tpu.memref_slice %arg5[%dma_start3A_163, %dma_start3A_164, %dma_start3A_165] : memref<6x2x80xi32, #tpu.memory_space<vmem>> -> memref<1x1x80xi32, #tpu.memory_space<vmem>>
    %dma_start3A_167 = tpu.memref_squeeze %dma_start3A_166 : memref<1x1x80xi32, #tpu.memory_space<vmem>> -> memref<80xi32, #tpu.memory_space<vmem>>
    %dma_start3A_168 = arith.constant 0 : i32
    %dma_start3A_169 = arith.constant 0 : i32
    %dma_start3A_170 = tpu.memref_slice %arg2[%dma_start3A_168, %dma_start3A_169] : memref<10240x128xf32, #tpu.memory_space<hbm>> -> memref<10240x128xf32, #tpu.memory_space<hbm>>
    tpu.enqueue_indirect_dma source(%dma_start3A_170 : memref<10240x128xf32, #tpu.memory_space<hbm>>) target(%arg8 : memref<80x128xf32, #tpu.memory_space<vmem>>) offsets(%dma_start3A_167 : memref<80xi32, #tpu.memory_space<vmem>>) semaphore(%arg12 : memref<!tpu.dma_semaphore, #tpu.memory_space<semaphore_mem>>)
    %scan3A = arith.constant 0 : i32
    %scan3A_171 = arith.constant 0 : i32
    %scan3A_172 = arith.constant 40 : i32
    %scan3A_173 = arith.addi %scan3A_171, %scan3A_172 : i32
    %scan3A_174 = arith.constant 1 : i32
    scf.for %scan3A_272 = %scan3A_171 to %scan3A_173 step %scan3A_174  : i32 {
      %mul3A_273 = arith.constant 3 : i32
      %mul3A_274 = arith.muli %mul3A_273, %scan3A_272 : i32
      %add3A_275 = arith.constant 0 : i32
      %add3A_276 = arith.addi %mul3A_274, %add3A_275 : i32
      %dma_wait3A_277 = arith.constant 0 : i32
      %dma_wait3A_278 = arith.constant 0 : i32
      %dma_wait3A_279 = tpu.memref_slice %arg2[%dma_wait3A_277, %dma_wait3A_278] : memref<10240x128xf32, #tpu.memory_space<hbm>> -> memref<80x128xf32, #tpu.memory_space<hbm>>
      %dma_wait3A_280 = arith.constant 0 : i32
      %dma_wait3A_281 = arith.constant 0 : i32
      %dma_wait3A_282 = tpu.memref_slice %arg2[%dma_wait3A_280, %dma_wait3A_281] : memref<10240x128xf32, #tpu.memory_space<hbm>> -> memref<80x128xf32, #tpu.memory_space<hbm>>
      tpu.wait_dma2 semaphore(%arg10 : memref<!tpu.dma_semaphore, #tpu.memory_space<semaphore_mem>>) src(%dma_wait3A_282 : memref<80x128xf32, #tpu.memory_space<hbm>>) dst(%arg6 : memref<80x128xf32, #tpu.memory_space<vmem>>)
      %jit3A = arith.constant 6 : i32
      %eq3A = arith.constant 0 : i32
      %eq3A_283 = arith.cmpi eq, %jit3A, %eq3A : i32
      %jit3A_284 = arith.constant 1 : i32
      %select_n3A = arith.select %eq3A_283, %jit3A_284, %jit3A : i32
      %rem3A = arith.remsi %add3A_276, %select_n3A : i32
      %ne3A = arith.constant 0 : i32
      %ne3A_285 = arith.cmpi ne, %rem3A, %ne3A : i32
      %lt3A = arith.constant 0 : i32
      %lt3A_286 = arith.cmpi slt, %rem3A, %lt3A : i32
      %lt3A_287 = arith.constant 0 : i32
      %lt3A_288 = arith.cmpi slt, %select_n3A, %lt3A_287 : i32
      %ne3A_289 = arith.xori %lt3A_286, %lt3A_288 : i1
      %and3A = arith.andi %ne3A_289, %ne3A_285 : i1
      %add3A_290 = arith.addi %rem3A, %select_n3A : i32
      %select_n3A_291 = arith.select %and3A, %add3A_290, %rem3A : i32
      %run_scoped3A_292 = arith.constant 1 : i32
      "tpu.region"() ({
        %run_scoped3A_578 = tpu.sem_alloc : memref<!tpu.dma_semaphore, #tpu.memory_space<semaphore_mem>>
        %dma_start3A_579 = arith.constant 0 : i32
        %dma_start3A_580 = tpu.memref_slice %arg5[%select_n3A_291, %run_scoped3A_292, %dma_start3A_579] : memref<6x2x80xi32, #tpu.memory_space<vmem>> -> memref<1x1x80xi32, #tpu.memory_space<vmem>>
        %dma_start3A_581 = tpu.memref_squeeze %dma_start3A_580 : memref<1x1x80xi32, #tpu.memory_space<vmem>> -> memref<80xi32, #tpu.memory_space<vmem>>
        %dma_start3A_582 = arith.constant 0 : i32
        %dma_start3A_583 = arith.constant 0 : i32
        %dma_start3A_584 = tpu.memref_slice %arg9[%dma_start3A_582, %dma_start3A_583] : memref<10240x128xf32, #tpu.memory_space<vmem_shared>> -> memref<10240x128xf32, #tpu.memory_space<vmem_shared>>
        tpu.enqueue_indirect_dma source(%arg6 : memref<80x128xf32, #tpu.memory_space<vmem>>) target(%dma_start3A_584 : memref<10240x128xf32, #tpu.memory_space<vmem_shared>>) offsets(%dma_start3A_581 : memref<80xi32, #tpu.memory_space<vmem>>) semaphore(%run_scoped3A_578 : memref<!tpu.dma_semaphore, #tpu.memory_space<semaphore_mem>>) {add = true}
        %dma_wait3A_585 = arith.constant 0 : i32
        %dma_wait3A_586 = tpu.memref_slice %arg5[%select_n3A_291, %run_scoped3A_292, %dma_wait3A_585] : memref<6x2x80xi32, #tpu.memory_space<vmem>> -> memref<1x1x80xi32, #tpu.memory_space<vmem>>
        %dma_wait3A_587 = tpu.memref_squeeze %dma_wait3A_586 : memref<1x1x80xi32, #tpu.memory_space<vmem>> -> memref<80xi32, #tpu.memory_space<vmem>>
        %dma_wait3A_588 = arith.constant 0 : i32
        %dma_wait3A_589 = arith.constant 0 : i32
        %dma_wait3A_590 = tpu.memref_slice %arg9[%dma_wait3A_588, %dma_wait3A_589] : memref<10240x128xf32, #tpu.memory_space<vmem_shared>> -> memref<10240x128xf32, #tpu.memory_space<vmem_shared>>
        tpu.wait_indirect_dma semaphore(%run_scoped3A_578 : memref<!tpu.dma_semaphore, #tpu.memory_space<semaphore_mem>>) src(%arg6 : memref<80x128xf32, #tpu.memory_space<vmem>>) dst(%dma_wait3A_590 : memref<10240x128xf32, #tpu.memory_space<vmem_shared>>)
        tpu.yield
      }) : () -> ()
      %dma_wait3A_293 = arith.constant 0 : i32
      %dma_wait3A_294 = arith.constant 0 : i32
      %dma_wait3A_295 = arith.constant 0 : i32
      %dma_wait3A_296 = arith.constant 0 : i32
      %dma_wait3A_297 = tpu.memref_slice %arg5[%dma_wait3A_294, %dma_wait3A_295, %dma_wait3A_296] : memref<6x2x80xi32, #tpu.memory_space<vmem>> -> memref<1x2x80xi32, #tpu.memory_space<vmem>>
      %dma_wait3A_298 = tpu.memref_squeeze %dma_wait3A_297 : memref<1x2x80xi32, #tpu.memory_space<vmem>> -> memref<2x80xi32, #tpu.memory_space<vmem>>
      %dma_wait3A_299 = arith.constant 0 : i32
      %dma_wait3A_300 = arith.constant 0 : i32
      %dma_wait3A_301 = tpu.memref_slice %arg3[%add3A, %dma_wait3A_293, %dma_wait3A_299, %dma_wait3A_300] : memref<32x125x2x80xi32, #tpu.memory_space<hbm>> -> memref<1x1x2x80xi32, #tpu.memory_space<hbm>>
      %dma_wait3A_302 = tpu.memref_squeeze %dma_wait3A_301 : memref<1x1x2x80xi32, #tpu.memory_space<hbm>> -> memref<2x80xi32, #tpu.memory_space<hbm>>
      %dma_wait3A_303 = arith.constant 0 : i32
      %dma_wait3A_304 = arith.constant 0 : i32
      %dma_wait3A_305 = tpu.memref_slice %arg5[%dma_wait3A_294, %dma_wait3A_303, %dma_wait3A_304] : memref<6x2x80xi32, #tpu.memory_space<vmem>> -> memref<1x2x80xi32, #tpu.memory_space<vmem>>
      %dma_wait3A_306 = tpu.memref_squeeze %dma_wait3A_305 : memref<1x2x80xi32, #tpu.memory_space<vmem>> -> memref<2x80xi32, #tpu.memory_space<vmem>>
      %dma_wait3A_307 = arith.constant 0 : i32
      %dma_wait3A_308 = arith.constant 0 : i32
      %dma_wait3A_309 = tpu.memref_slice %arg3[%add3A, %dma_wait3A_293, %dma_wait3A_307, %dma_wait3A_308] : memref<32x125x2x80xi32, #tpu.memory_space<hbm>> -> memref<1x1x2x80xi32, #tpu.memory_space<hbm>>
      %dma_wait3A_310 = tpu.memref_squeeze %dma_wait3A_309 : memref<1x1x2x80xi32, #tpu.memory_space<hbm>> -> memref<2x80xi32, #tpu.memory_space<hbm>>
      tpu.wait_dma2 semaphore(%arg13 : memref<!tpu.dma_semaphore, #tpu.memory_space<semaphore_mem>>) src(%dma_wait3A_310 : memref<2x80xi32, #tpu.memory_space<hbm>>) dst(%dma_wait3A_306 : memref<2x80xi32, #tpu.memory_space<vmem>>)
      %add3A_311 = arith.constant 3 : i32
      %add3A_312 = arith.addi %add3A_276, %add3A_311 : i32
      %jit3A_313 = arith.constant 6 : i32
      %eq3A_314 = arith.constant 0 : i32
      %eq3A_315 = arith.cmpi eq, %jit3A_313, %eq3A_314 : i32
      %jit3A_316 = arith.constant 1 : i32
      %select_n3A_317 = arith.select %eq3A_315, %jit3A_316, %jit3A_313 : i32
      %rem3A_318 = arith.remsi %add3A_312, %select_n3A_317 : i32
      %ne3A_319 = arith.constant 0 : i32
      %ne3A_320 = arith.cmpi ne, %rem3A_318, %ne3A_319 : i32
      %lt3A_321 = arith.constant 0 : i32
      %lt3A_322 = arith.cmpi slt, %rem3A_318, %lt3A_321 : i32
      %lt3A_323 = arith.constant 0 : i32
      %lt3A_324 = arith.cmpi slt, %select_n3A_317, %lt3A_323 : i32
      %ne3A_325 = arith.xori %lt3A_322, %lt3A_324 : i1
      %and3A_326 = arith.andi %ne3A_325, %ne3A_320 : i1
      %add3A_327 = arith.addi %rem3A_318, %select_n3A_317 : i32
      %select_n3A_328 = arith.select %and3A_326, %add3A_327, %rem3A_318 : i32
      %dma_start3A_329 = arith.constant 0 : i32
      %dma_start3A_330 = arith.constant 0 : i32
      %dma_start3A_331 = tpu.memref_slice %arg5[%select_n3A_328, %dma_start3A_329, %dma_start3A_330] : memref<6x2x80xi32, #tpu.memory_space<vmem>> -> memref<1x1x80xi32, #tpu.memory_space<vmem>>
      %dma_start3A_332 = tpu.memref_squeeze %dma_start3A_331 : memref<1x1x80xi32, #tpu.memory_space<vmem>> -> memref<80xi32, #tpu.memory_space<vmem>>
      %dma_start3A_333 = arith.constant 0 : i32
      %dma_start3A_334 = arith.constant 0 : i32
      %dma_start3A_335 = tpu.memref_slice %arg2[%dma_start3A_333, %dma_start3A_334] : memref<10240x128xf32, #tpu.memory_space<hbm>> -> memref<10240x128xf32, #tpu.memory_space<hbm>>
      tpu.enqueue_indirect_dma source(%dma_start3A_335 : memref<10240x128xf32, #tpu.memory_space<hbm>>) target(%arg6 : memref<80x128xf32, #tpu.memory_space<vmem>>) offsets(%dma_start3A_332 : memref<80xi32, #tpu.memory_space<vmem>>) semaphore(%arg10 : memref<!tpu.dma_semaphore, #tpu.memory_space<semaphore_mem>>)
      %add3A_336 = arith.constant 5 : i32
      %add3A_337 = arith.addi %add3A_276, %add3A_336 : i32
      %jit3A_338 = arith.constant 6 : i32
      %eq3A_339 = arith.constant 0 : i32
      %eq3A_340 = arith.cmpi eq, %jit3A_338, %eq3A_339 : i32
      %jit3A_341 = arith.constant 1 : i32
      %select_n3A_342 = arith.select %eq3A_340, %jit3A_341, %jit3A_338 : i32
      %rem3A_343 = arith.remsi %add3A_337, %select_n3A_342 : i32
      %ne3A_344 = arith.constant 0 : i32
      %ne3A_345 = arith.cmpi ne, %rem3A_343, %ne3A_344 : i32
      %lt3A_346 = arith.constant 0 : i32
      %lt3A_347 = arith.cmpi slt, %rem3A_343, %lt3A_346 : i32
      %lt3A_348 = arith.constant 0 : i32
      %lt3A_349 = arith.cmpi slt, %select_n3A_342, %lt3A_348 : i32
      %ne3A_350 = arith.xori %lt3A_347, %lt3A_349 : i1
      %and3A_351 = arith.andi %ne3A_350, %ne3A_345 : i1
      %add3A_352 = arith.addi %rem3A_343, %select_n3A_342 : i32
      %select_n3A_353 = arith.select %and3A_351, %add3A_352, %rem3A_343 : i32
      %dma_start3A_354 = arith.constant 0 : i32
      %dma_start3A_355 = arith.constant 0 : i32
      %dma_start3A_356 = tpu.memref_slice %arg5[%select_n3A_353, %dma_start3A_354, %dma_start3A_355] : memref<6x2x80xi32, #tpu.memory_space<vmem>> -> memref<1x2x80xi32, #tpu.memory_space<vmem>>
      %dma_start3A_357 = tpu.memref_squeeze %dma_start3A_356 : memref<1x2x80xi32, #tpu.memory_space<vmem>> -> memref<2x80xi32, #tpu.memory_space<vmem>>
      %dma_start3A_358 = arith.constant 0 : i32
      %dma_start3A_359 = arith.constant 0 : i32
      %dma_start3A_360 = tpu.memref_slice %arg3[%add3A, %add3A_337, %dma_start3A_358, %dma_start3A_359] : memref<32x125x2x80xi32, #tpu.memory_space<hbm>> -> memref<1x1x2x80xi32, #tpu.memory_space<hbm>>
      %dma_start3A_361 = tpu.memref_squeeze %dma_start3A_360 : memref<1x1x2x80xi32, #tpu.memory_space<hbm>> -> memref<2x80xi32, #tpu.memory_space<hbm>>
      %dma_start3A_362 = arith.constant 0 : i32
      %dma_start3A_363 = arith.constant 0 : i32
      %dma_start3A_364 = tpu.memref_slice %arg5[%select_n3A_353, %dma_start3A_362, %dma_start3A_363] : memref<6x2x80xi32, #tpu.memory_space<vmem>> -> memref<1x2x80xi32, #tpu.memory_space<vmem>>
      %dma_start3A_365 = tpu.memref_squeeze %dma_start3A_364 : memref<1x2x80xi32, #tpu.memory_space<vmem>> -> memref<2x80xi32, #tpu.memory_space<vmem>>
      %dma_start3A_366 = arith.constant 0 : i32
      %dma_start3A_367 = arith.constant 0 : i32
      %dma_start3A_368 = tpu.memref_slice %arg3[%add3A, %add3A_337, %dma_start3A_366, %dma_start3A_367] : memref<32x125x2x80xi32, #tpu.memory_space<hbm>> -> memref<1x1x2x80xi32, #tpu.memory_space<hbm>>
      %dma_start3A_369 = tpu.memref_squeeze %dma_start3A_368 : memref<1x1x2x80xi32, #tpu.memory_space<hbm>> -> memref<2x80xi32, #tpu.memory_space<hbm>>
      tpu.enqueue_dma source(%dma_start3A_369 : memref<2x80xi32, #tpu.memory_space<hbm>>) target(%dma_start3A_365 : memref<2x80xi32, #tpu.memory_space<vmem>>) target_semaphore(%arg15 : memref<!tpu.dma_semaphore, #tpu.memory_space<semaphore_mem>>)
      %mul3A_370 = arith.constant 3 : i32
      %mul3A_371 = arith.muli %mul3A_370, %scan3A_272 : i32
      %add3A_372 = arith.constant 1 : i32
      %add3A_373 = arith.addi %mul3A_371, %add3A_372 : i32
      %dma_wait3A_374 = arith.constant 0 : i32
      %dma_wait3A_375 = arith.constant 0 : i32
      %dma_wait3A_376 = tpu.memref_slice %arg2[%dma_wait3A_374, %dma_wait3A_375] : memref<10240x128xf32, #tpu.memory_space<hbm>> -> memref<80x128xf32, #tpu.memory_space<hbm>>
      %dma_wait3A_377 = arith.constant 0 : i32
      %dma_wait3A_378 = arith.constant 0 : i32
      %dma_wait3A_379 = tpu.memref_slice %arg2[%dma_wait3A_377, %dma_wait3A_378] : memref<10240x128xf32, #tpu.memory_space<hbm>> -> memref<80x128xf32, #tpu.memory_space<hbm>>
      tpu.wait_dma2 semaphore(%arg11 : memref<!tpu.dma_semaphore, #tpu.memory_space<semaphore_mem>>) src(%dma_wait3A_379 : memref<80x128xf32, #tpu.memory_space<hbm>>) dst(%arg7 : memref<80x128xf32, #tpu.memory_space<vmem>>)
      %jit3A_380 = arith.constant 6 : i32
      %eq3A_381 = arith.constant 0 : i32
      %eq3A_382 = arith.cmpi eq, %jit3A_380, %eq3A_381 : i32
      %jit3A_383 = arith.constant 1 : i32
      %select_n3A_384 = arith.select %eq3A_382, %jit3A_383, %jit3A_380 : i32
      %rem3A_385 = arith.remsi %add3A_373, %select_n3A_384 : i32
      %ne3A_386 = arith.constant 0 : i32
      %ne3A_387 = arith.cmpi ne, %rem3A_385, %ne3A_386 : i32
      %lt3A_388 = arith.constant 0 : i32
      %lt3A_389 = arith.cmpi slt, %rem3A_385, %lt3A_388 : i32
      %lt3A_390 = arith.constant 0 : i32
      %lt3A_391 = arith.cmpi slt, %select_n3A_384, %lt3A_390 : i32
      %ne3A_392 = arith.xori %lt3A_389, %lt3A_391 : i1
      %and3A_393 = arith.andi %ne3A_392, %ne3A_387 : i1
      %add3A_394 = arith.addi %rem3A_385, %select_n3A_384 : i32
      %select_n3A_395 = arith.select %and3A_393, %add3A_394, %rem3A_385 : i32
      %run_scoped3A_396 = arith.constant 1 : i32
      "tpu.region"() ({
        %run_scoped3A_578 = tpu.sem_alloc : memref<!tpu.dma_semaphore, #tpu.memory_space<semaphore_mem>>
        %dma_start3A_579 = arith.constant 0 : i32
        %dma_start3A_580 = tpu.memref_slice %arg5[%select_n3A_395, %run_scoped3A_396, %dma_start3A_579] : memref<6x2x80xi32, #tpu.memory_space<vmem>> -> memref<1x1x80xi32, #tpu.memory_space<vmem>>
        %dma_start3A_581 = tpu.memref_squeeze %dma_start3A_580 : memref<1x1x80xi32, #tpu.memory_space<vmem>> -> memref<80xi32, #tpu.memory_space<vmem>>
        %dma_start3A_582 = arith.constant 0 : i32
        %dma_start3A_583 = arith.constant 0 : i32
        %dma_start3A_584 = tpu.memref_slice %arg9[%dma_start3A_582, %dma_start3A_583] : memref<10240x128xf32, #tpu.memory_space<vmem_shared>> -> memref<10240x128xf32, #tpu.memory_space<vmem_shared>>
        tpu.enqueue_indirect_dma source(%arg7 : memref<80x128xf32, #tpu.memory_space<vmem>>) target(%dma_start3A_584 : memref<10240x128xf32, #tpu.memory_space<vmem_shared>>) offsets(%dma_start3A_581 : memref<80xi32, #tpu.memory_space<vmem>>) semaphore(%run_scoped3A_578 : memref<!tpu.dma_semaphore, #tpu.memory_space<semaphore_mem>>) {add = true}
        %dma_wait3A_585 = arith.constant 0 : i32
        %dma_wait3A_586 = tpu.memref_slice %arg5[%select_n3A_395, %run_scoped3A_396, %dma_wait3A_585] : memref<6x2x80xi32, #tpu.memory_space<vmem>> -> memref<1x1x80xi32, #tpu.memory_space<vmem>>
        %dma_wait3A_587 = tpu.memref_squeeze %dma_wait3A_586 : memref<1x1x80xi32, #tpu.memory_space<vmem>> -> memref<80xi32, #tpu.memory_space<vmem>>
        %dma_wait3A_588 = arith.constant 0 : i32
        %dma_wait3A_589 = arith.constant 0 : i32
        %dma_wait3A_590 = tpu.memref_slice %arg9[%dma_wait3A_588, %dma_wait3A_589] : memref<10240x128xf32, #tpu.memory_space<vmem_shared>> -> memref<10240x128xf32, #tpu.memory_space<vmem_shared>>
        tpu.wait_indirect_dma semaphore(%run_scoped3A_578 : memref<!tpu.dma_semaphore, #tpu.memory_space<semaphore_mem>>) src(%arg7 : memref<80x128xf32, #tpu.memory_space<vmem>>) dst(%dma_wait3A_590 : memref<10240x128xf32, #tpu.memory_space<vmem_shared>>)
        tpu.yield
      }) : () -> ()
      %dma_wait3A_397 = arith.constant 0 : i32
      %dma_wait3A_398 = arith.constant 0 : i32
      %dma_wait3A_399 = arith.constant 0 : i32
      %dma_wait3A_400 = arith.constant 0 : i32
      %dma_wait3A_401 = tpu.memref_slice %arg5[%dma_wait3A_398, %dma_wait3A_399, %dma_wait3A_400] : memref<6x2x80xi32, #tpu.memory_space<vmem>> -> memref<1x2x80xi32, #tpu.memory_space<vmem>>
      %dma_wait3A_402 = tpu.memref_squeeze %dma_wait3A_401 : memref<1x2x80xi32, #tpu.memory_space<vmem>> -> memref<2x80xi32, #tpu.memory_space<vmem>>
      %dma_wait3A_403 = arith.constant 0 : i32
      %dma_wait3A_404 = arith.constant 0 : i32
      %dma_wait3A_405 = tpu.memref_slice %arg3[%add3A, %dma_wait3A_397, %dma_wait3A_403, %dma_wait3A_404] : memref<32x125x2x80xi32, #tpu.memory_space<hbm>> -> memref<1x1x2x80xi32, #tpu.memory_space<hbm>>
      %dma_wait3A_406 = tpu.memref_squeeze %dma_wait3A_405 : memref<1x1x2x80xi32, #tpu.memory_space<hbm>> -> memref<2x80xi32, #tpu.memory_space<hbm>>
      %dma_wait3A_407 = arith.constant 0 : i32
      %dma_wait3A_408 = arith.constant 0 : i32
      %dma_wait3A_409 = tpu.memref_slice %arg5[%dma_wait3A_398, %dma_wait3A_407, %dma_wait3A_408] : memref<6x2x80xi32, #tpu.memory_space<vmem>> -> memref<1x2x80xi32, #tpu.memory_space<vmem>>
      %dma_wait3A_410 = tpu.memref_squeeze %dma_wait3A_409 : memref<1x2x80xi32, #tpu.memory_space<vmem>> -> memref<2x80xi32, #tpu.memory_space<vmem>>
      %dma_wait3A_411 = arith.constant 0 : i32
      %dma_wait3A_412 = arith.constant 0 : i32
      %dma_wait3A_413 = tpu.memref_slice %arg3[%add3A, %dma_wait3A_397, %dma_wait3A_411, %dma_wait3A_412] : memref<32x125x2x80xi32, #tpu.memory_space<hbm>> -> memref<1x1x2x80xi32, #tpu.memory_space<hbm>>
      %dma_wait3A_414 = tpu.memref_squeeze %dma_wait3A_413 : memref<1x1x2x80xi32, #tpu.memory_space<hbm>> -> memref<2x80xi32, #tpu.memory_space<hbm>>
      tpu.wait_dma2 semaphore(%arg14 : memref<!tpu.dma_semaphore, #tpu.memory_space<semaphore_mem>>) src(%dma_wait3A_414 : memref<2x80xi32, #tpu.memory_space<hbm>>) dst(%dma_wait3A_410 : memref<2x80xi32, #tpu.memory_space<vmem>>)
      %add3A_415 = arith.constant 3 : i32
      %add3A_416 = arith.addi %add3A_373, %add3A_415 : i32
      %jit3A_417 = arith.constant 6 : i32
      %eq3A_418 = arith.constant 0 : i32
      %eq3A_419 = arith.cmpi eq, %jit3A_417, %eq3A_418 : i32
      %jit3A_420 = arith.constant 1 : i32
      %select_n3A_421 = arith.select %eq3A_419, %jit3A_420, %jit3A_417 : i32
      %rem3A_422 = arith.remsi %add3A_416, %select_n3A_421 : i32
      %ne3A_423 = arith.constant 0 : i32
      %ne3A_424 = arith.cmpi ne, %rem3A_422, %ne3A_423 : i32
      %lt3A_425 = arith.constant 0 : i32
      %lt3A_426 = arith.cmpi slt, %rem3A_422, %lt3A_425 : i32
      %lt3A_427 = arith.constant 0 : i32
      %lt3A_428 = arith.cmpi slt, %select_n3A_421, %lt3A_427 : i32
      %ne3A_429 = arith.xori %lt3A_426, %lt3A_428 : i1
      %and3A_430 = arith.andi %ne3A_429, %ne3A_424 : i1
      %add3A_431 = arith.addi %rem3A_422, %select_n3A_421 : i32
      %select_n3A_432 = arith.select %and3A_430, %add3A_431, %rem3A_422 : i32
      %dma_start3A_433 = arith.constant 0 : i32
      %dma_start3A_434 = arith.constant 0 : i32
      %dma_start3A_435 = tpu.memref_slice %arg5[%select_n3A_432, %dma_start3A_433, %dma_start3A_434] : memref<6x2x80xi32, #tpu.memory_space<vmem>> -> memref<1x1x80xi32, #tpu.memory_space<vmem>>
      %dma_start3A_436 = tpu.memref_squeeze %dma_start3A_435 : memref<1x1x80xi32, #tpu.memory_space<vmem>> -> memref<80xi32, #tpu.memory_space<vmem>>
      %dma_start3A_437 = arith.constant 0 : i32
      %dma_start3A_438 = arith.constant 0 : i32
      %dma_start3A_439 = tpu.memref_slice %arg2[%dma_start3A_437, %dma_start3A_438] : memref<10240x128xf32, #tpu.memory_space<hbm>> -> memref<10240x128xf32, #tpu.memory_space<hbm>>
      tpu.enqueue_indirect_dma source(%dma_start3A_439 : memref<10240x128xf32, #tpu.memory_space<hbm>>) target(%arg7 : memref<80x128xf32, #tpu.memory_space<vmem>>) offsets(%dma_start3A_436 : memref<80xi32, #tpu.memory_space<vmem>>) semaphore(%arg11 : memref<!tpu.dma_semaphore, #tpu.memory_space<semaphore_mem>>)
      %add3A_440 = arith.constant 5 : i32
      %add3A_441 = arith.addi %add3A_373, %add3A_440 : i32
      %jit3A_442 = arith.constant 6 : i32
      %eq3A_443 = arith.constant 0 : i32
      %eq3A_444 = arith.cmpi eq, %jit3A_442, %eq3A_443 : i32
      %jit3A_445 = arith.constant 1 : i32
      %select_n3A_446 = arith.select %eq3A_444, %jit3A_445, %jit3A_442 : i32
      %rem3A_447 = arith.remsi %add3A_441, %select_n3A_446 : i32
      %ne3A_448 = arith.constant 0 : i32
      %ne3A_449 = arith.cmpi ne, %rem3A_447, %ne3A_448 : i32
      %lt3A_450 = arith.constant 0 : i32
      %lt3A_451 = arith.cmpi slt, %rem3A_447, %lt3A_450 : i32
      %lt3A_452 = arith.constant 0 : i32
      %lt3A_453 = arith.cmpi slt, %select_n3A_446, %lt3A_452 : i32
      %ne3A_454 = arith.xori %lt3A_451, %lt3A_453 : i1
      %and3A_455 = arith.andi %ne3A_454, %ne3A_449 : i1
      %add3A_456 = arith.addi %rem3A_447, %select_n3A_446 : i32
      %select_n3A_457 = arith.select %and3A_455, %add3A_456, %rem3A_447 : i32
      %dma_start3A_458 = arith.constant 0 : i32
      %dma_start3A_459 = arith.constant 0 : i32
      %dma_start3A_460 = tpu.memref_slice %arg5[%select_n3A_457, %dma_start3A_458, %dma_start3A_459] : memref<6x2x80xi32, #tpu.memory_space<vmem>> -> memref<1x2x80xi32, #tpu.memory_space<vmem>>
      %dma_start3A_461 = tpu.memref_squeeze %dma_start3A_460 : memref<1x2x80xi32, #tpu.memory_space<vmem>> -> memref<2x80xi32, #tpu.memory_space<vmem>>
      %dma_start3A_462 = arith.constant 0 : i32
      %dma_start3A_463 = arith.constant 0 : i32
      %dma_start3A_464 = tpu.memref_slice %arg3[%add3A, %add3A_441, %dma_start3A_462, %dma_start3A_463] : memref<32x125x2x80xi32, #tpu.memory_space<hbm>> -> memref<1x1x2x80xi32, #tpu.memory_space<hbm>>
      %dma_start3A_465 = tpu.memref_squeeze %dma_start3A_464 : memref<1x1x2x80xi32, #tpu.memory_space<hbm>> -> memref<2x80xi32, #tpu.memory_space<hbm>>
      %dma_start3A_466 = arith.constant 0 : i32
      %dma_start3A_467 = arith.constant 0 : i32
      %dma_start3A_468 = tpu.memref_slice %arg5[%select_n3A_457, %dma_start3A_466, %dma_start3A_467] : memref<6x2x80xi32, #tpu.memory_space<vmem>> -> memref<1x2x80xi32, #tpu.memory_space<vmem>>
      %dma_start3A_469 = tpu.memref_squeeze %dma_start3A_468 : memref<1x2x80xi32, #tpu.memory_space<vmem>> -> memref<2x80xi32, #tpu.memory_space<vmem>>
      %dma_start3A_470 = arith.constant 0 : i32
      %dma_start3A_471 = arith.constant 0 : i32
      %dma_start3A_472 = tpu.memref_slice %arg3[%add3A, %add3A_441, %dma_start3A_470, %dma_start3A_471] : memref<32x125x2x80xi32, #tpu.memory_space<hbm>> -> memref<1x1x2x80xi32, #tpu.memory_space<hbm>>
      %dma_start3A_473 = tpu.memref_squeeze %dma_start3A_472 : memref<1x1x2x80xi32, #tpu.memory_space<hbm>> -> memref<2x80xi32, #tpu.memory_space<hbm>>
      tpu.enqueue_dma source(%dma_start3A_473 : memref<2x80xi32, #tpu.memory_space<hbm>>) target(%dma_start3A_469 : memref<2x80xi32, #tpu.memory_space<vmem>>) target_semaphore(%arg13 : memref<!tpu.dma_semaphore, #tpu.memory_space<semaphore_mem>>)
      %mul3A_474 = arith.constant 3 : i32
      %mul3A_475 = arith.muli %mul3A_474, %scan3A_272 : i32
      %add3A_476 = arith.constant 2 : i32
      %add3A_477 = arith.addi %mul3A_475, %add3A_476 : i32
      %dma_wait3A_478 = arith.constant 0 : i32
      %dma_wait3A_479 = arith.constant 0 : i32
      %dma_wait3A_480 = tpu.memref_slice %arg2[%dma_wait3A_478, %dma_wait3A_479] : memref<10240x128xf32, #tpu.memory_space<hbm>> -> memref<80x128xf32, #tpu.memory_space<hbm>>
      %dma_wait3A_481 = arith.constant 0 : i32
      %dma_wait3A_482 = arith.constant 0 : i32
      %dma_wait3A_483 = tpu.memref_slice %arg2[%dma_wait3A_481, %dma_wait3A_482] : memref<10240x128xf32, #tpu.memory_space<hbm>> -> memref<80x128xf32, #tpu.memory_space<hbm>>
      tpu.wait_dma2 semaphore(%arg12 : memref<!tpu.dma_semaphore, #tpu.memory_space<semaphore_mem>>) src(%dma_wait3A_483 : memref<80x128xf32, #tpu.memory_space<hbm>>) dst(%arg8 : memref<80x128xf32, #tpu.memory_space<vmem>>)
      %jit3A_484 = arith.constant 6 : i32
      %eq3A_485 = arith.constant 0 : i32
      %eq3A_486 = arith.cmpi eq, %jit3A_484, %eq3A_485 : i32
      %jit3A_487 = arith.constant 1 : i32
      %select_n3A_488 = arith.select %eq3A_486, %jit3A_487, %jit3A_484 : i32
      %rem3A_489 = arith.remsi %add3A_477, %select_n3A_488 : i32
      %ne3A_490 = arith.constant 0 : i32
      %ne3A_491 = arith.cmpi ne, %rem3A_489, %ne3A_490 : i32
      %lt3A_492 = arith.constant 0 : i32
      %lt3A_493 = arith.cmpi slt, %rem3A_489, %lt3A_492 : i32
      %lt3A_494 = arith.constant 0 : i32
      %lt3A_495 = arith.cmpi slt, %select_n3A_488, %lt3A_494 : i32
      %ne3A_496 = arith.xori %lt3A_493, %lt3A_495 : i1
      %and3A_497 = arith.andi %ne3A_496, %ne3A_491 : i1
      %add3A_498 = arith.addi %rem3A_489, %select_n3A_488 : i32
      %select_n3A_499 = arith.select %and3A_497, %add3A_498, %rem3A_489 : i32
      %run_scoped3A_500 = arith.constant 1 : i32
      "tpu.region"() ({
        %run_scoped3A_578 = tpu.sem_alloc : memref<!tpu.dma_semaphore, #tpu.memory_space<semaphore_mem>>
        %dma_start3A_579 = arith.constant 0 : i32
        %dma_start3A_580 = tpu.memref_slice %arg5[%select_n3A_499, %run_scoped3A_500, %dma_start3A_579] : memref<6x2x80xi32, #tpu.memory_space<vmem>> -> memref<1x1x80xi32, #tpu.memory_space<vmem>>
        %dma_start3A_581 = tpu.memref_squeeze %dma_start3A_580 : memref<1x1x80xi32, #tpu.memory_space<vmem>> -> memref<80xi32, #tpu.memory_space<vmem>>
        %dma_start3A_582 = arith.constant 0 : i32
        %dma_start3A_583 = arith.constant 0 : i32
        %dma_start3A_584 = tpu.memref_slice %arg9[%dma_start3A_582, %dma_start3A_583] : memref<10240x128xf32, #tpu.memory_space<vmem_shared>> -> memref<10240x128xf32, #tpu.memory_space<vmem_shared>>
        tpu.enqueue_indirect_dma source(%arg8 : memref<80x128xf32, #tpu.memory_space<vmem>>) target(%dma_start3A_584 : memref<10240x128xf32, #tpu.memory_space<vmem_shared>>) offsets(%dma_start3A_581 : memref<80xi32, #tpu.memory_space<vmem>>) semaphore(%run_scoped3A_578 : memref<!tpu.dma_semaphore, #tpu.memory_space<semaphore_mem>>) {add = true}
        %dma_wait3A_585 = arith.constant 0 : i32
        %dma_wait3A_586 = tpu.memref_slice %arg5[%select_n3A_499, %run_scoped3A_500, %dma_wait3A_585] : memref<6x2x80xi32, #tpu.memory_space<vmem>> -> memref<1x1x80xi32, #tpu.memory_space<vmem>>
        %dma_wait3A_587 = tpu.memref_squeeze %dma_wait3A_586 : memref<1x1x80xi32, #tpu.memory_space<vmem>> -> memref<80xi32, #tpu.memory_space<vmem>>
        %dma_wait3A_588 = arith.constant 0 : i32
        %dma_wait3A_589 = arith.constant 0 : i32
        %dma_wait3A_590 = tpu.memref_slice %arg9[%dma_wait3A_588, %dma_wait3A_589] : memref<10240x128xf32, #tpu.memory_space<vmem_shared>> -> memref<10240x128xf32, #tpu.memory_space<vmem_shared>>
        tpu.wait_indirect_dma semaphore(%run_scoped3A_578 : memref<!tpu.dma_semaphore, #tpu.memory_space<semaphore_mem>>) src(%arg8 : memref<80x128xf32, #tpu.memory_space<vmem>>) dst(%dma_wait3A_590 : memref<10240x128xf32, #tpu.memory_space<vmem_shared>>)
        tpu.yield
      }) : () -> ()
      %dma_wait3A_501 = arith.constant 0 : i32
      %dma_wait3A_502 = arith.constant 0 : i32
      %dma_wait3A_503 = arith.constant 0 : i32
      %dma_wait3A_504 = arith.constant 0 : i32
      %dma_wait3A_505 = tpu.memref_slice %arg5[%dma_wait3A_502, %dma_wait3A_503, %dma_wait3A_504] : memref<6x2x80xi32, #tpu.memory_space<vmem>> -> memref<1x2x80xi32, #tpu.memory_space<vmem>>
      %dma_wait3A_506 = tpu.memref_squeeze %dma_wait3A_505 : memref<1x2x80xi32, #tpu.memory_space<vmem>> -> memref<2x80xi32, #tpu.memory_space<vmem>>
      %dma_wait3A_507 = arith.constant 0 : i32
      %dma_wait3A_508 = arith.constant 0 : i32
      %dma_wait3A_509 = tpu.memref_slice %arg3[%add3A, %dma_wait3A_501, %dma_wait3A_507, %dma_wait3A_508] : memref<32x125x2x80xi32, #tpu.memory_space<hbm>> -> memref<1x1x2x80xi32, #tpu.memory_space<hbm>>
      %dma_wait3A_510 = tpu.memref_squeeze %dma_wait3A_509 : memref<1x1x2x80xi32, #tpu.memory_space<hbm>> -> memref<2x80xi32, #tpu.memory_space<hbm>>
      %dma_wait3A_511 = arith.constant 0 : i32
      %dma_wait3A_512 = arith.constant 0 : i32
      %dma_wait3A_513 = tpu.memref_slice %arg5[%dma_wait3A_502, %dma_wait3A_511, %dma_wait3A_512] : memref<6x2x80xi32, #tpu.memory_space<vmem>> -> memref<1x2x80xi32, #tpu.memory_space<vmem>>
      %dma_wait3A_514 = tpu.memref_squeeze %dma_wait3A_513 : memref<1x2x80xi32, #tpu.memory_space<vmem>> -> memref<2x80xi32, #tpu.memory_space<vmem>>
      %dma_wait3A_515 = arith.constant 0 : i32
      %dma_wait3A_516 = arith.constant 0 : i32
      %dma_wait3A_517 = tpu.memref_slice %arg3[%add3A, %dma_wait3A_501, %dma_wait3A_515, %dma_wait3A_516] : memref<32x125x2x80xi32, #tpu.memory_space<hbm>> -> memref<1x1x2x80xi32, #tpu.memory_space<hbm>>
      %dma_wait3A_518 = tpu.memref_squeeze %dma_wait3A_517 : memref<1x1x2x80xi32, #tpu.memory_space<hbm>> -> memref<2x80xi32, #tpu.memory_space<hbm>>
      tpu.wait_dma2 semaphore(%arg15 : memref<!tpu.dma_semaphore, #tpu.memory_space<semaphore_mem>>) src(%dma_wait3A_518 : memref<2x80xi32, #tpu.memory_space<hbm>>) dst(%dma_wait3A_514 : memref<2x80xi32, #tpu.memory_space<vmem>>)
      %add3A_519 = arith.constant 3 : i32
      %add3A_520 = arith.addi %add3A_477, %add3A_519 : i32
      %jit3A_521 = arith.constant 6 : i32
      %eq3A_522 = arith.constant 0 : i32
      %eq3A_523 = arith.cmpi eq, %jit3A_521, %eq3A_522 : i32
      %jit3A_524 = arith.constant 1 : i32
      %select_n3A_525 = arith.select %eq3A_523, %jit3A_524, %jit3A_521 : i32
      %rem3A_526 = arith.remsi %add3A_520, %select_n3A_525 : i32
      %ne3A_527 = arith.constant 0 : i32
      %ne3A_528 = arith.cmpi ne, %rem3A_526, %ne3A_527 : i32
      %lt3A_529 = arith.constant 0 : i32
      %lt3A_530 = arith.cmpi slt, %rem3A_526, %lt3A_529 : i32
      %lt3A_531 = arith.constant 0 : i32
      %lt3A_532 = arith.cmpi slt, %select_n3A_525, %lt3A_531 : i32
      %ne3A_533 = arith.xori %lt3A_530, %lt3A_532 : i1
      %and3A_534 = arith.andi %ne3A_533, %ne3A_528 : i1
      %add3A_535 = arith.addi %rem3A_526, %select_n3A_525 : i32
      %select_n3A_536 = arith.select %and3A_534, %add3A_535, %rem3A_526 : i32
      %dma_start3A_537 = arith.constant 0 : i32
      %dma_start3A_538 = arith.constant 0 : i32
      %dma_start3A_539 = tpu.memref_slice %arg5[%select_n3A_536, %dma_start3A_537, %dma_start3A_538] : memref<6x2x80xi32, #tpu.memory_space<vmem>> -> memref<1x1x80xi32, #tpu.memory_space<vmem>>
      %dma_start3A_540 = tpu.memref_squeeze %dma_start3A_539 : memref<1x1x80xi32, #tpu.memory_space<vmem>> -> memref<80xi32, #tpu.memory_space<vmem>>
      %dma_start3A_541 = arith.constant 0 : i32
      %dma_start3A_542 = arith.constant 0 : i32
      %dma_start3A_543 = tpu.memref_slice %arg2[%dma_start3A_541, %dma_start3A_542] : memref<10240x128xf32, #tpu.memory_space<hbm>> -> memref<10240x128xf32, #tpu.memory_space<hbm>>
      tpu.enqueue_indirect_dma source(%dma_start3A_543 : memref<10240x128xf32, #tpu.memory_space<hbm>>) target(%arg8 : memref<80x128xf32, #tpu.memory_space<vmem>>) offsets(%dma_start3A_540 : memref<80xi32, #tpu.memory_space<vmem>>) semaphore(%arg12 : memref<!tpu.dma_semaphore, #tpu.memory_space<semaphore_mem>>)
      %add3A_544 = arith.constant 5 : i32
      %add3A_545 = arith.addi %add3A_477, %add3A_544 : i32
      %jit3A_546 = arith.constant 6 : i32
      %eq3A_547 = arith.constant 0 : i32
      %eq3A_548 = arith.cmpi eq, %jit3A_546, %eq3A_547 : i32
      %jit3A_549 = arith.constant 1 : i32
      %select_n3A_550 = arith.select %eq3A_548, %jit3A_549, %jit3A_546 : i32
      %rem3A_551 = arith.remsi %add3A_545, %select_n3A_550 : i32
      %ne3A_552 = arith.constant 0 : i32
      %ne3A_553 = arith.cmpi ne, %rem3A_551, %ne3A_552 : i32
      %lt3A_554 = arith.constant 0 : i32
      %lt3A_555 = arith.cmpi slt, %rem3A_551, %lt3A_554 : i32
      %lt3A_556 = arith.constant 0 : i32
      %lt3A_557 = arith.cmpi slt, %select_n3A_550, %lt3A_556 : i32
      %ne3A_558 = arith.xori %lt3A_555, %lt3A_557 : i1
      %and3A_559 = arith.andi %ne3A_558, %ne3A_553 : i1
      %add3A_560 = arith.addi %rem3A_551, %select_n3A_550 : i32
      %select_n3A_561 = arith.select %and3A_559, %add3A_560, %rem3A_551 : i32
      %dma_start3A_562 = arith.constant 0 : i32
      %dma_start3A_563 = arith.constant 0 : i32
      %dma_start3A_564 = tpu.memref_slice %arg5[%select_n3A_561, %dma_start3A_562, %dma_start3A_563] : memref<6x2x80xi32, #tpu.memory_space<vmem>> -> memref<1x2x80xi32, #tpu.memory_space<vmem>>
      %dma_start3A_565 = tpu.memref_squeeze %dma_start3A_564 : memref<1x2x80xi32, #tpu.memory_space<vmem>> -> memref<2x80xi32, #tpu.memory_space<vmem>>
      %dma_start3A_566 = arith.constant 0 : i32
      %dma_start3A_567 = arith.constant 0 : i32
      %dma_start3A_568 = tpu.memref_slice %arg3[%add3A, %add3A_545, %dma_start3A_566, %dma_start3A_567] : memref<32x125x2x80xi32, #tpu.memory_space<hbm>> -> memref<1x1x2x80xi32, #tpu.memory_space<hbm>>
      %dma_start3A_569 = tpu.memref_squeeze %dma_start3A_568 : memref<1x1x2x80xi32, #tpu.memory_space<hbm>> -> memref<2x80xi32, #tpu.memory_space<hbm>>
      %dma_start3A_570 = arith.constant 0 : i32
      %dma_start3A_571 = arith.constant 0 : i32
      %dma_start3A_572 = tpu.memref_slice %arg5[%select_n3A_561, %dma_start3A_570, %dma_start3A_571] : memref<6x2x80xi32, #tpu.memory_space<vmem>> -> memref<1x2x80xi32, #tpu.memory_space<vmem>>
      %dma_start3A_573 = tpu.memref_squeeze %dma_start3A_572 : memref<1x2x80xi32, #tpu.memory_space<vmem>> -> memref<2x80xi32, #tpu.memory_space<vmem>>
      %dma_start3A_574 = arith.constant 0 : i32
      %dma_start3A_575 = arith.constant 0 : i32
      %dma_start3A_576 = tpu.memref_slice %arg3[%add3A, %add3A_545, %dma_start3A_574, %dma_start3A_575] : memref<32x125x2x80xi32, #tpu.memory_space<hbm>> -> memref<1x1x2x80xi32, #tpu.memory_space<hbm>>
      %dma_start3A_577 = tpu.memref_squeeze %dma_start3A_576 : memref<1x1x2x80xi32, #tpu.memory_space<hbm>> -> memref<2x80xi32, #tpu.memory_space<hbm>>
      tpu.enqueue_dma source(%dma_start3A_577 : memref<2x80xi32, #tpu.memory_space<hbm>>) target(%dma_start3A_573 : memref<2x80xi32, #tpu.memory_space<vmem>>) target_semaphore(%arg14 : memref<!tpu.dma_semaphore, #tpu.memory_space<semaphore_mem>>)
    }
    %scan3A_175 = arith.constant 40 : i32
    %dma_wait3A_176 = arith.constant 0 : i32
    %dma_wait3A_177 = arith.constant 0 : i32
    %dma_wait3A_178 = tpu.memref_slice %arg2[%dma_wait3A_176, %dma_wait3A_177] : memref<10240x128xf32, #tpu.memory_space<hbm>> -> memref<80x128xf32, #tpu.memory_space<hbm>>
    %dma_wait3A_179 = arith.constant 0 : i32
    %dma_wait3A_180 = arith.constant 0 : i32
    %dma_wait3A_181 = tpu.memref_slice %arg2[%dma_wait3A_179, %dma_wait3A_180] : memref<10240x128xf32, #tpu.memory_space<hbm>> -> memref<80x128xf32, #tpu.memory_space<hbm>>
    tpu.wait_dma2 semaphore(%arg10 : memref<!tpu.dma_semaphore, #tpu.memory_space<semaphore_mem>>) src(%dma_wait3A_181 : memref<80x128xf32, #tpu.memory_space<hbm>>) dst(%arg6 : memref<80x128xf32, #tpu.memory_space<vmem>>)
    %run_scoped3A = arith.constant 0 : i32
    %run_scoped3A_182 = arith.constant 1 : i32
    "tpu.region"() ({
      %run_scoped3A_272 = tpu.sem_alloc : memref<!tpu.dma_semaphore, #tpu.memory_space<semaphore_mem>>
      %dma_start3A_273 = arith.constant 0 : i32
      %dma_start3A_274 = tpu.memref_slice %arg5[%run_scoped3A, %run_scoped3A_182, %dma_start3A_273] : memref<6x2x80xi32, #tpu.memory_space<vmem>> -> memref<1x1x80xi32, #tpu.memory_space<vmem>>
      %dma_start3A_275 = tpu.memref_squeeze %dma_start3A_274 : memref<1x1x80xi32, #tpu.memory_space<vmem>> -> memref<80xi32, #tpu.memory_space<vmem>>
      %dma_start3A_276 = arith.constant 0 : i32
      %dma_start3A_277 = arith.constant 0 : i32
      %dma_start3A_278 = tpu.memref_slice %arg9[%dma_start3A_276, %dma_start3A_277] : memref<10240x128xf32, #tpu.memory_space<vmem_shared>> -> memref<10240x128xf32, #tpu.memory_space<vmem_shared>>
      tpu.enqueue_indirect_dma source(%arg6 : memref<80x128xf32, #tpu.memory_space<vmem>>) target(%dma_start3A_278 : memref<10240x128xf32, #tpu.memory_space<vmem_shared>>) offsets(%dma_start3A_275 : memref<80xi32, #tpu.memory_space<vmem>>) semaphore(%run_scoped3A_272 : memref<!tpu.dma_semaphore, #tpu.memory_space<semaphore_mem>>) {add = true}
      %dma_wait3A_279 = arith.constant 0 : i32
      %dma_wait3A_280 = tpu.memref_slice %arg5[%run_scoped3A, %run_scoped3A_182, %dma_wait3A_279] : memref<6x2x80xi32, #tpu.memory_space<vmem>> -> memref<1x1x80xi32, #tpu.memory_space<vmem>>
      %dma_wait3A_281 = tpu.memref_squeeze %dma_wait3A_280 : memref<1x1x80xi32, #tpu.memory_space<vmem>> -> memref<80xi32, #tpu.memory_space<vmem>>
      %dma_wait3A_282 = arith.constant 0 : i32
      %dma_wait3A_283 = arith.constant 0 : i32
      %dma_wait3A_284 = tpu.memref_slice %arg9[%dma_wait3A_282, %dma_wait3A_283] : memref<10240x128xf32, #tpu.memory_space<vmem_shared>> -> memref<10240x128xf32, #tpu.memory_space<vmem_shared>>
      tpu.wait_indirect_dma semaphore(%run_scoped3A_272 : memref<!tpu.dma_semaphore, #tpu.memory_space<semaphore_mem>>) src(%arg6 : memref<80x128xf32, #tpu.memory_space<vmem>>) dst(%dma_wait3A_284 : memref<10240x128xf32, #tpu.memory_space<vmem_shared>>)
      tpu.yield
    }) : () -> ()
    %dma_wait3A_183 = arith.constant 0 : i32
    %dma_wait3A_184 = arith.constant 0 : i32
    %dma_wait3A_185 = arith.constant 0 : i32
    %dma_wait3A_186 = arith.constant 0 : i32
    %dma_wait3A_187 = tpu.memref_slice %arg5[%dma_wait3A_184, %dma_wait3A_185, %dma_wait3A_186] : memref<6x2x80xi32, #tpu.memory_space<vmem>> -> memref<1x2x80xi32, #tpu.memory_space<vmem>>
    %dma_wait3A_188 = tpu.memref_squeeze %dma_wait3A_187 : memref<1x2x80xi32, #tpu.memory_space<vmem>> -> memref<2x80xi32, #tpu.memory_space<vmem>>
    %dma_wait3A_189 = arith.constant 0 : i32
    %dma_wait3A_190 = arith.constant 0 : i32
    %dma_wait3A_191 = tpu.memref_slice %arg3[%add3A, %dma_wait3A_183, %dma_wait3A_189, %dma_wait3A_190] : memref<32x125x2x80xi32, #tpu.memory_space<hbm>> -> memref<1x1x2x80xi32, #tpu.memory_space<hbm>>
    %dma_wait3A_192 = tpu.memref_squeeze %dma_wait3A_191 : memref<1x1x2x80xi32, #tpu.memory_space<hbm>> -> memref<2x80xi32, #tpu.memory_space<hbm>>
    %dma_wait3A_193 = arith.constant 0 : i32
    %dma_wait3A_194 = arith.constant 0 : i32
    %dma_wait3A_195 = tpu.memref_slice %arg5[%dma_wait3A_184, %dma_wait3A_193, %dma_wait3A_194] : memref<6x2x80xi32, #tpu.memory_space<vmem>> -> memref<1x2x80xi32, #tpu.memory_space<vmem>>
    %dma_wait3A_196 = tpu.memref_squeeze %dma_wait3A_195 : memref<1x2x80xi32, #tpu.memory_space<vmem>> -> memref<2x80xi32, #tpu.memory_space<vmem>>
    %dma_wait3A_197 = arith.constant 0 : i32
    %dma_wait3A_198 = arith.constant 0 : i32
    %dma_wait3A_199 = tpu.memref_slice %arg3[%add3A, %dma_wait3A_183, %dma_wait3A_197, %dma_wait3A_198] : memref<32x125x2x80xi32, #tpu.memory_space<hbm>> -> memref<1x1x2x80xi32, #tpu.memory_space<hbm>>
    %dma_wait3A_200 = tpu.memref_squeeze %dma_wait3A_199 : memref<1x1x2x80xi32, #tpu.memory_space<hbm>> -> memref<2x80xi32, #tpu.memory_space<hbm>>
    tpu.wait_dma2 semaphore(%arg13 : memref<!tpu.dma_semaphore, #tpu.memory_space<semaphore_mem>>) src(%dma_wait3A_200 : memref<2x80xi32, #tpu.memory_space<hbm>>) dst(%dma_wait3A_196 : memref<2x80xi32, #tpu.memory_space<vmem>>)
    %dma_start3A_201 = arith.constant 3 : i32
    %dma_start3A_202 = arith.constant 0 : i32
    %dma_start3A_203 = arith.constant 0 : i32
    %dma_start3A_204 = tpu.memref_slice %arg5[%dma_start3A_201, %dma_start3A_202, %dma_start3A_203] : memref<6x2x80xi32, #tpu.memory_space<vmem>> -> memref<1x1x80xi32, #tpu.memory_space<vmem>>
    %dma_start3A_205 = tpu.memref_squeeze %dma_start3A_204 : memref<1x1x80xi32, #tpu.memory_space<vmem>> -> memref<80xi32, #tpu.memory_space<vmem>>
    %dma_start3A_206 = arith.constant 0 : i32
    %dma_start3A_207 = arith.constant 0 : i32
    %dma_start3A_208 = tpu.memref_slice %arg2[%dma_start3A_206, %dma_start3A_207] : memref<10240x128xf32, #tpu.memory_space<hbm>> -> memref<10240x128xf32, #tpu.memory_space<hbm>>
    tpu.enqueue_indirect_dma source(%dma_start3A_208 : memref<10240x128xf32, #tpu.memory_space<hbm>>) target(%arg6 : memref<80x128xf32, #tpu.memory_space<vmem>>) offsets(%dma_start3A_205 : memref<80xi32, #tpu.memory_space<vmem>>) semaphore(%arg10 : memref<!tpu.dma_semaphore, #tpu.memory_space<semaphore_mem>>)
    %dma_wait3A_209 = arith.constant 0 : i32
    %dma_wait3A_210 = arith.constant 0 : i32
    %dma_wait3A_211 = tpu.memref_slice %arg2[%dma_wait3A_209, %dma_wait3A_210] : memref<10240x128xf32, #tpu.memory_space<hbm>> -> memref<80x128xf32, #tpu.memory_space<hbm>>
    %dma_wait3A_212 = arith.constant 0 : i32
    %dma_wait3A_213 = arith.constant 0 : i32
    %dma_wait3A_214 = tpu.memref_slice %arg2[%dma_wait3A_212, %dma_wait3A_213] : memref<10240x128xf32, #tpu.memory_space<hbm>> -> memref<80x128xf32, #tpu.memory_space<hbm>>
    tpu.wait_dma2 semaphore(%arg11 : memref<!tpu.dma_semaphore, #tpu.memory_space<semaphore_mem>>) src(%dma_wait3A_214 : memref<80x128xf32, #tpu.memory_space<hbm>>) dst(%arg7 : memref<80x128xf32, #tpu.memory_space<vmem>>)
    %run_scoped3A_215 = arith.constant 1 : i32
    %run_scoped3A_216 = arith.constant 1 : i32
    "tpu.region"() ({
      %run_scoped3A_272 = tpu.sem_alloc : memref<!tpu.dma_semaphore, #tpu.memory_space<semaphore_mem>>
      %dma_start3A_273 = arith.constant 0 : i32
      %dma_start3A_274 = tpu.memref_slice %arg5[%run_scoped3A_215, %run_scoped3A_216, %dma_start3A_273] : memref<6x2x80xi32, #tpu.memory_space<vmem>> -> memref<1x1x80xi32, #tpu.memory_space<vmem>>
      %dma_start3A_275 = tpu.memref_squeeze %dma_start3A_274 : memref<1x1x80xi32, #tpu.memory_space<vmem>> -> memref<80xi32, #tpu.memory_space<vmem>>
      %dma_start3A_276 = arith.constant 0 : i32
      %dma_start3A_277 = arith.constant 0 : i32
      %dma_start3A_278 = tpu.memref_slice %arg9[%dma_start3A_276, %dma_start3A_277] : memref<10240x128xf32, #tpu.memory_space<vmem_shared>> -> memref<10240x128xf32, #tpu.memory_space<vmem_shared>>
      tpu.enqueue_indirect_dma source(%arg7 : memref<80x128xf32, #tpu.memory_space<vmem>>) target(%dma_start3A_278 : memref<10240x128xf32, #tpu.memory_space<vmem_shared>>) offsets(%dma_start3A_275 : memref<80xi32, #tpu.memory_space<vmem>>) semaphore(%run_scoped3A_272 : memref<!tpu.dma_semaphore, #tpu.memory_space<semaphore_mem>>) {add = true}
      %dma_wait3A_279 = arith.constant 0 : i32
      %dma_wait3A_280 = tpu.memref_slice %arg5[%run_scoped3A_215, %run_scoped3A_216, %dma_wait3A_279] : memref<6x2x80xi32, #tpu.memory_space<vmem>> -> memref<1x1x80xi32, #tpu.memory_space<vmem>>
      %dma_wait3A_281 = tpu.memref_squeeze %dma_wait3A_280 : memref<1x1x80xi32, #tpu.memory_space<vmem>> -> memref<80xi32, #tpu.memory_space<vmem>>
      %dma_wait3A_282 = arith.constant 0 : i32
      %dma_wait3A_283 = arith.constant 0 : i32
      %dma_wait3A_284 = tpu.memref_slice %arg9[%dma_wait3A_282, %dma_wait3A_283] : memref<10240x128xf32, #tpu.memory_space<vmem_shared>> -> memref<10240x128xf32, #tpu.memory_space<vmem_shared>>
      tpu.wait_indirect_dma semaphore(%run_scoped3A_272 : memref<!tpu.dma_semaphore, #tpu.memory_space<semaphore_mem>>) src(%arg7 : memref<80x128xf32, #tpu.memory_space<vmem>>) dst(%dma_wait3A_284 : memref<10240x128xf32, #tpu.memory_space<vmem_shared>>)
      tpu.yield
    }) : () -> ()
    %dma_wait3A_217 = arith.constant 0 : i32
    %dma_wait3A_218 = arith.constant 0 : i32
    %dma_wait3A_219 = arith.constant 0 : i32
    %dma_wait3A_220 = arith.constant 0 : i32
    %dma_wait3A_221 = tpu.memref_slice %arg5[%dma_wait3A_218, %dma_wait3A_219, %dma_wait3A_220] : memref<6x2x80xi32, #tpu.memory_space<vmem>> -> memref<1x2x80xi32, #tpu.memory_space<vmem>>
    %dma_wait3A_222 = tpu.memref_squeeze %dma_wait3A_221 : memref<1x2x80xi32, #tpu.memory_space<vmem>> -> memref<2x80xi32, #tpu.memory_space<vmem>>
    %dma_wait3A_223 = arith.constant 0 : i32
    %dma_wait3A_224 = arith.constant 0 : i32
    %dma_wait3A_225 = tpu.memref_slice %arg3[%add3A, %dma_wait3A_217, %dma_wait3A_223, %dma_wait3A_224] : memref<32x125x2x80xi32, #tpu.memory_space<hbm>> -> memref<1x1x2x80xi32, #tpu.memory_space<hbm>>
    %dma_wait3A_226 = tpu.memref_squeeze %dma_wait3A_225 : memref<1x1x2x80xi32, #tpu.memory_space<hbm>> -> memref<2x80xi32, #tpu.memory_space<hbm>>
    %dma_wait3A_227 = arith.constant 0 : i32
    %dma_wait3A_228 = arith.constant 0 : i32
    %dma_wait3A_229 = tpu.memref_slice %arg5[%dma_wait3A_218, %dma_wait3A_227, %dma_wait3A_228] : memref<6x2x80xi32, #tpu.memory_space<vmem>> -> memref<1x2x80xi32, #tpu.memory_space<vmem>>
    %dma_wait3A_230 = tpu.memref_squeeze %dma_wait3A_229 : memref<1x2x80xi32, #tpu.memory_space<vmem>> -> memref<2x80xi32, #tpu.memory_space<vmem>>
    %dma_wait3A_231 = arith.constant 0 : i32
    %dma_wait3A_232 = arith.constant 0 : i32
    %dma_wait3A_233 = tpu.memref_slice %arg3[%add3A, %dma_wait3A_217, %dma_wait3A_231, %dma_wait3A_232] : memref<32x125x2x80xi32, #tpu.memory_space<hbm>> -> memref<1x1x2x80xi32, #tpu.memory_space<hbm>>
    %dma_wait3A_234 = tpu.memref_squeeze %dma_wait3A_233 : memref<1x1x2x80xi32, #tpu.memory_space<hbm>> -> memref<2x80xi32, #tpu.memory_space<hbm>>
    tpu.wait_dma2 semaphore(%arg14 : memref<!tpu.dma_semaphore, #tpu.memory_space<semaphore_mem>>) src(%dma_wait3A_234 : memref<2x80xi32, #tpu.memory_space<hbm>>) dst(%dma_wait3A_230 : memref<2x80xi32, #tpu.memory_space<vmem>>)
    %dma_start3A_235 = arith.constant 4 : i32
    %dma_start3A_236 = arith.constant 0 : i32
    %dma_start3A_237 = arith.constant 0 : i32
    %dma_start3A_238 = tpu.memref_slice %arg5[%dma_start3A_235, %dma_start3A_236, %dma_start3A_237] : memref<6x2x80xi32, #tpu.memory_space<vmem>> -> memref<1x1x80xi32, #tpu.memory_space<vmem>>
    %dma_start3A_239 = tpu.memref_squeeze %dma_start3A_238 : memref<1x1x80xi32, #tpu.memory_space<vmem>> -> memref<80xi32, #tpu.memory_space<vmem>>
    %dma_start3A_240 = arith.constant 0 : i32
    %dma_start3A_241 = arith.constant 0 : i32
    %dma_start3A_242 = tpu.memref_slice %arg2[%dma_start3A_240, %dma_start3A_241] : memref<10240x128xf32, #tpu.memory_space<hbm>> -> memref<10240x128xf32, #tpu.memory_space<hbm>>
    tpu.enqueue_indirect_dma source(%dma_start3A_242 : memref<10240x128xf32, #tpu.memory_space<hbm>>) target(%arg7 : memref<80x128xf32, #tpu.memory_space<vmem>>) offsets(%dma_start3A_239 : memref<80xi32, #tpu.memory_space<vmem>>) semaphore(%arg11 : memref<!tpu.dma_semaphore, #tpu.memory_space<semaphore_mem>>)
    %dma_wait3A_243 = arith.constant 0 : i32
    %dma_wait3A_244 = arith.constant 0 : i32
    %dma_wait3A_245 = tpu.memref_slice %arg2[%dma_wait3A_243, %dma_wait3A_244] : memref<10240x128xf32, #tpu.memory_space<hbm>> -> memref<80x128xf32, #tpu.memory_space<hbm>>
    %dma_wait3A_246 = arith.constant 0 : i32
    %dma_wait3A_247 = arith.constant 0 : i32
    %dma_wait3A_248 = tpu.memref_slice %arg2[%dma_wait3A_246, %dma_wait3A_247] : memref<10240x128xf32, #tpu.memory_space<hbm>> -> memref<80x128xf32, #tpu.memory_space<hbm>>
    tpu.wait_dma2 semaphore(%arg12 : memref<!tpu.dma_semaphore, #tpu.memory_space<semaphore_mem>>) src(%dma_wait3A_248 : memref<80x128xf32, #tpu.memory_space<hbm>>) dst(%arg8 : memref<80x128xf32, #tpu.memory_space<vmem>>)
    %run_scoped3A_249 = arith.constant 2 : i32
    %run_scoped3A_250 = arith.constant 1 : i32
    "tpu.region"() ({
      %run_scoped3A_272 = tpu.sem_alloc : memref<!tpu.dma_semaphore, #tpu.memory_space<semaphore_mem>>
      %dma_start3A_273 = arith.constant 0 : i32
      %dma_start3A_274 = tpu.memref_slice %arg5[%run_scoped3A_249, %run_scoped3A_250, %dma_start3A_273] : memref<6x2x80xi32, #tpu.memory_space<vmem>> -> memref<1x1x80xi32, #tpu.memory_space<vmem>>
      %dma_start3A_275 = tpu.memref_squeeze %dma_start3A_274 : memref<1x1x80xi32, #tpu.memory_space<vmem>> -> memref<80xi32, #tpu.memory_space<vmem>>
      %dma_start3A_276 = arith.constant 0 : i32
      %dma_start3A_277 = arith.constant 0 : i32
      %dma_start3A_278 = tpu.memref_slice %arg9[%dma_start3A_276, %dma_start3A_277] : memref<10240x128xf32, #tpu.memory_space<vmem_shared>> -> memref<10240x128xf32, #tpu.memory_space<vmem_shared>>
      tpu.enqueue_indirect_dma source(%arg8 : memref<80x128xf32, #tpu.memory_space<vmem>>) target(%dma_start3A_278 : memref<10240x128xf32, #tpu.memory_space<vmem_shared>>) offsets(%dma_start3A_275 : memref<80xi32, #tpu.memory_space<vmem>>) semaphore(%run_scoped3A_272 : memref<!tpu.dma_semaphore, #tpu.memory_space<semaphore_mem>>) {add = true}
      %dma_wait3A_279 = arith.constant 0 : i32
      %dma_wait3A_280 = tpu.memref_slice %arg5[%run_scoped3A_249, %run_scoped3A_250, %dma_wait3A_279] : memref<6x2x80xi32, #tpu.memory_space<vmem>> -> memref<1x1x80xi32, #tpu.memory_space<vmem>>
      %dma_wait3A_281 = tpu.memref_squeeze %dma_wait3A_280 : memref<1x1x80xi32, #tpu.memory_space<vmem>> -> memref<80xi32, #tpu.memory_space<vmem>>
      %dma_wait3A_282 = arith.constant 0 : i32
      %dma_wait3A_283 = arith.constant 0 : i32
      %dma_wait3A_284 = tpu.memref_slice %arg9[%dma_wait3A_282, %dma_wait3A_283] : memref<10240x128xf32, #tpu.memory_space<vmem_shared>> -> memref<10240x128xf32, #tpu.memory_space<vmem_shared>>
      tpu.wait_indirect_dma semaphore(%run_scoped3A_272 : memref<!tpu.dma_semaphore, #tpu.memory_space<semaphore_mem>>) src(%arg8 : memref<80x128xf32, #tpu.memory_space<vmem>>) dst(%dma_wait3A_284 : memref<10240x128xf32, #tpu.memory_space<vmem_shared>>)
      tpu.yield
    }) : () -> ()
    %dma_wait3A_251 = arith.constant 0 : i32
    %dma_wait3A_252 = arith.constant 0 : i32
    %dma_wait3A_253 = tpu.memref_slice %arg2[%dma_wait3A_251, %dma_wait3A_252] : memref<10240x128xf32, #tpu.memory_space<hbm>> -> memref<80x128xf32, #tpu.memory_space<hbm>>
    %dma_wait3A_254 = arith.constant 0 : i32
    %dma_wait3A_255 = arith.constant 0 : i32
    %dma_wait3A_256 = tpu.memref_slice %arg2[%dma_wait3A_254, %dma_wait3A_255] : memref<10240x128xf32, #tpu.memory_space<hbm>> -> memref<80x128xf32, #tpu.memory_space<hbm>>
    tpu.wait_dma2 semaphore(%arg10 : memref<!tpu.dma_semaphore, #tpu.memory_space<semaphore_mem>>) src(%dma_wait3A_256 : memref<80x128xf32, #tpu.memory_space<hbm>>) dst(%arg6 : memref<80x128xf32, #tpu.memory_space<vmem>>)
    %run_scoped3A_257 = arith.constant 3 : i32
    %run_scoped3A_258 = arith.constant 1 : i32
    "tpu.region"() ({
      %run_scoped3A_272 = tpu.sem_alloc : memref<!tpu.dma_semaphore, #tpu.memory_space<semaphore_mem>>
      %dma_start3A_273 = arith.constant 0 : i32
      %dma_start3A_274 = tpu.memref_slice %arg5[%run_scoped3A_257, %run_scoped3A_258, %dma_start3A_273] : memref<6x2x80xi32, #tpu.memory_space<vmem>> -> memref<1x1x80xi32, #tpu.memory_space<vmem>>
      %dma_start3A_275 = tpu.memref_squeeze %dma_start3A_274 : memref<1x1x80xi32, #tpu.memory_space<vmem>> -> memref<80xi32, #tpu.memory_space<vmem>>
      %dma_start3A_276 = arith.constant 0 : i32
      %dma_start3A_277 = arith.constant 0 : i32
      %dma_start3A_278 = tpu.memref_slice %arg9[%dma_start3A_276, %dma_start3A_277] : memref<10240x128xf32, #tpu.memory_space<vmem_shared>> -> memref<10240x128xf32, #tpu.memory_space<vmem_shared>>
      tpu.enqueue_indirect_dma source(%arg6 : memref<80x128xf32, #tpu.memory_space<vmem>>) target(%dma_start3A_278 : memref<10240x128xf32, #tpu.memory_space<vmem_shared>>) offsets(%dma_start3A_275 : memref<80xi32, #tpu.memory_space<vmem>>) semaphore(%run_scoped3A_272 : memref<!tpu.dma_semaphore, #tpu.memory_space<semaphore_mem>>) {add = true}
      %dma_wait3A_279 = arith.constant 0 : i32
      %dma_wait3A_280 = tpu.memref_slice %arg5[%run_scoped3A_257, %run_scoped3A_258, %dma_wait3A_279] : memref<6x2x80xi32, #tpu.memory_space<vmem>> -> memref<1x1x80xi32, #tpu.memory_space<vmem>>
      %dma_wait3A_281 = tpu.memref_squeeze %dma_wait3A_280 : memref<1x1x80xi32, #tpu.memory_space<vmem>> -> memref<80xi32, #tpu.memory_space<vmem>>
      %dma_wait3A_282 = arith.constant 0 : i32
      %dma_wait3A_283 = arith.constant 0 : i32
      %dma_wait3A_284 = tpu.memref_slice %arg9[%dma_wait3A_282, %dma_wait3A_283] : memref<10240x128xf32, #tpu.memory_space<vmem_shared>> -> memref<10240x128xf32, #tpu.memory_space<vmem_shared>>
      tpu.wait_indirect_dma semaphore(%run_scoped3A_272 : memref<!tpu.dma_semaphore, #tpu.memory_space<semaphore_mem>>) src(%arg6 : memref<80x128xf32, #tpu.memory_space<vmem>>) dst(%dma_wait3A_284 : memref<10240x128xf32, #tpu.memory_space<vmem_shared>>)
      tpu.yield
    }) : () -> ()
    %dma_wait3A_259 = arith.constant 0 : i32
    %dma_wait3A_260 = arith.constant 0 : i32
    %dma_wait3A_261 = tpu.memref_slice %arg2[%dma_wait3A_259, %dma_wait3A_260] : memref<10240x128xf32, #tpu.memory_space<hbm>> -> memref<80x128xf32, #tpu.memory_space<hbm>>
    %dma_wait3A_262 = arith.constant 0 : i32
    %dma_wait3A_263 = arith.constant 0 : i32
    %dma_wait3A_264 = tpu.memref_slice %arg2[%dma_wait3A_262, %dma_wait3A_263] : memref<10240x128xf32, #tpu.memory_space<hbm>> -> memref<80x128xf32, #tpu.memory_space<hbm>>
    tpu.wait_dma2 semaphore(%arg11 : memref<!tpu.dma_semaphore, #tpu.memory_space<semaphore_mem>>) src(%dma_wait3A_264 : memref<80x128xf32, #tpu.memory_space<hbm>>) dst(%arg7 : memref<80x128xf32, #tpu.memory_space<vmem>>)
    %run_scoped3A_265 = arith.constant 4 : i32
    %run_scoped3A_266 = arith.constant 1 : i32
    "tpu.region"() ({
      %run_scoped3A_272 = tpu.sem_alloc : memref<!tpu.dma_semaphore, #tpu.memory_space<semaphore_mem>>
      %dma_start3A_273 = arith.constant 0 : i32
      %dma_start3A_274 = tpu.memref_slice %arg5[%run_scoped3A_265, %run_scoped3A_266, %dma_start3A_273] : memref<6x2x80xi32, #tpu.memory_space<vmem>> -> memref<1x1x80xi32, #tpu.memory_space<vmem>>
      %dma_start3A_275 = tpu.memref_squeeze %dma_start3A_274 : memref<1x1x80xi32, #tpu.memory_space<vmem>> -> memref<80xi32, #tpu.memory_space<vmem>>
      %dma_start3A_276 = arith.constant 0 : i32
      %dma_start3A_277 = arith.constant 0 : i32
      %dma_start3A_278 = tpu.memref_slice %arg9[%dma_start3A_276, %dma_start3A_277] : memref<10240x128xf32, #tpu.memory_space<vmem_shared>> -> memref<10240x128xf32, #tpu.memory_space<vmem_shared>>
      tpu.enqueue_indirect_dma source(%arg7 : memref<80x128xf32, #tpu.memory_space<vmem>>) target(%dma_start3A_278 : memref<10240x128xf32, #tpu.memory_space<vmem_shared>>) offsets(%dma_start3A_275 : memref<80xi32, #tpu.memory_space<vmem>>) semaphore(%run_scoped3A_272 : memref<!tpu.dma_semaphore, #tpu.memory_space<semaphore_mem>>) {add = true}
      %dma_wait3A_279 = arith.constant 0 : i32
      %dma_wait3A_280 = tpu.memref_slice %arg5[%run_scoped3A_265, %run_scoped3A_266, %dma_wait3A_279] : memref<6x2x80xi32, #tpu.memory_space<vmem>> -> memref<1x1x80xi32, #tpu.memory_space<vmem>>
      %dma_wait3A_281 = tpu.memref_squeeze %dma_wait3A_280 : memref<1x1x80xi32, #tpu.memory_space<vmem>> -> memref<80xi32, #tpu.memory_space<vmem>>
      %dma_wait3A_282 = arith.constant 0 : i32
      %dma_wait3A_283 = arith.constant 0 : i32
      %dma_wait3A_284 = tpu.memref_slice %arg9[%dma_wait3A_282, %dma_wait3A_283] : memref<10240x128xf32, #tpu.memory_space<vmem_shared>> -> memref<10240x128xf32, #tpu.memory_space<vmem_shared>>
      tpu.wait_indirect_dma semaphore(%run_scoped3A_272 : memref<!tpu.dma_semaphore, #tpu.memory_space<semaphore_mem>>) src(%arg7 : memref<80x128xf32, #tpu.memory_space<vmem>>) dst(%dma_wait3A_284 : memref<10240x128xf32, #tpu.memory_space<vmem_shared>>)
      tpu.yield
    }) : () -> ()
    %barrier3A_267 = arith.constant 0 : index
    tpu.barrier barrier_id(%barrier3A_267)
    %mul3A_268 = arith.constant 640 : i32
    %mul3A_269 = arith.muli %arg1, %mul3A_268 : i32
    %mul3A_270 = arith.constant 640 : i32
    %mul3A_271 = arith.muli %arg1, %mul3A_270 : i32
    "tpu.region"() ({
      %run_scoped3A_272 = tpu.sem_alloc : memref<!tpu.dma_semaphore, #tpu.memory_space<semaphore_mem>>
      %dma_start3A_273 = arith.constant 0 : i32
      %dma_start3A_274 = tpu.memref_slice %arg4[%arg0, %mul3A_271, %dma_start3A_273] : memref<2x10240x128xf32, #tpu.memory_space<hbm>> -> memref<1x640x128xf32, #tpu.memory_space<hbm>>
      %dma_start3A_275 = tpu.memref_squeeze %dma_start3A_274 : memref<1x640x128xf32, #tpu.memory_space<hbm>> -> memref<640x128xf32, #tpu.memory_space<hbm>>
      %dma_start3A_276 = arith.constant 0 : i32
      %dma_start3A_277 = tpu.memref_slice %arg9[%mul3A_269, %dma_start3A_276] : memref<10240x128xf32, #tpu.memory_space<vmem_shared>> -> memref<640x128xf32, #tpu.memory_space<vmem_shared>>
      tpu.enqueue_dma source(%dma_start3A_277 : memref<640x128xf32, #tpu.memory_space<vmem_shared>>) target(%dma_start3A_275 : memref<640x128xf32, #tpu.memory_space<hbm>>) target_semaphore(%run_scoped3A_272 : memref<!tpu.dma_semaphore, #tpu.memory_space<semaphore_mem>>)
      %dma_wait3A_278 = arith.constant 0 : i32
      %dma_wait3A_279 = tpu.memref_slice %arg4[%arg0, %mul3A_271, %dma_wait3A_278] : memref<2x10240x128xf32, #tpu.memory_space<hbm>> -> memref<1x640x128xf32, #tpu.memory_space<hbm>>
      %dma_wait3A_280 = tpu.memref_squeeze %dma_wait3A_279 : memref<1x640x128xf32, #tpu.memory_space<hbm>> -> memref<640x128xf32, #tpu.memory_space<hbm>>
      %dma_wait3A_281 = arith.constant 0 : i32
      %dma_wait3A_282 = tpu.memref_slice %arg9[%mul3A_269, %dma_wait3A_281] : memref<10240x128xf32, #tpu.memory_space<vmem_shared>> -> memref<640x128xf32, #tpu.memory_space<vmem_shared>>
      tpu.wait_dma2 semaphore(%run_scoped3A_272 : memref<!tpu.dma_semaphore, #tpu.memory_space<semaphore_mem>>) src(%dma_wait3A_282 : memref<640x128xf32, #tpu.memory_space<vmem_shared>>) dst(%dma_wait3A_280 : memref<640x128xf32, #tpu.memory_space<hbm>>)
      tpu.yield
    }) : () -> ()
    return
  }
}

module attributes {stable_mosaic.version = 14 : i64} {
  func.func @_l1_body(%arg0: i32, %arg1: memref<1280x128xf32, #tpu.memory_space<vmem>>, %arg2: memref<32x1280xf32, #tpu.memory_space<vmem>>, %arg3: memref<128x128xf32, #tpu.memory_space<vmem>>, %arg4: memref<1280x128xf32, #tpu.memory_space<vmem>>, %arg5: memref<1280x1xf32, #tpu.memory_space<vmem>>) attributes {dimension_semantics = [#tpu.dimension_semantics<arbitrary>], iteration_bounds = array<i64: 8>, scalar_prefetch = 0 : i64, scratch_operands = 0 : i64, tpu.core_type = #tpu.core_type<tc>, window_params = [{transform_indices = @transform_0, window_bounds = array<i64: 1280, 128>}, {transform_indices = @transform_1, window_bounds = array<i64: 32, 1280>}, {pipeline_mode = #tpu.pipeline_mode<synchronous>, transform_indices = @transform_2, window_bounds = array<i64: 128, 128>}, {transform_indices = @transform_3, window_bounds = array<i64: 1280, 128>}, {transform_indices = @transform_4, window_bounds = array<i64: 1280, 1>}]} {
    %get3A = arith.constant 0 : index
    %get3A_0 = arith.constant 0 : index
    %get3A_1 = vector.load %arg2[%get3A, %get3A_0] : memref<32x1280xf32, #tpu.memory_space<vmem>>, vector<32x1280xf32>
    %reduce_sum3A = arith.constant dense<0.000000e+00> : vector<1280xf32>
    %reduce_sum3A_2 = vector.multi_reduction <add>, %get3A_1, %reduce_sum3A [0] : vector<32x1280xf32> to vector<1280xf32>
    %add3A = arith.constant 1.000000e+00 : f32
    %add3A_3 = vector.broadcast %add3A : f32 to vector<1280xf32>
    %add3A_4 = arith.addf %add3A_3, %reduce_sum3A_2 : vector<1280xf32>
    %rsqrt3A = math.rsqrt %add3A_4 : vector<1280xf32>
    %broadcast_in_dim3A = vector.shape_cast %rsqrt3A : vector<1280xf32> to vector<1280x1xf32>
    %get3A_5 = arith.constant 0 : index
    %get3A_6 = arith.constant 0 : index
    %get3A_7 = vector.load %arg1[%get3A_5, %get3A_6] : memref<1280x128xf32, #tpu.memory_space<vmem>>, vector<1280x128xf32>
    %get3A_8 = arith.constant 0 : index
    %get3A_9 = arith.constant 0 : index
    %get3A_10 = vector.load %arg3[%get3A_8, %get3A_9] : memref<128x128xf32, #tpu.memory_space<vmem>>, vector<128x128xf32>
    %dot_general3A = arith.constant dense<0.000000e+00> : vector<1280x128xf32>
    %dot_general3A_11 = tpu.matmul %get3A_7, %get3A_10, %dot_general3A {dimension_numbers = #tpu.dot_dimension_numbers<[1], [0], [0], [1], [0, 0, 1, 1], [], []>, transpose_lhs_hint = false} : vector<1280x128xf32>, vector<128x128xf32>, vector<1280x128xf32> -> vector<1280x128xf32>
    %mul3A = vector.broadcast %broadcast_in_dim3A : vector<1280x1xf32> to vector<1280x128xf32>
    %mul3A_12 = arith.mulf %dot_general3A_11, %mul3A : vector<1280x128xf32>
    %swap3A = arith.constant 0 : index
    %swap3A_13 = arith.constant 0 : index
    %swap3A_14 = vector.load %arg4[%swap3A, %swap3A_13] : memref<1280x128xf32, #tpu.memory_space<vmem>>, vector<1280x128xf32>
    tpu.vector_store %arg4[%swap3A, %swap3A_13], %mul3A_12 {strides = array<i32>} : memref<1280x128xf32, #tpu.memory_space<vmem>>, vector<1280x128xf32>,
    %swap3A_15 = arith.constant 0 : index
    %swap3A_16 = arith.constant 0 : index
    %swap3A_17 = vector.load %arg5[%swap3A_15, %swap3A_16] : memref<1280x1xf32, #tpu.memory_space<vmem>>, vector<1280x1xf32>
    tpu.vector_store %arg5[%swap3A_15, %swap3A_16], %broadcast_in_dim3A {strides = array<i32>} : memref<1280x1xf32, #tpu.memory_space<vmem>>, vector<1280x1xf32>,
    return
  }
  func.func @transform_0(%arg0: i32) -> (i32, i32) {
    %c0_i32 = arith.constant 0 : i32
    %c0_i32_0 = arith.constant 0 : i32
    return %arg0, %c0_i32 : i32, i32
  }
  func.func @transform_1(%arg0: i32) -> (i32, i32) {
    %c0_i32 = arith.constant 0 : i32
    %c0_i32_0 = arith.constant 0 : i32
    return %c0_i32, %arg0 : i32, i32
  }
  func.func @transform_2(%arg0: i32) -> (i32, i32) {
    %c0_i32 = arith.constant 0 : i32
    %c0_i32_0 = arith.constant 0 : i32
    %c0_i32_1 = arith.constant 0 : i32
    return %c0_i32, %c0_i32_0 : i32, i32
  }
  func.func @transform_3(%arg0: i32) -> (i32, i32) {
    %c0_i32 = arith.constant 0 : i32
    %c0_i32_0 = arith.constant 0 : i32
    return %arg0, %c0_i32 : i32, i32
  }
  func.func @transform_4(%arg0: i32) -> (i32, i32) {
    %c0_i32 = arith.constant 0 : i32
    %c0_i32_0 = arith.constant 0 : i32
    return %arg0, %c0_i32 : i32, i32
  }
}

module attributes {stable_mosaic.version = 14 : i64} {
  func.func @_l2_body(%arg0: i32, %arg1: memref<1280x128xf32, #tpu.memory_space<vmem>>, %arg2: memref<1280x128xf32, #tpu.memory_space<vmem>>, %arg3: memref<1280x128xf32, #tpu.memory_space<vmem>>, %arg4: memref<1280x1xf32, #tpu.memory_space<vmem>>, %arg5: memref<1x128xf32, #tpu.memory_space<vmem>>, %arg6: memref<128x128xf32, #tpu.memory_space<vmem>>, %arg7: memref<1280x128xf32, #tpu.memory_space<vmem>>) attributes {dimension_semantics = [#tpu.dimension_semantics<arbitrary>], iteration_bounds = array<i64: 8>, scalar_prefetch = 0 : i64, scratch_operands = 0 : i64, tpu.core_type = #tpu.core_type<tc>, window_params = [{transform_indices = @transform_0, window_bounds = array<i64: 1280, 128>}, {transform_indices = @transform_1, window_bounds = array<i64: 1280, 128>}, {transform_indices = @transform_2, window_bounds = array<i64: 1280, 128>}, {transform_indices = @transform_3, window_bounds = array<i64: 1280, 1>}, {pipeline_mode = #tpu.pipeline_mode<synchronous>, transform_indices = @transform_4, window_bounds = array<i64: 1, 128>}, {pipeline_mode = #tpu.pipeline_mode<synchronous>, transform_indices = @transform_5, window_bounds = array<i64: 128, 128>}, {transform_indices = @transform_6, window_bounds = array<i64: 1280, 128>}]} {
    %get3A = arith.constant 0 : index
    %get3A_0 = arith.constant 0 : index
    %get3A_1 = vector.load %arg4[%get3A, %get3A_0] : memref<1280x1xf32, #tpu.memory_space<vmem>>, vector<1280x1xf32>
    %get3A_2 = arith.constant 0 : index
    %get3A_3 = arith.constant 0 : index
    %get3A_4 = vector.load %arg1[%get3A_2, %get3A_3] : memref<1280x128xf32, #tpu.memory_space<vmem>>, vector<1280x128xf32>
    %get3A_5 = arith.constant 0 : index
    %get3A_6 = arith.constant 0 : index
    %get3A_7 = vector.load %arg2[%get3A_5, %get3A_6] : memref<1280x128xf32, #tpu.memory_space<vmem>>, vector<1280x128xf32>
    %add3A = arith.addf %get3A_4, %get3A_7 : vector<1280x128xf32>
    %get3A_8 = arith.constant 0 : index
    %get3A_9 = arith.constant 0 : index
    %get3A_10 = vector.load %arg3[%get3A_8, %get3A_9] : memref<1280x128xf32, #tpu.memory_space<vmem>>, vector<1280x128xf32>
    %sub3A = arith.subf %add3A, %get3A_10 : vector<1280x128xf32>
    %mul3A = vector.broadcast %get3A_1 : vector<1280x1xf32> to vector<1280x128xf32>
    %mul3A_11 = arith.mulf %mul3A, %sub3A : vector<1280x128xf32>
    %get3A_12 = arith.constant 0 : index
    %get3A_13 = arith.constant 0 : index
    %get3A_14 = vector.load %arg5[%get3A_12, %get3A_13] : memref<1x128xf32, #tpu.memory_space<vmem>>, vector<1x128xf32>
    %add3A_15 = vector.broadcast %get3A_14 : vector<1x128xf32> to vector<1280x128xf32>
    %add3A_16 = arith.addf %mul3A_11, %add3A_15 : vector<1280x128xf32>
    %max3A = arith.constant 0.000000e+00 : f32
    %max3A_17 = vector.broadcast %max3A : f32 to vector<1280x128xf32>
    %max3A_18 = arith.maximumf %add3A_16, %max3A_17 : vector<1280x128xf32>
    %get3A_19 = arith.constant 0 : index
    %get3A_20 = arith.constant 0 : index
    %get3A_21 = vector.load %arg6[%get3A_19, %get3A_20] : memref<128x128xf32, #tpu.memory_space<vmem>>, vector<128x128xf32>
    %dot_general3A = arith.constant dense<0.000000e+00> : vector<1280x128xf32>
    %dot_general3A_22 = tpu.matmul %max3A_18, %get3A_21, %dot_general3A {dimension_numbers = #tpu.dot_dimension_numbers<[1], [0], [0], [1], [0, 0, 1, 1], [], []>, transpose_lhs_hint = false} : vector<1280x128xf32>, vector<128x128xf32>, vector<1280x128xf32> -> vector<1280x128xf32>
    %mul3A_23 = vector.broadcast %get3A_1 : vector<1280x1xf32> to vector<1280x128xf32>
    %mul3A_24 = arith.mulf %dot_general3A_22, %mul3A_23 : vector<1280x128xf32>
    %swap3A = arith.constant 0 : index
    %swap3A_25 = arith.constant 0 : index
    %swap3A_26 = vector.load %arg7[%swap3A, %swap3A_25] : memref<1280x128xf32, #tpu.memory_space<vmem>>, vector<1280x128xf32>
    tpu.vector_store %arg7[%swap3A, %swap3A_25], %mul3A_24 {strides = array<i32>} : memref<1280x128xf32, #tpu.memory_space<vmem>>, vector<1280x128xf32>,
    return
  }
  func.func @transform_0(%arg0: i32) -> (i32, i32) {
    %c0_i32 = arith.constant 0 : i32
    %c0_i32_0 = arith.constant 0 : i32
    return %arg0, %c0_i32 : i32, i32
  }
  func.func @transform_1(%arg0: i32) -> (i32, i32) {
    %c0_i32 = arith.constant 0 : i32
    %c0_i32_0 = arith.constant 0 : i32
    return %arg0, %c0_i32 : i32, i32
  }
  func.func @transform_2(%arg0: i32) -> (i32, i32) {
    %c0_i32 = arith.constant 0 : i32
    %c0_i32_0 = arith.constant 0 : i32
    return %arg0, %c0_i32 : i32, i32
  }
  func.func @transform_3(%arg0: i32) -> (i32, i32) {
    %c0_i32 = arith.constant 0 : i32
    %c0_i32_0 = arith.constant 0 : i32
    return %arg0, %c0_i32 : i32, i32
  }
  func.func @transform_4(%arg0: i32) -> (i32, i32) {
    %c0_i32 = arith.constant 0 : i32
    %c0_i32_0 = arith.constant 0 : i32
    %c0_i32_1 = arith.constant 0 : i32
    return %c0_i32, %c0_i32_0 : i32, i32
  }
  func.func @transform_5(%arg0: i32) -> (i32, i32) {
    %c0_i32 = arith.constant 0 : i32
    %c0_i32_0 = arith.constant 0 : i32
    %c0_i32_1 = arith.constant 0 : i32
    return %c0_i32, %c0_i32_0 : i32, i32
  }
  func.func @transform_6(%arg0: i32) -> (i32, i32) {
    %c0_i32 = arith.constant 0 : i32
    %c0_i32_0 = arith.constant 0 : i32
    return %arg0, %c0_i32 : i32, i32
  }
}

module attributes {stable_mosaic.version = 14 : i64} {
  func.func @_l3_body(%arg0: i32, %arg1: memref<1280x128xf32, #tpu.memory_space<vmem>>, %arg2: memref<1280x128xf32, #tpu.memory_space<vmem>>, %arg3: memref<1280x128xf32, #tpu.memory_space<vmem>>, %arg4: memref<1280x1xf32, #tpu.memory_space<vmem>>, %arg5: memref<1x128xf32, #tpu.memory_space<vmem>>, %arg6: memref<1280x128xf32, #tpu.memory_space<vmem>>) attributes {dimension_semantics = [#tpu.dimension_semantics<arbitrary>], iteration_bounds = array<i64: 8>, scalar_prefetch = 0 : i64, scratch_operands = 0 : i64, tpu.core_type = #tpu.core_type<tc>, window_params = [{transform_indices = @transform_0, window_bounds = array<i64: 1280, 128>}, {transform_indices = @transform_1, window_bounds = array<i64: 1280, 128>}, {transform_indices = @transform_2, window_bounds = array<i64: 1280, 128>}, {transform_indices = @transform_3, window_bounds = array<i64: 1280, 1>}, {pipeline_mode = #tpu.pipeline_mode<synchronous>, transform_indices = @transform_4, window_bounds = array<i64: 1, 128>}, {transform_indices = @transform_5, window_bounds = array<i64: 1280, 128>}]} {
    %get3A = arith.constant 0 : index
    %get3A_0 = arith.constant 0 : index
    %get3A_1 = vector.load %arg4[%get3A, %get3A_0] : memref<1280x1xf32, #tpu.memory_space<vmem>>, vector<1280x1xf32>
    %get3A_2 = arith.constant 0 : index
    %get3A_3 = arith.constant 0 : index
    %get3A_4 = vector.load %arg1[%get3A_2, %get3A_3] : memref<1280x128xf32, #tpu.memory_space<vmem>>, vector<1280x128xf32>
    %get3A_5 = arith.constant 0 : index
    %get3A_6 = arith.constant 0 : index
    %get3A_7 = vector.load %arg2[%get3A_5, %get3A_6] : memref<1280x128xf32, #tpu.memory_space<vmem>>, vector<1280x128xf32>
    %add3A = arith.addf %get3A_4, %get3A_7 : vector<1280x128xf32>
    %get3A_8 = arith.constant 0 : index
    %get3A_9 = arith.constant 0 : index
    %get3A_10 = vector.load %arg3[%get3A_8, %get3A_9] : memref<1280x128xf32, #tpu.memory_space<vmem>>, vector<1280x128xf32>
    %sub3A = arith.subf %add3A, %get3A_10 : vector<1280x128xf32>
    %mul3A = vector.broadcast %get3A_1 : vector<1280x1xf32> to vector<1280x128xf32>
    %mul3A_11 = arith.mulf %mul3A, %sub3A : vector<1280x128xf32>
    %get3A_12 = arith.constant 0 : index
    %get3A_13 = arith.constant 0 : index
    %get3A_14 = vector.load %arg5[%get3A_12, %get3A_13] : memref<1x128xf32, #tpu.memory_space<vmem>>, vector<1x128xf32>
    %add3A_15 = vector.broadcast %get3A_14 : vector<1x128xf32> to vector<1280x128xf32>
    %add3A_16 = arith.addf %mul3A_11, %add3A_15 : vector<1280x128xf32>
    %swap3A = arith.constant 0 : index
    %swap3A_17 = arith.constant 0 : index
    %swap3A_18 = vector.load %arg6[%swap3A, %swap3A_17] : memref<1280x128xf32, #tpu.memory_space<vmem>>, vector<1280x128xf32>
    tpu.vector_store %arg6[%swap3A, %swap3A_17], %add3A_16 {strides = array<i32>} : memref<1280x128xf32, #tpu.memory_space<vmem>>, vector<1280x128xf32>,
    return
  }
  func.func @transform_0(%arg0: i32) -> (i32, i32) {
    %c0_i32 = arith.constant 0 : i32
    %c0_i32_0 = arith.constant 0 : i32
    return %arg0, %c0_i32 : i32, i32
  }
  func.func @transform_1(%arg0: i32) -> (i32, i32) {
    %c0_i32 = arith.constant 0 : i32
    %c0_i32_0 = arith.constant 0 : i32
    return %arg0, %c0_i32 : i32, i32
  }
  func.func @transform_2(%arg0: i32) -> (i32, i32) {
    %c0_i32 = arith.constant 0 : i32
    %c0_i32_0 = arith.constant 0 : i32
    return %arg0, %c0_i32 : i32, i32
  }
  func.func @transform_3(%arg0: i32) -> (i32, i32) {
    %c0_i32 = arith.constant 0 : i32
    %c0_i32_0 = arith.constant 0 : i32
    return %arg0, %c0_i32 : i32, i32
  }
  func.func @transform_4(%arg0: i32) -> (i32, i32) {
    %c0_i32 = arith.constant 0 : i32
    %c0_i32_0 = arith.constant 0 : i32
    %c0_i32_1 = arith.constant 0 : i32
    return %c0_i32, %c0_i32_0 : i32, i32
  }
  func.func @transform_5(%arg0: i32) -> (i32, i32) {
    %c0_i32 = arith.constant 0 : i32
    %c0_i32_0 = arith.constant 0 : i32
    return %arg0, %c0_i32 : i32, i32
  }
}

</mosaic_0001>

<sc_bundles>
// kernel: kernel.11.cloned.1.call-start
scs
__scs_entry_jumppad:
0x0: {  	(pc) =	sbr.rel $0x88, $3  }
0x1: {  	(tag) =	ssettag $0x0;
	lr =	simm.s32 $0x1  }
0x2: {  	[smem:$0x3F9B] =	sst lr;
	_ =	strace $0xD0000000  }
0x3: {  	_ = 	snop  }
0x4: {  	_ = 	snop  }
0x5: {  	_ = 	snop  }
0x6: {  	_ = 	snop  }
0x7: {  	_ = 	snop  }
__scs_overlays_trampoline_lowered:
0x8: {  	[smem:$0x3FAA] =	sst s0  }
0x9: {  	[smem:$0x3FAB] =	sst s1  }
0xa: {  	[smem:$0x3FAC] =	sst s2  }
0xb: {  	[smem:$0x3FAD] =	sst s3  }
0xc: {  	[smem:$0x3FAE] =	sst s4  }
0xd: {  	[smem:$0x3FAF] =	sst s5  }
0xe: {  	[smem:$0x3FB0] =	sst s6  }
0xf: {  	[smem:$0x3FB1] =	sst s7  }
0x10: {  	[smem:$0x3FB2] =	sst s8  }
0x11: {  	[smem:$0x3FB3] =	sst s9;
	s0 =	simm.s32 @!p0 $0x0  }
0x12: {  	s1 =	sld [smem:$0x3F99];
	s0 =	simm.s32 @p0 $0x1  }
0x13: {  	[smem:$0x3FB4] =	sst s0;
	s0 =	simm.s32 @!p1 $0x0  }
0x14: {  	s2 =	sld [smem:$0x3F98];
	s0 =	simm.s32 @p1 $0x1  }
0x15: {  	[smem:$0x3FB5] =	sst s0;
	s0 =	simm.s32 @!p2 $0x0  }
0x16: {  	s3 =	sld [smem:$0x3FDB];
	s0 =	simm.s32 @p2 $0x1  }
0x17: {  	s4 =	simm.s32 $0x1BF5;
	[smem:$0x3FB7] =	sst s0  }
0x18: {  	s0 =	sld [smem:$0x3F9A];
	_ =	swait.ge [sflag:s4], $0x0  }
0x19: {  	s7 =	sld [smem:$0x3F9B]  }
0x1a: {  	s8 =	sadd.s32 $0xFFFFE003, lr  }
0x1b: {  	s9 =	sadd.s32 $0xFFFFFEF7, lr;
	s5 =	simm.s32 $0xFFFFFFFF;
	p2 =	slt.u32 s8, $0xFFFFF086  }
0x1c: {  	p1 =	slt.u32 s9, $0xF7A;
	s5 =	simm.s32 @!p2 $0x0  }
0x1d: {  	s5 =	simm.s32 @p1 $0x1;
	p0 =	seq.s32 s7, s2  }
0x1e: {  	s7 =	smul.u32 @!p0 $0xF7A, s2;
	p2 =	seq.s32 @!p0 s5, $0x0  }
0x1f: {  	s9 =	smul.u32 $0xF7A, s1;
	s8 =	simm.s32 @!p0 $0x1BF5;
	p2 =	por !p2, p0  }
0x20: {  	[sflag:s8] =	ssyncset.s32 @!p0 $0xFFFFF086;
	s6 =	sadd.s32 @!p0 s3, s7;
	s7 =	simm.s32 @!p0 $0x108  }
0x21: {  	s3 =	sadd.s32 s3, s9;
	s6 =	sadd.s32 @!p0 $0x88, s6;
	s7 =	simm.s32 @p2 $0x1082  }
0x22: {  	[simem:s7], [sflag:s8] =	dma.local @!p0 [hbm:s6], $0xF7A  }
0x23: {  	s9 =	sor.u32 $0xD0000000, s2;
	s6 =	simm.s32 $0x108;
	_ =	swait.ge @!p0 [sflag:s8], $0x0  }
0x24: {  	s3 =	sadd.s32 $0x88, s3;
	s6 =	simm.s32 @!p1 $0x1082;
	[sflag:s4] =	ssyncset.s32 $0xFFFFF086  }
0x25: {  	[simem:s6], [sflag:s4] =	dma.local [hbm:s3], $0xF7A  }
0x26: {  	[smem:$0x3F9B] =	sst s1;
	(tag) =	ssettag s2;
	_ =	strace s9  }
0x27: {  	s1 =	sld [smem:$0x3FAB]  }
0x28: {  	s2 =	sld [smem:$0x3FAC]  }
0x29: {  	s4 =	sld [smem:$0x3FAE]  }
0x2a: {  	p0 =	seq.s32 s5, $0x0;
	s5 =	sld [smem:$0x3FAF]  }
0x2b: {  	s6 =	sld [smem:$0x3FB0]  }
0x2c: {  	s7 =	sld [smem:$0x3FB1]  }
0x2d: {  	s3 =	simm.s32 $0x108;
	s8 =	sld [smem:$0x3FB2]  }
0x2e: {  	s3 =	simm.s32 @!p0 $0x1082;
	s9 =	sld [smem:$0x3FB3]  }
0x2f: {  	lr =	sadd.s32 s0, s3;
	s0 =	sld [smem:$0x3FAA]  }
0x30: {  	s3 =	sld [smem:$0x3FAD]  }
0x31: {  	[smem:$0x3FB6] =	sst s10  }
0x32: {  	s10 =	sld [smem:$0x3FB4];
	_ =	sdelay $0x3  }
0x33: {  	p0 =	seq.s32 s10, $0x1;
	s10 =	sld [smem:$0x3FB6];
	_ =	sdelay $0x3  }
0x34: {  	[smem:$0x3FB6] =	sst s10  }
0x35: {  	s10 =	sld [smem:$0x3FB5];
	_ =	sdelay $0x3  }
0x36: {  	p1 =	seq.s32 s10, $0x1;
	s10 =	sld [smem:$0x3FB6];
	_ =	sdelay $0x3  }
0x37: {  	[smem:$0x3FB6] =	sst s10  }
0x38: {  	s10 =	sld [smem:$0x3FB7]  }
0x39: {  	_ = 	snop;
	(pc) =	sbr.ind lr, $3  }
0x3a: {  	_ = 	snop  }
0x3b: {  	_ = 	snop  }
0x3c: {  	p2 =	seq.s32 s10, $0x1;
	s10 =	sld [smem:$0x3FB6]  }
0x3d: {  	_ =	shalt  }
0x3e: {  	_ =	shalt  }
0x3f: {  	_ =	shalt  }
0x40: {  	_ =	shalt  }
0x41: {  	_ =	shalt  }
0x42: {  	_ =	shalt  }
0x43: {  	_ =	shalt  }
0x44: {  	_ =	shalt  }
0x45: {  	_ =	shalt  }
0x46: {  	_ =	shalt  }
0x47: {  	_ =	shalt  }
0x48: {  	_ =	shalt  }
0x49: {  	_ =	shalt  }
0x4a: {  	_ =	shalt  }
0x4b: {  	_ =	shalt  }
0x4c: {  	_ =	shalt  }
0x4d: {  	_ =	shalt  }
0x4e: {  	_ =	shalt  }
0x4f: {  	_ =	shalt  }
0x50: {  	_ =	shalt  }
0x51: {  	_ =	shalt  }
0x52: {  	_ =	shalt  }
0x53: {  	_ =	shalt  }
0x54: {  	_ =	shalt  }
0x55: {  	_ =	shalt  }
0x56: {  	_ =	shalt  }
0x57: {  	_ =	shalt  }
0x58: {  	_ =	shalt  }
0x59: {  	_ =	shalt  }
0x5a: {  	_ =	shalt  }
0x5b: {  	_ =	shalt  }
0x5c: {  	_ =	shalt  }
0x5d: {  	_ =	shalt  }
0x5e: {  	_ =	shalt  }
0x5f: {  	_ =	shalt  }
0x60: {  	_ =	shalt  }
0x61: {  	_ =	shalt  }
0x62: {  	_ =	shalt  }
0x63: {  	_ =	shalt  }
0x64: {  	_ =	shalt  }
0x65: {  	_ =	shalt  }
0x66: {  	_ =	shalt  }
0x67: {  	_ =	shalt  }
0x68: {  	_ =	shalt  }
0x69: {  	_ =	shalt  }
0x6a: {  	_ =	shalt  }
0x6b: {  	_ =	shalt  }
0x6c: {  	_ =	shalt  }
0x6d: {  	_ =	shalt  }
0x6e: {  	_ =	shalt  }
0x6f: {  	_ =	shalt  }
0x70: {  	_ =	shalt  }
0x71: {  	_ =	shalt  }
0x72: {  	_ =	shalt  }
0x73: {  	_ =	shalt  }
0x74: {  	_ =	shalt  }
0x75: {  	_ =	shalt  }
0x76: {  	_ =	shalt  }
0x77: {  	_ =	shalt  }
0x78: {  	_ =	shalt  }
0x79: {  	_ =	shalt  }
0x7a: {  	_ =	shalt  }
0x7b: {  	_ =	shalt  }
0x7c: {  	_ =	shalt  }
0x7d: {  	_ =	shalt  }
0x7e: {  	_ =	shalt  }
0x7f: {  	_ =	shalt  }
0x80: {  	_ =	shalt  }
0x81: {  	_ =	shalt  }
0x82: {  	_ =	shalt  }
0x83: {  	_ =	shalt  }
0x84: {  	_ =	shalt  }
0x85: {  	_ =	shalt  }
0x86: {  	_ =	shalt  }
0x87: {  	_ =	shalt  }
.Lfunc_end0:
.L_simem_size_0:
called_computation.1_lowered:
.L_overlay_start_0:
0x88: {  	s2 =	sld [smem:$0x3FD9]  }
0x89: {  	s3 =	sld [smem:$0x3FFE];
	_ =	sdelay $0x1  }
0x8a: {  	s1 =	srdreg.scid  }
0x8b: {  	s0 =	sand.u32 $0x1, s1  }
0x8c: {  	s17 =	sshll.u32 s0, $0xA;
	s2 =	sadd.s32 s3, s2  }
0x8d: {  	s2 =	sadd.s32 s2, s17  }
0x8e: {  	[smem:$0x3FC2] =	sst s2  }
0x8f: {  	_ = 	snop  }
0x90: {  	s2 =	sld [smem:$0x3FD0];
	(tm) =	ssettm $0x1  }
0x91: {  	s18 =	sld [smem:$0x3FFB];
	_ =	sdelay $0x3  }
0x92: {  	_ =	strace s18  }
0x93: {  	s3 =	sld [smem:$0x3FFC];
	_ =	sdelay $0x3  }
0x94: {  	_ =	strace s3  }
0x95: {  	s3 =	sld [smem:$0x3FFD];
	_ =	sdelay $0x3  }
0x96: {  	_ =	strace s3  }
0x97: {  	_ =	strace $0x8FFFFFFF  }
0x98: {  	s19 =	sld [smem:$0x3FDB];
	_ =	sdelay $0x1  }
0x99: {  	s4 =	simm.s32 $_scs_section_size  }
0x9a: {  	s5 =	simm.s32 $_size__tile_overlayer_lowered;
	s6 =	simm.s32 $_tile_overlayer_lowered  }
0x9b: {  	s22 =	simm.s32 $0x1BFF;
	s21 =	sshll.u32 s6, $0x1;
	s3 =	sadd.s32 s4, s19  }
0x9c: {  	s7 =	simm.s32 $0x0;
	s20 =	sshll.u32 s5, $0x1;
	s5 =	sadd.s32 s21, s3  }
0x9d: {  	[timem:s7], [sflag:s22] =	dma.local [hbm:s5], s20  }
0x9e: {  	_ =	swait.ge [sflag:s22], s20  }
0x9f: {  	s4 =	ssub.s32 $0x0, s20;
	[sflag:s22] =	ssyncset.done $0x0  }
0xa0: {  	[sflag:s22] =	ssyncadd.s32 s4;
	_ =	sdelay $0x1  }
0xa1: {  	s23 =	simm.s32 $0x1B8B  }
0xa2: {  	_ =	swait.ge [sflag:s23], $0x1  }
0xa3: {  	[sflag:s23] =	ssyncset.done $0x0  }
0xa4: {  	s25 =	simm.s32 $0x1B8E;
	s24 =	sld [smem:$0x3FFE];
	[sflag:s23] =	ssyncadd.s32 $0xFFFFFFFF  }
0xa5: {  	s26 =	simm.s32 $execute0_lowered;
	[smem:$0x3FD2] =	sst s25  }
0xa6: {  	s5 =	sshll.u32 s26, $0x1;
	_ =	strace $0x80000049;
	[dreg:$0x1] =	wrdreg $0xFFFFFFFF  }
0xa7: {  	s28 =	simm.s32 $_size_execute0_lowered;
	s3 =	sadd.s32 s3, s5;
	[dreg:$0x0] =	wrdreg $0x0  }
0xa8: {  	s5 =	sshll.u32 s28, $0x1;
	[dreg:$0x2] =	wrdreg s3  }
0xa9: {  	[dreg:$0x3] =	wrdreg s5  }
0xaa: {  	[dreg:$0x4] =	wrdreg $0xC0  }
0xab: {  	_ =	task [dreg:s7], $0x5FFFF  }
0xac: {  	[dreg:$0x1] =	wrdreg $0xFFFFFFFF  }
0xad: {  	[dreg:$0x0] =	wrdreg $0x60  }
0xae: {  	[dreg:$0x2] =	wrdreg s24  }
0xaf: {  	[dreg:$0x3] =	wrdreg s2  }
0xb0: {  	[dreg:$0x4] =	wrdreg $0x7E000  }
0xb1: {  	[dreg:$0x5] =	wrdreg $0x9  }
0xb2: {  	_ =	task.clear_ibuf [dreg:s7], $0x6FFFF;
	_ =	strace $0x90000049  }
0xb3: {  	s29 =	simm.s32 $0x9;
	_ =	strace $0x8000004B  }
0xb4: {  	_ =	swait.ge [sflag:s29], $0x1  }
0xb5: {  	[sflag:s29] =	ssyncadd.s32 $0xFFFFFFFF  }
0xb6: {  	_ =	strace $0x9000004B  }
0xb7: {  	_ =	sfence  }
0xb8: {  	s30 =	sld [smem:$0x0];
	_ =	sdelay $0x2  }
0xb9: {  	s31 =	sshll.u32 s1, $0xD;
	s1 =	sshrl.u32 s1, $0x2  }
0xba: {  	s3 =	sand.u32 $0x4000, s31;
	s1 =	sadd.s32 s1, s30  }
0xbb: {  	s0 =	sor.u32 s3, s0;
	s1 =	sshll.u32 s1, $0x11  }
0xbc: {  	s0 =	sor.u32 s1, s0  }
0xbd: {  	s0 =	sadd.s32 $0x8F2B, s0  }
0xbe: {  	[sflag:s0] =	ssyncadd.remote.s32 $0x1  }
0xbf: {  	_ =	sfence.sel $0xFFFF  }
0xc0: {  	[dreg:$0x0] =	wrdreg $0xFFFFFFFF;
	(pc) =	sbr.abs _section_cstart, $3  }
0xc1: {  	[dreg:$0x1] =	wrdreg $0xFFFFFFFF  }
0xc2: {  	_ =	task.clear_ibuf [dreg:s7], $0x2FFFF;
	_ =	strace $0x9FFFFFFF  }
0xc3: {  	(tm) =	ssettm $0x7FFFFFFF  }
tec
execute0_lowered:
.L_overlay_start_1:
0x0: {  	(tag) =	ssettag $0x1  }
0x1: {  	s0 =	rddreg [dreg:$0x0]  }
0x2: {  	s1 =	rddreg [dreg:$0x1];
	s3 =	srdreg.scid  }
0x3: {  	s11 =	stileid.u32;
	s2 =	rddreg [dreg:$0x2];
	s16 =	simm.s32 $0x0  }
0x4: {  	s29 =	simm.s32 $0x6;
	s31 =	simm.s32 $0x1;
	s6 =	smul.u32 $0x14000, s11  }
0x5: {  	s5 =	sand.u32 $0x1, s3;
	[smem:$0x7FF] =	sst s16;
	s8 =	smul.u32 $0x50000, s11  }
0x6: {  	s4 =	sadd.s32 $0x3600, s0;
	s9 =	sshll.u32 s11, $0x1;
	s19 =	smul.u32 $0xFA00, s11  }
0x7: {  	s20 =	sshll.u32 s11, $0x6;
	s3 =	simm.s32 $0x400;
	s11 =	simm.s32 $0x5600  }
0x8: {  	s7 =	smul.u32 $0x140000, s5;
	_ =	strace $0x8000004A;
	s17 =	ssub.s32 $0x2, s5  }
0x9: {  	s9 =	sor.u32 s5, s9;
	s5 =	smul.u32 $0x7D00, s5;
	s10 =	sshrl.u32 s17, $0x1  }
0xa: {  	s8 =	sshrl.u32 s8, $0x2;
	s9 =	smul.u32 $0x7D00, s9;
	s7 =	sadd.s32 s6, s7  }
0xb: {  	s8 =	sadd.s32 s8, s2;
	s6 =	sshrl.u32 s6, $0x3;
	s5 =	sadd.s32 s5, s19  }
0xc: {  	s7 =	sshrl.u32 s7, $0x3;
	s6 =	sadd.s32 s4, s6;
	s18 =	sshrl.u32 s9, $0x3  }
0xd: {  	s0 =	sadd.s32 s7, s0;
	[dreg:$0x4] =	wrdreg s6;
	s6 =	sadd.s32 s1, s18  }
0xe: {  	s7 =	ssub.s32 s17, s10;
	s10 =	sor.u32 $0x1C07, s20;
	[dreg:$0x5] =	wrdreg s6  }
0xf: {  	s2 =	simm.s32 $0x0;
	s21 =	sadd.s32 $0x20, s6;
	[dreg:$0x6] =	wrdreg s10  }
0x10: {  	s25 =	sadd.s32 $0x700, s5;
	s22 =	sadd.s32 $0x40, s6;
	[dreg:$0x7] =	wrdreg s21  }
0x11: {  	s26 =	sadd.s32 $0x600, s5;
	s23 =	sadd.s32 $0x60, s6;
	[dreg:$0x8] =	wrdreg s22  }
0x12: {  	s5 =	sadd.s32 $0x500, s5;
	s6 =	sadd.s32 $0x80, s6;
	[dreg:$0x9] =	wrdreg s23  }
0x13: {  	s28 =	sshrl.u32 s26, $0x3;
	s0 =	sadd.s32 $0x53600, s0;
	[dreg:$0xa] =	wrdreg s6  }
0x14: {  	s5 =	sshrl.u32 s5, $0x3;
	s24 =	smax.u32 s7, $0x1;
	[dreg:$0xb] =	wrdreg s0  }
0x15: {  	s18 =	simm.s32 $0x7;
	s30 =	sadd.s32 s5, s1;
	[dreg:$0xc] =	wrdreg s24  }
0x16: {  	s0 =	sshrl.u32 s25, $0x3;
	[dreg:$0xf] =	wrdreg s30;
	s6 =	sshrl.u32 s8, $0x3  }
0x17: {  	s7 =	simm.s32 $0x300;
	s0 =	sadd.s32 s0, s1;
	[dreg:$0x10] =	wrdreg s6  }
0x18: {  	s22 =	simm.s32 $0x50;
	[dreg:$0xd] =	wrdreg s0;
	s0 =	sadd.s32 s28, s1  }
0x19: {  	s1 =	simm.s32 $0x2;
	[dreg:$0xe] =	wrdreg s0;
	s0 =	simm.s32 $0x3  }
.LBB2_1:
0x1a: {  	[dreg:$0x11] =	wrdreg s2  }
0x1b: {  	s5 =	rddreg [dreg:$0x4]  }
0x1c: {  	[spmem:s6], [sflag:s10] =	dma.local [hbm:s5], $0x2800  }
0x1d: {  	_ =	swait.ge [sflag:s18], $0x2800  }
0x1e: {  	[sflag:s18] =	ssyncset.done $0x0  }
0x1f: {  	[sflag:s18] =	ssyncadd.s32 $0xFFFFD800  }
0x20: {  	s21 =	simm.s32 $0x0;
	s20 =	simm.s32 $0x4;
	[bflag:$0x0] =	sbarrier.arrive $0xFFFF  }
0x21: {  	s19 =	simm.s32 $0x600;
	s14 =	simm.s32 $0x5;
	s8 =	rddreg [dreg:$0x5]  }
0x22: {  	[tilespmem:s21], [sflag:$0x4] =	stream.linear.gather [hbm4b:s8+s21], $0x100, $0x38;
	[tilespmem:$0x1BE00] =	vst v63  }
0x23: {  	s2 =	simm.s32 $0x2E00;
	s24 =	simm.s32 $0x1;
	s8 =	simm.s32 $0x3  }
0x24: {  	s10 =	simm.s32 $0x100;
	s9 =	rddreg [dreg:$0x7];
	s16 =	sand.u32 $0xFF, s8  }
0x25: {  	[tilespmem:s10], [sflag:$0x5] =	stream.linear.gather [hbm4b:s9+s21], $0x100, $0x38;
	[tilespmem:$0x1BE00] =	vst v63  }
0x26: {  	s12 =	rddreg [dreg:$0x8];
	s9 =	simm.s32 $0x200;
	s6 =	smul.u32 $0xAB, s16  }
0x27: {  	[tilespmem:s9], [sflag:$0x6] =	stream.linear.gather [hbm4b:s12+s21], $0x100, $0x38;
	[tilespmem:$0x1BE00] =	vst v63  }
0x28: {  	s25 =	simm.s32 $0x5;
	s17 =	smul.u32 $0xAB, s21;
	_ =	swait.ge [sflag:s20], $0x100  }
0x29: {  	s16 =	simm.s32 $0x4;
	s6 =	sshrl.u32 s6, $0xA;
	[sflag:s20] =	ssyncset.done $0x0  }
0x2a: {  	s12 =	simm.s32 $0x6;
	s6 =	smul.u32 $0x6, s6;
	[sflag:s20] =	ssyncadd.s32 $0xFFFFFF00  }
0x2b: {  	[tilespmem:s19], [sflag:$0x1] =	stream.indirect.gather [hbm4b:s4+s22], $0x80, s21, s22, $0xb8;
	[tilespmem:$0x1BE00] =	vst v63  }
0x2c: {  	s23 =	sand.u32 $0xFF, s12;
	s13 =	rddreg [dreg:$0x9];
	s6 =	ssub.s32 $0x3, s6  }
0x2d: {  	[tilespmem:s7], [sflag:$0x4] =	stream.linear.gather [hbm4b:s13+s21], $0x100, $0x38;
	[tilespmem:$0x1BE00] =	vst v63  }
0x2e: {  	s6 =	sand.u32 $0xFF, s6;
	s7 =	sshrl.u32 s17, $0xA;
	_ =	swait.ge [sflag:s14], $0x100  }
0x2f: {  	s6 =	sshll.u32 s6, $0x8;
	s7 =	sand.u32 $0x3F, s7;
	[sflag:s14] =	ssyncset.done $0x0  }
0x30: {  	s17 =	simm.s32 $0x6;
	s7 =	smul.u32 $0x6, s7;
	[sflag:s14] =	ssyncadd.s32 $0xFFFFFF00  }
0x31: {  	[tilespmem:s2], [sflag:$0x2] =	stream.indirect.gather [hbm4b:s4+s22], $0x80, s10, s22, $0xb8;
	[tilespmem:$0x1BE00] =	vst v63  }
0x32: {  	s15 =	rddreg [dreg:$0xa];
	s14 =	sand.u32 $0xFF, s17;
	s17 =	smul.u32 $0xAB, s8  }
0x33: {  	[tilespmem:s3], [sflag:$0x5] =	stream.linear.gather [hbm4b:s15+s21], $0x100, $0x38;
	[tilespmem:$0x1BE00] =	vst v63  }
0x34: {  	s10 =	sand.u32 $0xFF, s24;
	s7 =	ssub.s32 $0x0, s7;
	_ =	swait.ge [sflag:s29], $0x100  }
0x35: {  	s14 =	smul.u32 $0xAB, s14;
	s7 =	sand.u32 $0xFF, s7;
	[sflag:s29] =	ssyncset.done $0x0  }
0x36: {  	s10 =	smul.u32 $0xAB, s10;
	s7 =	sshll.u32 s7, $0x8;
	[sflag:s29] =	ssyncadd.s32 $0xFFFFFF00  }
0x37: {  	[tilespmem:s11], [sflag:$0x3] =	stream.indirect.gather [hbm4b:s4+s22], $0x80, s9, s22, $0xb8;
	[tilespmem:$0x1BE00] =	vst v63  }
0x38: {  	s10 =	sshrl.u32 s10, $0xA;
	s9 =	smul.u32 $0xAB, s23;
	s11 =	sand.u32 $0xFF, s25  }
0x39: {  	s7 =	sor.u32 $0x80, s7;
	s11 =	smul.u32 $0xAB, s11;
	_ =	swait.ge [sflag:s31], $0x2800  }
0x3a: {  	s10 =	smul.u32 $0x6, s10;
	s9 =	sshrl.u32 s9, $0xA;
	[sflag:s31] =	ssyncset.done $0x0  }
0x3b: {  	s9 =	smul.u32 $0x6, s9;
	s11 =	sshrl.u32 s11, $0xA;
	[sflag:s31] =	ssyncadd.s32 $0xFFFFD800  }
0x3c: {  	s26 =	ssub.s32 $0x1, s10;
	s11 =	smul.u32 $0x6, s11;
	s30 =	rddreg [dreg:$0x2]  }
0x3d: {  	[spmem:s30] =	stream.indirect.scatter.add.f32 [tilespmem:s19], [sflag:$0x7], $0x80, s7, s22, $0xb8;
	[tilespmem:$0x1BE00] =	vst v63  }
0x3e: {  	s13 =	ssub.s32 $0x6, s9;
	s9 =	sand.u32 $0xFF, s26;
	_ =	swait.ge [sflag:s18], $0x2800  }
0x3f: {  	s26 =	sshrl.u32 s14, $0xA;
	s5 =	sshll.u32 s9, $0x8;
	[sflag:s18] =	ssyncset.done $0x0  }
0x40: {  	s9 =	sand.u32 $0xFF, s16;
	s16 =	rddreg [dreg:$0xf];
	[sflag:s18] =	ssyncadd.s32 $0xFFFFD800  }
0x41: {  	s28 =	ssub.s32 $0x5, s11;
	s23 =	rddreg [dreg:$0xe];
	_ =	swait.ge [sflag:s20], $0x100  }
0x42: {  	s10 =	sand.u32 $0xFF, s28;
	s15 =	smul.u32 $0xAB, s9;
	[sflag:s20] =	ssyncset.done $0x0  }
0x43: {  	s24 =	sor.u32 $0x80, s5;
	s11 =	sadd.s32 $0x60, s16;
	[sflag:s20] =	ssyncadd.s32 $0xFFFFFF00  }
0x44: {  	[tilespmem:s19], [sflag:$0x1] =	stream.indirect.gather [hbm4b:s4+s22], $0x80, s6, s22, $0xb8;
	[tilespmem:$0x1BE00] =	vst v63  }
0x45: {  	s9 =	sadd.s32 $0x60, s23;
	s15 =	sshrl.u32 s15, $0xA;
	s20 =	sshll.u32 s10, $0x8  }
0x46: {  	[tilespmem:s20], [sflag:$0x6] =	stream.linear.gather [hbm4b:s16+s21], $0x100, $0x38;
	[tilespmem:$0x1BE00] =	vst v63  }
0x47: {  	s25 =	smul.u32 $0x6, s15;
	s15 =	smov.u32 s23;
	_ =	swait.ge [sflag:s1], $0x2800  }
0x48: {  	s10 =	smul.u32 $0x6, s26;
	s19 =	simm.s32 $0x2;
	[sflag:s1] =	ssyncset.done $0x0  }
0x49: {  	s7 =	ssub.s32 $0x4, s25;
	s28 =	sand.u32 $0xFF, s19;
	[sflag:s1] =	ssyncadd.s32 $0xFFFFD800  }
0x4a: {  	[spmem:s30] =	stream.indirect.scatter.add.f32 [tilespmem:s2], [sflag:$0x7], $0x80, s24, s22, $0xb8;
	[tilespmem:$0x1BE00] =	vst v63  }
0x4b: {  	s6 =	sshrl.u32 s17, $0xA;
	s14 =	smul.u32 $0xAB, s28;
	s30 =	ssub.s32 $0x6, s10  }
0x4c: {  	s7 =	sand.u32 $0xFF, s7;
	_ =	swait.ge [sflag:s18], $0x2800;
	s10 =	sand.u32 $0xFF, s30  }
0x4d: {  	s16 =	sshrl.u32 s14, $0xA;
	s17 =	sshll.u32 s10, $0x8;
	s10 =	rddreg [dreg:$0xd]  }
0x4e: {  	s24 =	simm.s32 $0x0;
	[sflag:s18] =	ssyncset.done $0x0;
	s14 =	smov.u32 s10  }
.LBB2_2:
0x4f: {  	[sflag:s18] =	ssyncadd.s32 $0xFFFFD800  }
0x50: {  	s5 =	sshll.u32 s7, $0x8;
	s23 =	smul.u32 $0x6, s16;
	s16 =	smov.u32 s12  }
0x51: {  	s7 =	smov.u32 s13;
	s28 =	smov.u32 s11;
	p0 =	sne.s32 s12, $0x75  }
0x52: {  	s12 =	sadd.s32 $0x3, s12;
	s2 =	simm.s32 $0x5;
	s6 =	sand.u32 $0x3F, s6  }
0x53: {  	s26 =	sadd.s32 $0x5, s8;
	s14 =	sadd.s32 $0x60, s14;
	s11 =	sadd.s32 $0x60, s11  }
0x54: {  	_ =	swait.ge [sflag:s2], $0x100;
	s21 =	sand.u32 $0xFF, s12;
	s6 =	smul.u32 $0x6, s6  }
0x55: {  	s25 =	sand.u32 $0xFF, s26;
	s7 =	sand.u32 $0xFF, s7;
	s19 =	ssub.s32 s19, s23  }
0x56: {  	[sflag:s2] =	ssyncset.done $0x0;
	s7 =	sshll.u32 s7, $0x8;
	s13 =	sand.u32 $0xFF, s19  }
0x57: {  	s19 =	smul.u32 $0xAB, s21;
	[sflag:s2] =	ssyncadd.s32 $0xFFFFFF00;
	s2 =	simm.s32 $0x2E00  }
0x58: {  	s6 =	ssub.s32 s8, s6;
	s21 =	simm.s32 $0x0;
	s13 =	sshll.u32 s13, $0x8  }
0x59: {  	[tilespmem:s2], [sflag:$0x2] =	stream.indirect.gather [hbm4b:s4+s22], $0x80, s5, s22, $0xb8;
	[tilespmem:$0x1BE00] =	vst v63  }
0x5a: {  	s6 =	sand.u32 $0xFF, s6;
	s23 =	sshrl.u32 s19, $0xA;
	s19 =	sadd.s32 $0x7, s24  }
0x5b: {  	s6 =	sshll.u32 s6, $0x8;
	s30 =	sor.u32 $0x80, s13;
	s5 =	smul.u32 $0x6, s23  }
0x5c: {  	[tilespmem:s17], [sflag:$0x4] =	stream.linear.gather [hbm4b:s15+s21], $0x100, $0x38;
	[tilespmem:$0x1BE00] =	vst v63  }
0x5d: {  	s23 =	sadd.s32 $0x1, s8;
	s24 =	sand.u32 $0xFF, s19;
	_ =	swait.ge [sflag:s0], $0x2800  }
0x5e: {  	s15 =	smul.u32 $0xAB, s25;
	s25 =	simm.s32 $0x5600;
	[sflag:s0] =	ssyncset.done $0x0  }
0x5f: {  	s24 =	smul.u32 $0xAB, s24;
	s3 =	sand.u32 $0xFF, s23;
	[sflag:s0] =	ssyncadd.s32 $0xFFFFD800  }
0x60: {  	s6 =	sor.u32 $0x80, s6;
	s17 =	smul.u32 $0xAB, s3;
	s3 =	rddreg [dreg:$0x2]  }
0x61: {  	[spmem:s3] =	stream.indirect.scatter.add.f32 [tilespmem:s25], [sflag:$0x7], $0x80, s30, s22, $0xb8;
	[tilespmem:$0x1BE00] =	vst v63  }
0x62: {  	s13 =	ssub.s32 s12, s5;
	s5 =	sshrl.u32 s15, $0xA;
	_ =	swait.ge [sflag:s18], $0x2800  }
0x63: {  	s24 =	sshrl.u32 s24, $0xA;
	s5 =	smul.u32 $0x6, s5;
	[sflag:s18] =	ssyncset.done $0x0  }
0x64: {  	s17 =	sshrl.u32 s17, $0xA;
	s24 =	smul.u32 $0x6, s24;
	[sflag:s18] =	ssyncadd.s32 $0xFFFFD800  }
0x65: {  	s15 =	smul.u32 $0x6, s17;
	s5 =	ssub.s32 s26, s5;
	_ =	swait.ge [sflag:s29], $0x100  }
0x66: {  	s17 =	ssub.s32 s19, s24;
	s24 =	smov.u32 s8;
	[sflag:s29] =	ssyncset.done $0x0  }
0x67: {  	s8 =	smov.u32 s16;
	s17 =	sand.u32 $0xFF, s17;
	[sflag:s29] =	ssyncadd.s32 $0xFFFFFF00  }
0x68: {  	[tilespmem:s25], [sflag:$0x3] =	stream.indirect.gather [hbm4b:s4+s22], $0x80, s20, s22, $0xb8;
	[tilespmem:$0x1BE00] =	vst v63  }
0x69: {  	s5 =	sand.u32 $0xFF, s5;
	s15 =	ssub.s32 s23, s15;
	s17 =	sshll.u32 s17, $0x8  }
0x6a: {  	[tilespmem:s17], [sflag:$0x5] =	stream.linear.gather [hbm4b:s10+s21], $0x100, $0x38;
	[tilespmem:$0x1BE00] =	vst v63  }
0x6b: {  	s23 =	sadd.s32 $0x6, s24;
	s30 =	sand.u32 $0xFF, s15;
	_ =	swait.ge [sflag:s31], $0x2800  }
0x6c: {  	s15 =	smov.u32 s9;
	s20 =	sshll.u32 s30, $0x8;
	[sflag:s31] =	ssyncset.done $0x0  }
0x6d: {  	s30 =	simm.s32 $0x600;
	s17 =	sadd.s32 $0x4, s24;
	[sflag:s31] =	ssyncadd.s32 $0xFFFFD800  }
0x6e: {  	[spmem:s3] =	stream.indirect.scatter.add.f32 [tilespmem:s30], [sflag:$0x7], $0x80, s6, s22, $0xb8;
	[tilespmem:$0x1BE00] =	vst v63  }
0x6f: {  	s19 =	sand.u32 $0xFF, s23;
	s26 =	sand.u32 $0xFF, s17;
	_ =	swait.ge [sflag:s18], $0x2800  }
0x70: {  	s9 =	sadd.s32 $0x60, s9;
	s6 =	smul.u32 $0xAB, s26;
	[sflag:s18] =	ssyncset.done $0x0  }
0x71: {  	s25 =	simm.s32 $0x4;
	s16 =	sor.u32 $0x80, s20;
	[sflag:s18] =	ssyncadd.s32 $0xFFFFD800  }
0x72: {  	s26 =	smul.u32 $0xAB, s8;
	s6 =	sshrl.u32 s6, $0xA;
	_ =	swait.ge [sflag:s25], $0x100  }
0x73: {  	s20 =	sshll.u32 s5, $0x8;
	s5 =	smul.u32 $0x6, s6;
	[sflag:s25] =	ssyncset.done $0x0  }
0x74: {  	s10 =	smov.u32 s14;
	[sflag:s25] =	ssyncadd.s32 $0xFFFFFF00;
	s25 =	smul.u32 $0xAB, s19  }
0x75: {  	[tilespmem:s30], [sflag:$0x1] =	stream.indirect.gather [hbm4b:s4+s22], $0x80, s7, s22, $0xb8;
	[tilespmem:$0x1BE00] =	vst v63  }
0x76: {  	s5 =	ssub.s32 s17, s5;
	s19 =	sadd.s32 $0x2, s24;
	s6 =	sshrl.u32 s25, $0xA  }
0x77: {  	[tilespmem:s20], [sflag:$0x6] =	stream.linear.gather [hbm4b:s28+s21], $0x100, $0x38;
	[tilespmem:$0x1BE00] =	vst v63  }
0x78: {  	s7 =	sand.u32 $0xFF, s5;
	s6 =	smul.u32 $0x6, s6;
	_ =	swait.ge [sflag:s1], $0x2800  }
.Ltmp0:
0x79: {  	s28 =	sand.u32 $0xFF, s19;
	[sflag:s1] =	ssyncset.done $0x0;
	(pc) =	sbr.rel @p0 .LBB2_2-.Ltmp0, $4  }
0x7a: {  	s5 =	smul.u32 $0xAB, s28;
	s6 =	ssub.s32 s23, s6;
	[sflag:s1] =	ssyncadd.s32 $0xFFFFD800  }
0x7b: {  	[spmem:s3] =	stream.indirect.scatter.add.f32 [tilespmem:s2], [sflag:$0x7], $0x80, s16, s22, $0xb8;
	[tilespmem:$0x1BE00] =	vst v63  }
0x7c: {  	s30 =	sand.u32 $0xFF, s6;
	s6 =	sshrl.u32 s26, $0xA;
	_ =	swait.ge [sflag:s18], $0x2800  }
0x7d: {  	s16 =	sshrl.u32 s5, $0xA;
	s17 =	sshll.u32 s30, $0x8;
	[sflag:s18] =	ssyncset.done $0x0  }
0x7e: {  	[sflag:s18] =	ssyncadd.s32 $0xFFFFD800;
	s21 =	simm.s32 $0x5  }
0x7f: {  	_ =	swait.ge [sflag:s21], $0x100  }
0x80: {  	[sflag:s21] =	ssyncset.done $0x0  }
0x81: {  	s5 =	sshll.u32 s7, $0x8;
	s23 =	simm.s32 $0x2E00;
	[sflag:s21] =	ssyncadd.s32 $0xFFFFFF00  }
0x82: {  	[tilespmem:s23], [sflag:$0x2] =	stream.indirect.gather [hbm4b:s4+s22], $0x80, s5, s22, $0xb8;
	[tilespmem:$0x1BE00] =	vst v63  }
0x83: {  	s16 =	smul.u32 $0x6, s16;
	s3 =	simm.s32 $0x0  }
0x84: {  	[tilespmem:s17], [sflag:$0x4] =	stream.linear.gather [hbm4b:s15+s3], $0x100, $0x38;
	[tilespmem:$0x1BE00] =	vst v63  }
0x85: {  	s5 =	ssub.s32 s19, s16;
	_ =	swait.ge [sflag:s0], $0x2800  }
0x86: {  	s19 =	sadd.s32 $0x7, s24;
	s5 =	sand.u32 $0xFF, s5;
	[sflag:s0] =	ssyncset.done $0x0  }
0x87: {  	s16 =	simm.s32 $0x5600;
	s5 =	sshll.u32 s5, $0x8;
	[sflag:s0] =	ssyncadd.s32 $0xFFFFD800  }
0x88: {  	s24 =	sand.u32 $0xFF, s19;
	s5 =	sor.u32 $0x80, s5;
	s2 =	rddreg [dreg:$0x2]  }
0x89: {  	[spmem:s2] =	stream.indirect.scatter.add.f32 [tilespmem:s16], [sflag:$0x7], $0x80, s5, s22, $0xb8;
	[tilespmem:$0x1BE00] =	vst v63  }
0x8a: {  	s5 =	smul.u32 $0xAB, s24  }
0x8b: {  	_ =	swait.ge [sflag:s18], $0x2800  }
0x8c: {  	s5 =	sshrl.u32 s5, $0xA;
	[sflag:s18] =	ssyncset.done $0x0  }
0x8d: {  	s5 =	smul.u32 $0x6, s5;
	[sflag:s18] =	ssyncadd.s32 $0xFFFFD800  }
0x8e: {  	_ =	swait.ge [sflag:s29], $0x100  }
0x8f: {  	s6 =	sand.u32 $0x3F, s6;
	s5 =	ssub.s32 s19, s5;
	[sflag:s29] =	ssyncset.done $0x0  }
0x90: {  	s6 =	smul.u32 $0x6, s6;
	s5 =	sand.u32 $0xFF, s5;
	[sflag:s29] =	ssyncadd.s32 $0xFFFFFF00  }
0x91: {  	[tilespmem:s16], [sflag:$0x3] =	stream.indirect.gather [hbm4b:s4+s22], $0x80, s20, s22, $0xb8;
	[tilespmem:$0x1BE00] =	vst v63  }
0x92: {  	s6 =	ssub.s32 s8, s6;
	s5 =	sshll.u32 s5, $0x8  }
0x93: {  	[tilespmem:s5], [sflag:$0x5] =	stream.linear.gather [hbm4b:s10+s3], $0x100, $0x38;
	[tilespmem:$0x1BE00] =	vst v63  }
0x94: {  	s28 =	sadd.s32 $0x5, s8;
	s6 =	sand.u32 $0xFF, s6;
	_ =	swait.ge [sflag:s31], $0x2800  }
0x95: {  	s12 =	simm.s32 $0x600;
	s25 =	sshll.u32 s6, $0x8;
	[sflag:s31] =	ssyncset.done $0x0  }
0x96: {  	s15 =	sand.u32 $0xFF, s28;
	s5 =	sor.u32 $0x80, s25;
	[sflag:s31] =	ssyncadd.s32 $0xFFFFD800  }
0x97: {  	[spmem:s2] =	stream.indirect.scatter.add.f32 [tilespmem:s12], [sflag:$0x7], $0x80, s5, s22, $0xb8;
	[tilespmem:$0x1BE00] =	vst v63  }
0x98: {  	s26 =	sadd.s32 $0x1, s8;
	s5 =	smul.u32 $0xAB, s15  }
0x99: {  	s30 =	sand.u32 $0xFF, s26;
	s17 =	sand.u32 $0xFF, s13;
	_ =	swait.ge [sflag:s18], $0x2800  }
0x9a: {  	s10 =	smul.u32 $0xAB, s30;
	s5 =	sshrl.u32 s5, $0xA;
	[sflag:s18] =	ssyncset.done $0x0  }
0x9b: {  	s15 =	simm.s32 $0x4;
	s5 =	smul.u32 $0x6, s5;
	[sflag:s18] =	ssyncadd.s32 $0xFFFFD800  }
0x9c: {  	s7 =	sshll.u32 s17, $0x8;
	s24 =	sadd.s32 $0x6, s8;
	_ =	swait.ge [sflag:s15], $0x100  }
0x9d: {  	s10 =	sshrl.u32 s10, $0xA;
	s5 =	ssub.s32 s28, s5;
	[sflag:s15] =	ssyncset.done $0x0  }
0x9e: {  	s10 =	smul.u32 $0x6, s10;
	s5 =	sand.u32 $0xFF, s5;
	[sflag:s15] =	ssyncadd.s32 $0xFFFFFF00  }
0x9f: {  	[tilespmem:s12], [sflag:$0x1] =	stream.indirect.gather [hbm4b:s4+s22], $0x80, s7, s22, $0xb8;
	[tilespmem:$0x1BE00] =	vst v63  }
0xa0: {  	s19 =	sadd.s32 $0x4, s8;
	s6 =	ssub.s32 s26, s10;
	s5 =	sshll.u32 s5, $0x8  }
0xa1: {  	[tilespmem:s5], [sflag:$0x6] =	stream.linear.gather [hbm4b:s11+s3], $0x100, $0x38;
	[tilespmem:$0x1BE00] =	vst v63  }
0xa2: {  	s20 =	sand.u32 $0xFF, s19;
	s6 =	sand.u32 $0xFF, s6;
	_ =	swait.ge [sflag:s1], $0x2800  }
0xa3: {  	s25 =	sand.u32 $0xFF, s24;
	s6 =	sshll.u32 s6, $0x8;
	[sflag:s1] =	ssyncset.done $0x0  }
0xa4: {  	s10 =	smul.u32 $0xAB, s20;
	s6 =	sor.u32 $0x80, s6;
	[sflag:s1] =	ssyncadd.s32 $0xFFFFD800  }
0xa5: {  	[spmem:s2] =	stream.indirect.scatter.add.f32 [tilespmem:s23], [sflag:$0x7], $0x80, s6, s22, $0xb8;
	[tilespmem:$0x1BE00] =	vst v63  }
0xa6: {  	s10 =	sshrl.u32 s10, $0xA;
	s6 =	smul.u32 $0xAB, s25  }
0xa7: {  	s26 =	sadd.s32 $0x2, s8;
	s10 =	smul.u32 $0x6, s10;
	_ =	swait.ge [sflag:s18], $0x2800  }
0xa8: {  	s28 =	sand.u32 $0xFF, s26;
	s6 =	sshrl.u32 s6, $0xA;
	[sflag:s18] =	ssyncset.done $0x0  }
0xa9: {  	s7 =	ssub.s32 s19, s10;
	s6 =	smul.u32 $0x6, s6;
	[sflag:s18] =	ssyncadd.s32 $0xFFFFD800  }
0xaa: {  	s7 =	sand.u32 $0xFF, s7;
	s11 =	smul.u32 $0xAB, s28;
	_ =	swait.ge [sflag:s21], $0x100  }
0xab: {  	s7 =	sshll.u32 s7, $0x8;
	s6 =	ssub.s32 s24, s6;
	[sflag:s21] =	ssyncset.done $0x0  }
0xac: {  	s30 =	sshrl.u32 s11, $0xA;
	[sflag:s21] =	ssyncadd.s32 $0xFFFFFF00;
	s6 =	sand.u32 $0xFF, s6  }
0xad: {  	[tilespmem:s23], [sflag:$0x2] =	stream.indirect.gather [hbm4b:s4+s22], $0x80, s7, s22, $0xb8;
	[tilespmem:$0x1BE00] =	vst v63  }
0xae: {  	s6 =	sshll.u32 s6, $0x8;
	s7 =	smul.u32 $0x6, s30  }
0xaf: {  	[tilespmem:s6], [sflag:$0x4] =	stream.linear.gather [hbm4b:s9+s3], $0x100, $0x38;
	[tilespmem:$0x1BE00] =	vst v63  }
0xb0: {  	s9 =	ssub.s32 s26, s7  }
0xb1: {  	s6 =	sand.u32 $0xFF, s9;
	_ =	swait.ge [sflag:s0], $0x2800  }
0xb2: {  	s10 =	sadd.s32 $0x7, s8;
	s6 =	sshll.u32 s6, $0x8;
	[sflag:s0] =	ssyncset.done $0x0  }
0xb3: {  	s11 =	sand.u32 $0xFF, s10;
	s6 =	sor.u32 $0x80, s6;
	[sflag:s0] =	ssyncadd.s32 $0xFFFFD800  }
0xb4: {  	[spmem:s2] =	stream.indirect.scatter.add.f32 [tilespmem:s16], [sflag:$0x7], $0x80, s6, s22, $0xb8;
	[tilespmem:$0x1BE00] =	vst v63  }
0xb5: {  	s6 =	smul.u32 $0xAB, s11  }
0xb6: {  	_ =	swait.ge [sflag:s18], $0x2800  }
0xb7: {  	[sflag:s18] =	ssyncset.done $0x0;
	s6 =	sshrl.u32 s6, $0xA  }
0xb8: {  	[sflag:s18] =	ssyncadd.s32 $0xFFFFD800;
	s6 =	smul.u32 $0x6, s6  }
0xb9: {  	_ =	swait.ge [sflag:s29], $0x100  }
0xba: {  	[sflag:s29] =	ssyncset.done $0x0;
	s6 =	ssub.s32 s10, s6  }
0xbb: {  	[sflag:s29] =	ssyncadd.s32 $0xFFFFFF00;
	s13 =	sand.u32 $0xFF, s6  }
0xbc: {  	[tilespmem:s16], [sflag:$0x3] =	stream.indirect.gather [hbm4b:s4+s22], $0x80, s5, s22, $0xb8;
	[tilespmem:$0x1BE00] =	vst v63  }
0xbd: {  	s17 =	sadd.s32 $0x60, s14;
	s5 =	sshll.u32 s13, $0x8  }
0xbe: {  	[tilespmem:s5], [sflag:$0x5] =	stream.linear.gather [hbm4b:s17+s3], $0x100, $0x38;
	[tilespmem:$0x1BE00] =	vst v63  }
0xbf: {  	_ =	swait.ge [sflag:s31], $0x2800  }
0xc0: {  	[sflag:s31] =	ssyncset.done $0x0  }
0xc1: {  	s19 =	simm.s32 $0x80;
	[sflag:s31] =	ssyncadd.s32 $0xFFFFD800  }
0xc2: {  	[spmem:s2] =	stream.indirect.scatter.add.f32 [tilespmem:s12], [sflag:$0x7], $0x80, s19, s22, $0xb8;
	[tilespmem:$0x1BE00] =	vst v63  }
0xc3: {  	_ =	swait.ge [sflag:s18], $0x2800  }
0xc4: {  	[sflag:s18] =	ssyncset.done $0x0  }
0xc5: {  	[sflag:s18] =	ssyncadd.s32 $0xFFFFD800  }
0xc6: {  	_ =	swait.ge [sflag:s15], $0x100  }
0xc7: {  	[sflag:s15] =	ssyncset.done $0x0  }
0xc8: {  	s7 =	simm.s32 $0x300;
	[sflag:s15] =	ssyncadd.s32 $0xFFFFFF00  }
0xc9: {  	[tilespmem:s12], [sflag:$0x1] =	stream.indirect.gather [hbm4b:s4+s22], $0x80, s7, s22, $0xb8;
	[tilespmem:$0x1BE00] =	vst v63  }
0xca: {  	_ =	swait.ge [sflag:s1], $0x2800  }
0xcb: {  	[sflag:s1] =	ssyncset.done $0x0  }
0xcc: {  	s20 =	simm.s32 $0x180;
	[sflag:s1] =	ssyncadd.s32 $0xFFFFD800  }
0xcd: {  	[spmem:s2] =	stream.indirect.scatter.add.f32 [tilespmem:s23], [sflag:$0x7], $0x80, s20, s22, $0xb8;
	[tilespmem:$0x1BE00] =	vst v63  }
0xce: {  	_ =	swait.ge [sflag:s18], $0x2800  }
0xcf: {  	[sflag:s18] =	ssyncset.done $0x0  }
0xd0: {  	[sflag:s18] =	ssyncadd.s32 $0xFFFFD800  }
0xd1: {  	_ =	swait.ge [sflag:s21], $0x100  }
0xd2: {  	[sflag:s21] =	ssyncset.done $0x0  }
0xd3: {  	s3 =	simm.s32 $0x400;
	[sflag:s21] =	ssyncadd.s32 $0xFFFFFF00  }
0xd4: {  	[tilespmem:s23], [sflag:$0x2] =	stream.indirect.gather [hbm4b:s4+s22], $0x80, s3, s22, $0xb8;
	[tilespmem:$0x1BE00] =	vst v63  }
0xd5: {  	_ =	swait.ge [sflag:s0], $0x2800  }
0xd6: {  	[sflag:s0] =	ssyncset.done $0x0  }
0xd7: {  	s21 =	simm.s32 $0x280;
	[sflag:s0] =	ssyncadd.s32 $0xFFFFD800  }
0xd8: {  	[spmem:s2] =	stream.indirect.scatter.add.f32 [tilespmem:s16], [sflag:$0x7], $0x80, s21, s22, $0xb8;
	[tilespmem:$0x1BE00] =	vst v63  }
0xd9: {  	_ =	swait.ge [sflag:s18], $0x2800  }
0xda: {  	[sflag:s18] =	ssyncset.done $0x0  }
0xdb: {  	[sflag:s18] =	ssyncadd.s32 $0xFFFFD800  }
0xdc: {  	_ =	swait.ge [sflag:s31], $0x2800  }
0xdd: {  	[sflag:s31] =	ssyncset.done $0x0  }
0xde: {  	s24 =	simm.s32 $0x380;
	[sflag:s31] =	ssyncadd.s32 $0xFFFFD800  }
0xdf: {  	[spmem:s2] =	stream.indirect.scatter.add.f32 [tilespmem:s12], [sflag:$0x7], $0x80, s24, s22, $0xb8;
	[tilespmem:$0x1BE00] =	vst v63  }
0xe0: {  	_ =	swait.ge [sflag:s18], $0x2800  }
0xe1: {  	[sflag:s18] =	ssyncset.done $0x0  }
0xe2: {  	[sflag:s18] =	ssyncadd.s32 $0xFFFFD800  }
0xe3: {  	_ =	swait.ge [sflag:s1], $0x2800  }
0xe4: {  	[sflag:s1] =	ssyncset.done $0x0  }
0xe5: {  	s25 =	simm.s32 $0x480;
	[sflag:s1] =	ssyncadd.s32 $0xFFFFD800  }
0xe6: {  	[spmem:s2] =	stream.indirect.scatter.add.f32 [tilespmem:s23], [sflag:$0x7], $0x80, s25, s22, $0xb8;
	[tilespmem:$0x1BE00] =	vst v63  }
0xe7: {  	_ =	swait.ge [sflag:s18], $0x2800  }
0xe8: {  	[sflag:s18] =	ssyncset.done $0x0  }
0xe9: {  	[sflag:s18] =	ssyncadd.s32 $0xFFFFD800  }
0xea: {  	[bflag:$0x0] =	sbarrier.arrive $0xFFFF  }
0xeb: {  	s10 =	rddreg [dreg:$0x6]  }
0xec: {  	s26 =	rddreg [dreg:$0xb]  }
0xed: {  	s6 =	rddreg [dreg:$0x10]  }
0xee: {  	[hbm:s26], [sflag:s10] =	dma.local [spmem:s6], $0x2800  }
0xef: {  	_ =	swait.ge [sflag:s18], $0x2800  }
0xf0: {  	s28 =	rddreg [dreg:$0x11]  }
0xf1: {  	s30 =	rddreg [dreg:$0xc];
	s2 =	sadd.s32 $0x1, s28  }
0xf2: {  	p0 =	sne.s32 s2, s30  }
.Ltmp1:
0xf3: {  	_ = 	snop;
	(pc) =	sbr.rel @p0 .LBB2_1-.Ltmp1, $3  }
0xf4: {  	_ =	sdelay $0x1  }
0xf5: {  	[sflag:s18] =	ssyncset.done $0x0  }
0xf6: {  	s11 =	simm.s32 $0x5600;
	[sflag:s18] =	ssyncadd.s32 $0xFFFFD800  }
0xf7: {  	_ =	sfence.sel $0x180000  }
0xf8: {  	[bflag:$0x0] =	sbarrier.arrive $0xFFFF  }
0xf9: {  	_ =	strace $0x9000004A  }
0xfa: {  	s0 =	stileid.u32;
	[bflag:$0x2] =	sbarrier.arrive $0xFFFF  }
0xfb: {  	p0 =	sne.s32 s0, $0x0;
	s0 =	rddreg [dreg:$0x3]  }
0xfc: {  	s0 =	sadd.s32 @!p0 $0x100000, s0  }
0xfd: {  	[sflag:s0] =	ssyncadd.tile.s32 @!p0 $0x1;
	_ =	shalt  }
.Lfunc_end2:
_tile_overlayer_lowered:
.L_overlay_start_2:
0xfe: {  	(tag) =	ssettag $0x2  }
0xff: {  	s0 =	rddreg [dreg:$0x0];
	s2 =	stileid.u32  }
0x100: {  	s1 =	rddreg [dreg:$0x1];
	p0 =	sne.s32 s2, $0x0  }
0x101: {  	s3 =	rddreg [dreg:$0x2];
	[bflag:$0x3] =	sbarrier.arrive $0xFFFF;
	s2 =	simm.s32 @!p0 $0x1C07  }
0x102: {  	[timem:s3], [sflag:s2] =	dma.local @!p0 [hbm:s0], s1  }
0x103: {  	s0 =	simm.s32 @!p0 $0x7  }
0x104: {  	_ =	swait.ge @!p0 [sflag:s0], s1  }
0x105: {  	s1 =	ssub.s32 @!p0 $0x0, s1;
	[sflag:s0] =	ssyncset.done @!p0 $0x0  }
0x106: {  	[sflag:s0] =	ssyncadd.s32 @!p0 s1  }
0x107: {  	[bflag:$0x3] =	sbarrier.arrive $0xFFFF  }
0x108: {  	_ =	shalt  }

// kernel: kernel.14.cloned.1.call-start
scs
__scs_entry_jumppad:
0x0: {  	(pc) =	sbr.rel $0x88, $3  }
0x1: {  	(tag) =	ssettag $0x0;
	lr =	simm.s32 $0x1  }
0x2: {  	[smem:$0x3F9B] =	sst lr;
	_ =	strace $0xD0000000  }
0x3: {  	_ = 	snop  }
0x4: {  	_ = 	snop  }
0x5: {  	_ = 	snop  }
0x6: {  	_ = 	snop  }
0x7: {  	_ = 	snop  }
__scs_overlays_trampoline_lowered:
0x8: {  	[smem:$0x3FAA] =	sst s0  }
0x9: {  	[smem:$0x3FAB] =	sst s1  }
0xa: {  	[smem:$0x3FAC] =	sst s2  }
0xb: {  	[smem:$0x3FAD] =	sst s3  }
0xc: {  	[smem:$0x3FAE] =	sst s4  }
0xd: {  	[smem:$0x3FAF] =	sst s5  }
0xe: {  	[smem:$0x3FB0] =	sst s6  }
0xf: {  	[smem:$0x3FB1] =	sst s7  }
0x10: {  	[smem:$0x3FB2] =	sst s8  }
0x11: {  	[smem:$0x3FB3] =	sst s9;
	s0 =	simm.s32 @!p0 $0x0  }
0x12: {  	s1 =	sld [smem:$0x3F99];
	s0 =	simm.s32 @p0 $0x1  }
0x13: {  	[smem:$0x3FB4] =	sst s0;
	s0 =	simm.s32 @!p1 $0x0  }
0x14: {  	s2 =	sld [smem:$0x3F98];
	s0 =	simm.s32 @p1 $0x1  }
0x15: {  	[smem:$0x3FB5] =	sst s0;
	s0 =	simm.s32 @!p2 $0x0  }
0x16: {  	s3 =	sld [smem:$0x3FDB];
	s0 =	simm.s32 @p2 $0x1  }
0x17: {  	s4 =	simm.s32 $0x1BF5;
	[smem:$0x3FB7] =	sst s0  }
0x18: {  	s0 =	sld [smem:$0x3F9A];
	_ =	swait.ge [sflag:s4], $0x0  }
0x19: {  	s7 =	sld [smem:$0x3F9B]  }
0x1a: {  	s8 =	sadd.s32 $0xFFFFE003, lr  }
0x1b: {  	s9 =	sadd.s32 $0xFFFFFEF7, lr;
	s5 =	simm.s32 $0xFFFFFFFF;
	p2 =	slt.u32 s8, $0xFFFFF086  }
0x1c: {  	p1 =	slt.u32 s9, $0xF7A;
	s5 =	simm.s32 @!p2 $0x0  }
0x1d: {  	s5 =	simm.s32 @p1 $0x1;
	p0 =	seq.s32 s7, s2  }
0x1e: {  	s7 =	smul.u32 @!p0 $0xF7A, s2;
	p2 =	seq.s32 @!p0 s5, $0x0  }
0x1f: {  	s9 =	smul.u32 $0xF7A, s1;
	s8 =	simm.s32 @!p0 $0x1BF5;
	p2 =	por !p2, p0  }
0x20: {  	[sflag:s8] =	ssyncset.s32 @!p0 $0xFFFFF086;
	s6 =	sadd.s32 @!p0 s3, s7;
	s7 =	simm.s32 @!p0 $0x108  }
0x21: {  	s3 =	sadd.s32 s3, s9;
	s6 =	sadd.s32 @!p0 $0x88, s6;
	s7 =	simm.s32 @p2 $0x1082  }
0x22: {  	[simem:s7], [sflag:s8] =	dma.local @!p0 [hbm:s6], $0xF7A  }
0x23: {  	s9 =	sor.u32 $0xD0000000, s2;
	s6 =	simm.s32 $0x108;
	_ =	swait.ge @!p0 [sflag:s8], $0x0  }
0x24: {  	s3 =	sadd.s32 $0x88, s3;
	s6 =	simm.s32 @!p1 $0x1082;
	[sflag:s4] =	ssyncset.s32 $0xFFFFF086  }
0x25: {  	[simem:s6], [sflag:s4] =	dma.local [hbm:s3], $0xF7A  }
0x26: {  	[smem:$0x3F9B] =	sst s1;
	(tag) =	ssettag s2;
	_ =	strace s9  }
0x27: {  	s1 =	sld [smem:$0x3FAB]  }
0x28: {  	s2 =	sld [smem:$0x3FAC]  }
0x29: {  	s4 =	sld [smem:$0x3FAE]  }
0x2a: {  	p0 =	seq.s32 s5, $0x0;
	s5 =	sld [smem:$0x3FAF]  }
0x2b: {  	s6 =	sld [smem:$0x3FB0]  }
0x2c: {  	s7 =	sld [smem:$0x3FB1]  }
0x2d: {  	s3 =	simm.s32 $0x108;
	s8 =	sld [smem:$0x3FB2]  }
0x2e: {  	s3 =	simm.s32 @!p0 $0x1082;
	s9 =	sld [smem:$0x3FB3]  }
0x2f: {  	lr =	sadd.s32 s0, s3;
	s0 =	sld [smem:$0x3FAA]  }
0x30: {  	s3 =	sld [smem:$0x3FAD]  }
0x31: {  	[smem:$0x3FB6] =	sst s10  }
0x32: {  	s10 =	sld [smem:$0x3FB4];
	_ =	sdelay $0x3  }
0x33: {  	p0 =	seq.s32 s10, $0x1;
	s10 =	sld [smem:$0x3FB6];
	_ =	sdelay $0x3  }
0x34: {  	[smem:$0x3FB6] =	sst s10  }
0x35: {  	s10 =	sld [smem:$0x3FB5];
	_ =	sdelay $0x3  }
0x36: {  	p1 =	seq.s32 s10, $0x1;
	s10 =	sld [smem:$0x3FB6];
	_ =	sdelay $0x3  }
0x37: {  	[smem:$0x3FB6] =	sst s10  }
0x38: {  	s10 =	sld [smem:$0x3FB7]  }
0x39: {  	_ = 	snop;
	(pc) =	sbr.ind lr, $3  }
0x3a: {  	_ = 	snop  }
0x3b: {  	_ = 	snop  }
0x3c: {  	p2 =	seq.s32 s10, $0x1;
	s10 =	sld [smem:$0x3FB6]  }
0x3d: {  	_ =	shalt  }
0x3e: {  	_ =	shalt  }
0x3f: {  	_ =	shalt  }
0x40: {  	_ =	shalt  }
0x41: {  	_ =	shalt  }
0x42: {  	_ =	shalt  }
0x43: {  	_ =	shalt  }
0x44: {  	_ =	shalt  }
0x45: {  	_ =	shalt  }
0x46: {  	_ =	shalt  }
0x47: {  	_ =	shalt  }
0x48: {  	_ =	shalt  }
0x49: {  	_ =	shalt  }
0x4a: {  	_ =	shalt  }
0x4b: {  	_ =	shalt  }
0x4c: {  	_ =	shalt  }
0x4d: {  	_ =	shalt  }
0x4e: {  	_ =	shalt  }
0x4f: {  	_ =	shalt  }
0x50: {  	_ =	shalt  }
0x51: {  	_ =	shalt  }
0x52: {  	_ =	shalt  }
0x53: {  	_ =	shalt  }
0x54: {  	_ =	shalt  }
0x55: {  	_ =	shalt  }
0x56: {  	_ =	shalt  }
0x57: {  	_ =	shalt  }
0x58: {  	_ =	shalt  }
0x59: {  	_ =	shalt  }
0x5a: {  	_ =	shalt  }
0x5b: {  	_ =	shalt  }
0x5c: {  	_ =	shalt  }
0x5d: {  	_ =	shalt  }
0x5e: {  	_ =	shalt  }
0x5f: {  	_ =	shalt  }
0x60: {  	_ =	shalt  }
0x61: {  	_ =	shalt  }
0x62: {  	_ =	shalt  }
0x63: {  	_ =	shalt  }
0x64: {  	_ =	shalt  }
0x65: {  	_ =	shalt  }
0x66: {  	_ =	shalt  }
0x67: {  	_ =	shalt  }
0x68: {  	_ =	shalt  }
0x69: {  	_ =	shalt  }
0x6a: {  	_ =	shalt  }
0x6b: {  	_ =	shalt  }
0x6c: {  	_ =	shalt  }
0x6d: {  	_ =	shalt  }
0x6e: {  	_ =	shalt  }
0x6f: {  	_ =	shalt  }
0x70: {  	_ =	shalt  }
0x71: {  	_ =	shalt  }
0x72: {  	_ =	shalt  }
0x73: {  	_ =	shalt  }
0x74: {  	_ =	shalt  }
0x75: {  	_ =	shalt  }
0x76: {  	_ =	shalt  }
0x77: {  	_ =	shalt  }
0x78: {  	_ =	shalt  }
0x79: {  	_ =	shalt  }
0x7a: {  	_ =	shalt  }
0x7b: {  	_ =	shalt  }
0x7c: {  	_ =	shalt  }
0x7d: {  	_ =	shalt  }
0x7e: {  	_ =	shalt  }
0x7f: {  	_ =	shalt  }
0x80: {  	_ =	shalt  }
0x81: {  	_ =	shalt  }
0x82: {  	_ =	shalt  }
0x83: {  	_ =	shalt  }
0x84: {  	_ =	shalt  }
0x85: {  	_ =	shalt  }
0x86: {  	_ =	shalt  }
0x87: {  	_ =	shalt  }
.Lfunc_end0:
.L_simem_size_0:
called_computation.2_lowered:
.L_overlay_start_0:
0x88: {  	s2 =	sld [smem:$0x3FD9]  }
0x89: {  	s3 =	sld [smem:$0x3FFE];
	_ =	sdelay $0x1  }
0x8a: {  	s1 =	srdreg.scid  }
0x8b: {  	s0 =	sand.u32 $0x1, s1  }
0x8c: {  	s17 =	sshll.u32 s0, $0xA;
	s2 =	sadd.s32 s3, s2  }
0x8d: {  	s2 =	sadd.s32 s2, s17  }
0x8e: {  	[smem:$0x3FC2] =	sst s2  }
0x8f: {  	_ = 	snop  }
0x90: {  	s2 =	sld [smem:$0x3FD0];
	(tm) =	ssettm $0x1  }
0x91: {  	s18 =	sld [smem:$0x3FFB];
	_ =	sdelay $0x3  }
0x92: {  	_ =	strace s18  }
0x93: {  	s3 =	sld [smem:$0x3FFC];
	_ =	sdelay $0x3  }
0x94: {  	_ =	strace s3  }
0x95: {  	s3 =	sld [smem:$0x3FFD];
	_ =	sdelay $0x3  }
0x96: {  	_ =	strace s3  }
0x97: {  	_ =	strace $0x8FFFFFFF  }
0x98: {  	s19 =	sld [smem:$0x3FDB];
	_ =	sdelay $0x1  }
0x99: {  	s4 =	simm.s32 $_scs_section_size  }
0x9a: {  	s5 =	simm.s32 $_size__tile_overlayer_lowered;
	s6 =	simm.s32 $_tile_overlayer_lowered  }
0x9b: {  	s22 =	simm.s32 $0x1BFF;
	s21 =	sshll.u32 s6, $0x1;
	s3 =	sadd.s32 s4, s19  }
0x9c: {  	s7 =	simm.s32 $0x0;
	s20 =	sshll.u32 s5, $0x1;
	s5 =	sadd.s32 s21, s3  }
0x9d: {  	[timem:s7], [sflag:s22] =	dma.local [hbm:s5], s20  }
0x9e: {  	_ =	swait.ge [sflag:s22], s20  }
0x9f: {  	s4 =	ssub.s32 $0x0, s20;
	[sflag:s22] =	ssyncset.done $0x0  }
0xa0: {  	[sflag:s22] =	ssyncadd.s32 s4;
	_ =	sdelay $0x1  }
0xa1: {  	s23 =	simm.s32 $0x1B8B  }
0xa2: {  	_ =	swait.ge [sflag:s23], $0x1  }
0xa3: {  	[sflag:s23] =	ssyncset.done $0x0  }
0xa4: {  	s25 =	simm.s32 $0x1B8E;
	s24 =	sld [smem:$0x3FFE];
	[sflag:s23] =	ssyncadd.s32 $0xFFFFFFFF  }
0xa5: {  	s26 =	simm.s32 $execute0_lowered;
	[smem:$0x3FD2] =	sst s25  }
0xa6: {  	s5 =	sshll.u32 s26, $0x1;
	_ =	strace $0x8000004C;
	[dreg:$0x1] =	wrdreg $0xFFFFFFFF  }
0xa7: {  	s28 =	simm.s32 $_size_execute0_lowered;
	s3 =	sadd.s32 s3, s5;
	[dreg:$0x0] =	wrdreg $0x0  }
0xa8: {  	s5 =	sshll.u32 s28, $0x1;
	[dreg:$0x2] =	wrdreg s3  }
0xa9: {  	[dreg:$0x3] =	wrdreg s5  }
0xaa: {  	[dreg:$0x4] =	wrdreg $0xC0  }
0xab: {  	_ =	task [dreg:s7], $0x5FFFF  }
0xac: {  	[dreg:$0x1] =	wrdreg $0xFFFFFFFF  }
0xad: {  	[dreg:$0x0] =	wrdreg $0x60  }
0xae: {  	[dreg:$0x2] =	wrdreg s24  }
0xaf: {  	[dreg:$0x3] =	wrdreg s2  }
0xb0: {  	[dreg:$0x4] =	wrdreg $0x7E000  }
0xb1: {  	[dreg:$0x5] =	wrdreg $0x9  }
0xb2: {  	_ =	task.clear_ibuf [dreg:s7], $0x6FFFF;
	_ =	strace $0x9000004C  }
0xb3: {  	s29 =	simm.s32 $0x9;
	_ =	strace $0x8000004E  }
0xb4: {  	_ =	swait.ge [sflag:s29], $0x1  }
0xb5: {  	[sflag:s29] =	ssyncadd.s32 $0xFFFFFFFF  }
0xb6: {  	_ =	strace $0x9000004E  }
0xb7: {  	_ =	sfence  }
0xb8: {  	s30 =	sld [smem:$0x0];
	_ =	sdelay $0x2  }
0xb9: {  	s31 =	sshll.u32 s1, $0xD;
	s1 =	sshrl.u32 s1, $0x2  }
0xba: {  	s3 =	sand.u32 $0x4000, s31;
	s1 =	sadd.s32 s1, s30  }
0xbb: {  	s0 =	sor.u32 s3, s0;
	s1 =	sshll.u32 s1, $0x11  }
0xbc: {  	s0 =	sor.u32 s1, s0  }
0xbd: {  	s0 =	sadd.s32 $0x8F2B, s0  }
0xbe: {  	[sflag:s0] =	ssyncadd.remote.s32 $0x1  }
0xbf: {  	_ =	sfence.sel $0xFFFF  }
0xc0: {  	[dreg:$0x0] =	wrdreg $0xFFFFFFFF;
	(pc) =	sbr.abs _section_cstart, $3  }
0xc1: {  	[dreg:$0x1] =	wrdreg $0xFFFFFFFF  }
0xc2: {  	_ =	task.clear_ibuf [dreg:s7], $0x2FFFF;
	_ =	strace $0x9FFFFFFF  }
0xc3: {  	(tm) =	ssettm $0x7FFFFFFF  }
tec
execute0_lowered:
.L_overlay_start_1:
0x0: {  	(tag) =	ssettag $0x1  }
0x1: {  	s0 =	rddreg [dreg:$0x0]  }
0x2: {  	s1 =	rddreg [dreg:$0x1];
	s3 =	srdreg.scid  }
0x3: {  	s11 =	stileid.u32;
	s2 =	rddreg [dreg:$0x2];
	s16 =	simm.s32 $0x0  }
0x4: {  	s29 =	simm.s32 $0x6;
	s31 =	simm.s32 $0x1;
	s6 =	smul.u32 $0x14000, s11  }
0x5: {  	s5 =	sand.u32 $0x1, s3;
	[smem:$0x7FF] =	sst s16;
	s8 =	smul.u32 $0x50000, s11  }
0x6: {  	s4 =	sadd.s32 $0x3600, s0;
	s9 =	sshll.u32 s11, $0x1;
	s19 =	smul.u32 $0xFA00, s11  }
0x7: {  	s20 =	sshll.u32 s11, $0x6;
	s3 =	simm.s32 $0x400;
	s11 =	simm.s32 $0x5600  }
0x8: {  	s7 =	smul.u32 $0x140000, s5;
	_ =	strace $0x8000004D;
	s17 =	ssub.s32 $0x2, s5  }
0x9: {  	s9 =	sor.u32 s5, s9;
	s5 =	smul.u32 $0x7D00, s5;
	s10 =	sshrl.u32 s17, $0x1  }
0xa: {  	s8 =	sshrl.u32 s8, $0x2;
	s9 =	smul.u32 $0x7D00, s9;
	s7 =	sadd.s32 s6, s7  }
0xb: {  	s8 =	sadd.s32 s8, s2;
	s6 =	sshrl.u32 s6, $0x3;
	s5 =	sadd.s32 s5, s19  }
0xc: {  	s7 =	sshrl.u32 s7, $0x3;
	s6 =	sadd.s32 s4, s6;
	s18 =	sshrl.u32 s9, $0x3  }
0xd: {  	s0 =	sadd.s32 s7, s0;
	[dreg:$0x4] =	wrdreg s6;
	s6 =	sadd.s32 s1, s18  }
0xe: {  	s7 =	ssub.s32 s17, s10;
	s10 =	sor.u32 $0x1C07, s20;
	[dreg:$0x5] =	wrdreg s6  }
0xf: {  	s2 =	simm.s32 $0x0;
	s21 =	sadd.s32 $0x20, s6;
	[dreg:$0x6] =	wrdreg s10  }
0x10: {  	s25 =	sadd.s32 $0x700, s5;
	s22 =	sadd.s32 $0x40, s6;
	[dreg:$0x7] =	wrdreg s21  }
0x11: {  	s26 =	sadd.s32 $0x600, s5;
	s23 =	sadd.s32 $0x60, s6;
	[dreg:$0x8] =	wrdreg s22  }
0x12: {  	s5 =	sadd.s32 $0x500, s5;
	s6 =	sadd.s32 $0x80, s6;
	[dreg:$0x9] =	wrdreg s23  }
0x13: {  	s28 =	sshrl.u32 s26, $0x3;
	s0 =	sadd.s32 $0x53600, s0;
	[dreg:$0xa] =	wrdreg s6  }
0x14: {  	s5 =	sshrl.u32 s5, $0x3;
	s24 =	smax.u32 s7, $0x1;
	[dreg:$0xb] =	wrdreg s0  }
0x15: {  	s18 =	simm.s32 $0x7;
	s30 =	sadd.s32 s5, s1;
	[dreg:$0xc] =	wrdreg s24  }
0x16: {  	s0 =	sshrl.u32 s25, $0x3;
	[dreg:$0xf] =	wrdreg s30;
	s6 =	sshrl.u32 s8, $0x3  }
0x17: {  	s7 =	simm.s32 $0x300;
	s0 =	sadd.s32 s0, s1;
	[dreg:$0x10] =	wrdreg s6  }
0x18: {  	s22 =	simm.s32 $0x50;
	[dreg:$0xd] =	wrdreg s0;
	s0 =	sadd.s32 s28, s1  }
0x19: {  	s1 =	simm.s32 $0x2;
	[dreg:$0xe] =	wrdreg s0;
	s0 =	simm.s32 $0x3  }
.LBB2_1:
0x1a: {  	[dreg:$0x11] =	wrdreg s2  }
0x1b: {  	s5 =	rddreg [dreg:$0x4]  }
0x1c: {  	[spmem:s6], [sflag:s10] =	dma.local [hbm:s5], $0x2800  }
0x1d: {  	_ =	swait.ge [sflag:s18], $0x2800  }
0x1e: {  	[sflag:s18] =	ssyncset.done $0x0  }
0x1f: {  	[sflag:s18] =	ssyncadd.s32 $0xFFFFD800  }
0x20: {  	s21 =	simm.s32 $0x0;
	s20 =	simm.s32 $0x4;
	[bflag:$0x0] =	sbarrier.arrive $0xFFFF  }
0x21: {  	s19 =	simm.s32 $0x600;
	s14 =	simm.s32 $0x5;
	s8 =	rddreg [dreg:$0x5]  }
0x22: {  	[tilespmem:s21], [sflag:$0x4] =	stream.linear.gather [hbm4b:s8+s21], $0x100, $0x38;
	[tilespmem:$0x1BE00] =	vst v63  }
0x23: {  	s2 =	simm.s32 $0x2E00;
	s24 =	simm.s32 $0x1;
	s8 =	simm.s32 $0x3  }
0x24: {  	s10 =	simm.s32 $0x100;
	s9 =	rddreg [dreg:$0x7];
	s16 =	sand.u32 $0xFF, s8  }
0x25: {  	[tilespmem:s10], [sflag:$0x5] =	stream.linear.gather [hbm4b:s9+s21], $0x100, $0x38;
	[tilespmem:$0x1BE00] =	vst v63  }
0x26: {  	s12 =	rddreg [dreg:$0x8];
	s9 =	simm.s32 $0x200;
	s6 =	smul.u32 $0xAB, s16  }
0x27: {  	[tilespmem:s9], [sflag:$0x6] =	stream.linear.gather [hbm4b:s12+s21], $0x100, $0x38;
	[tilespmem:$0x1BE00] =	vst v63  }
0x28: {  	s25 =	simm.s32 $0x5;
	s17 =	smul.u32 $0xAB, s21;
	_ =	swait.ge [sflag:s20], $0x100  }
0x29: {  	s16 =	simm.s32 $0x4;
	s6 =	sshrl.u32 s6, $0xA;
	[sflag:s20] =	ssyncset.done $0x0  }
0x2a: {  	s12 =	simm.s32 $0x6;
	s6 =	smul.u32 $0x6, s6;
	[sflag:s20] =	ssyncadd.s32 $0xFFFFFF00  }
0x2b: {  	[tilespmem:s19], [sflag:$0x1] =	stream.indirect.gather [hbm4b:s4+s22], $0x80, s21, s22, $0xb8;
	[tilespmem:$0x1BE00] =	vst v63  }
0x2c: {  	s23 =	sand.u32 $0xFF, s12;
	s13 =	rddreg [dreg:$0x9];
	s6 =	ssub.s32 $0x3, s6  }
0x2d: {  	[tilespmem:s7], [sflag:$0x4] =	stream.linear.gather [hbm4b:s13+s21], $0x100, $0x38;
	[tilespmem:$0x1BE00] =	vst v63  }
0x2e: {  	s6 =	sand.u32 $0xFF, s6;
	s7 =	sshrl.u32 s17, $0xA;
	_ =	swait.ge [sflag:s14], $0x100  }
0x2f: {  	s6 =	sshll.u32 s6, $0x8;
	s7 =	sand.u32 $0x3F, s7;
	[sflag:s14] =	ssyncset.done $0x0  }
0x30: {  	s17 =	simm.s32 $0x6;
	s7 =	smul.u32 $0x6, s7;
	[sflag:s14] =	ssyncadd.s32 $0xFFFFFF00  }
0x31: {  	[tilespmem:s2], [sflag:$0x2] =	stream.indirect.gather [hbm4b:s4+s22], $0x80, s10, s22, $0xb8;
	[tilespmem:$0x1BE00] =	vst v63  }
0x32: {  	s15 =	rddreg [dreg:$0xa];
	s14 =	sand.u32 $0xFF, s17;
	s17 =	smul.u32 $0xAB, s8  }
0x33: {  	[tilespmem:s3], [sflag:$0x5] =	stream.linear.gather [hbm4b:s15+s21], $0x100, $0x38;
	[tilespmem:$0x1BE00] =	vst v63  }
0x34: {  	s10 =	sand.u32 $0xFF, s24;
	s7 =	ssub.s32 $0x0, s7;
	_ =	swait.ge [sflag:s29], $0x100  }
0x35: {  	s14 =	smul.u32 $0xAB, s14;
	s7 =	sand.u32 $0xFF, s7;
	[sflag:s29] =	ssyncset.done $0x0  }
0x36: {  	s10 =	smul.u32 $0xAB, s10;
	s7 =	sshll.u32 s7, $0x8;
	[sflag:s29] =	ssyncadd.s32 $0xFFFFFF00  }
0x37: {  	[tilespmem:s11], [sflag:$0x3] =	stream.indirect.gather [hbm4b:s4+s22], $0x80, s9, s22, $0xb8;
	[tilespmem:$0x1BE00] =	vst v63  }
0x38: {  	s10 =	sshrl.u32 s10, $0xA;
	s9 =	smul.u32 $0xAB, s23;
	s11 =	sand.u32 $0xFF, s25  }
0x39: {  	s7 =	sor.u32 $0x80, s7;
	s11 =	smul.u32 $0xAB, s11;
	_ =	swait.ge [sflag:s31], $0x2800  }
0x3a: {  	s10 =	smul.u32 $0x6, s10;
	s9 =	sshrl.u32 s9, $0xA;
	[sflag:s31] =	ssyncset.done $0x0  }
0x3b: {  	s9 =	smul.u32 $0x6, s9;
	s11 =	sshrl.u32 s11, $0xA;
	[sflag:s31] =	ssyncadd.s32 $0xFFFFD800  }
0x3c: {  	s26 =	ssub.s32 $0x1, s10;
	s11 =	smul.u32 $0x6, s11;
	s30 =	rddreg [dreg:$0x2]  }
0x3d: {  	[spmem:s30] =	stream.indirect.scatter.add.f32 [tilespmem:s19], [sflag:$0x7], $0x80, s7, s22, $0xb8;
	[tilespmem:$0x1BE00] =	vst v63  }
0x3e: {  	s13 =	ssub.s32 $0x6, s9;
	s9 =	sand.u32 $0xFF, s26;
	_ =	swait.ge [sflag:s18], $0x2800  }
0x3f: {  	s26 =	sshrl.u32 s14, $0xA;
	s5 =	sshll.u32 s9, $0x8;
	[sflag:s18] =	ssyncset.done $0x0  }
0x40: {  	s9 =	sand.u32 $0xFF, s16;
	s16 =	rddreg [dreg:$0xf];
	[sflag:s18] =	ssyncadd.s32 $0xFFFFD800  }
0x41: {  	s28 =	ssub.s32 $0x5, s11;
	s23 =	rddreg [dreg:$0xe];
	_ =	swait.ge [sflag:s20], $0x100  }
0x42: {  	s10 =	sand.u32 $0xFF, s28;
	s15 =	smul.u32 $0xAB, s9;
	[sflag:s20] =	ssyncset.done $0x0  }
0x43: {  	s24 =	sor.u32 $0x80, s5;
	s11 =	sadd.s32 $0x60, s16;
	[sflag:s20] =	ssyncadd.s32 $0xFFFFFF00  }
0x44: {  	[tilespmem:s19], [sflag:$0x1] =	stream.indirect.gather [hbm4b:s4+s22], $0x80, s6, s22, $0xb8;
	[tilespmem:$0x1BE00] =	vst v63  }
0x45: {  	s9 =	sadd.s32 $0x60, s23;
	s15 =	sshrl.u32 s15, $0xA;
	s20 =	sshll.u32 s10, $0x8  }
0x46: {  	[tilespmem:s20], [sflag:$0x6] =	stream.linear.gather [hbm4b:s16+s21], $0x100, $0x38;
	[tilespmem:$0x1BE00] =	vst v63  }
0x47: {  	s25 =	smul.u32 $0x6, s15;
	s15 =	smov.u32 s23;
	_ =	swait.ge [sflag:s1], $0x2800  }
0x48: {  	s10 =	smul.u32 $0x6, s26;
	s19 =	simm.s32 $0x2;
	[sflag:s1] =	ssyncset.done $0x0  }
0x49: {  	s7 =	ssub.s32 $0x4, s25;
	s28 =	sand.u32 $0xFF, s19;
	[sflag:s1] =	ssyncadd.s32 $0xFFFFD800  }
0x4a: {  	[spmem:s30] =	stream.indirect.scatter.add.f32 [tilespmem:s2], [sflag:$0x7], $0x80, s24, s22, $0xb8;
	[tilespmem:$0x1BE00] =	vst v63  }
0x4b: {  	s6 =	sshrl.u32 s17, $0xA;
	s14 =	smul.u32 $0xAB, s28;
	s30 =	ssub.s32 $0x6, s10  }
0x4c: {  	s7 =	sand.u32 $0xFF, s7;
	_ =	swait.ge [sflag:s18], $0x2800;
	s10 =	sand.u32 $0xFF, s30  }
0x4d: {  	s16 =	sshrl.u32 s14, $0xA;
	s17 =	sshll.u32 s10, $0x8;
	s10 =	rddreg [dreg:$0xd]  }
0x4e: {  	s24 =	simm.s32 $0x0;
	[sflag:s18] =	ssyncset.done $0x0;
	s14 =	smov.u32 s10  }
.LBB2_2:
0x4f: {  	[sflag:s18] =	ssyncadd.s32 $0xFFFFD800  }
0x50: {  	s5 =	sshll.u32 s7, $0x8;
	s23 =	smul.u32 $0x6, s16;
	s16 =	smov.u32 s12  }
0x51: {  	s7 =	smov.u32 s13;
	s28 =	smov.u32 s11;
	p0 =	sne.s32 s12, $0x75  }
0x52: {  	s12 =	sadd.s32 $0x3, s12;
	s2 =	simm.s32 $0x5;
	s6 =	sand.u32 $0x3F, s6  }
0x53: {  	s26 =	sadd.s32 $0x5, s8;
	s14 =	sadd.s32 $0x60, s14;
	s11 =	sadd.s32 $0x60, s11  }
0x54: {  	_ =	swait.ge [sflag:s2], $0x100;
	s21 =	sand.u32 $0xFF, s12;
	s6 =	smul.u32 $0x6, s6  }
0x55: {  	s25 =	sand.u32 $0xFF, s26;
	s7 =	sand.u32 $0xFF, s7;
	s19 =	ssub.s32 s19, s23  }
0x56: {  	[sflag:s2] =	ssyncset.done $0x0;
	s7 =	sshll.u32 s7, $0x8;
	s13 =	sand.u32 $0xFF, s19  }
0x57: {  	s19 =	smul.u32 $0xAB, s21;
	[sflag:s2] =	ssyncadd.s32 $0xFFFFFF00;
	s2 =	simm.s32 $0x2E00  }
0x58: {  	s6 =	ssub.s32 s8, s6;
	s21 =	simm.s32 $0x0;
	s13 =	sshll.u32 s13, $0x8  }
0x59: {  	[tilespmem:s2], [sflag:$0x2] =	stream.indirect.gather [hbm4b:s4+s22], $0x80, s5, s22, $0xb8;
	[tilespmem:$0x1BE00] =	vst v63  }
0x5a: {  	s6 =	sand.u32 $0xFF, s6;
	s23 =	sshrl.u32 s19, $0xA;
	s19 =	sadd.s32 $0x7, s24  }
0x5b: {  	s6 =	sshll.u32 s6, $0x8;
	s30 =	sor.u32 $0x80, s13;
	s5 =	smul.u32 $0x6, s23  }
0x5c: {  	[tilespmem:s17], [sflag:$0x4] =	stream.linear.gather [hbm4b:s15+s21], $0x100, $0x38;
	[tilespmem:$0x1BE00] =	vst v63  }
0x5d: {  	s23 =	sadd.s32 $0x1, s8;
	s24 =	sand.u32 $0xFF, s19;
	_ =	swait.ge [sflag:s0], $0x2800  }
0x5e: {  	s15 =	smul.u32 $0xAB, s25;
	s25 =	simm.s32 $0x5600;
	[sflag:s0] =	ssyncset.done $0x0  }
0x5f: {  	s24 =	smul.u32 $0xAB, s24;
	s3 =	sand.u32 $0xFF, s23;
	[sflag:s0] =	ssyncadd.s32 $0xFFFFD800  }
0x60: {  	s6 =	sor.u32 $0x80, s6;
	s17 =	smul.u32 $0xAB, s3;
	s3 =	rddreg [dreg:$0x2]  }
0x61: {  	[spmem:s3] =	stream.indirect.scatter.add.f32 [tilespmem:s25], [sflag:$0x7], $0x80, s30, s22, $0xb8;
	[tilespmem:$0x1BE00] =	vst v63  }
0x62: {  	s13 =	ssub.s32 s12, s5;
	s5 =	sshrl.u32 s15, $0xA;
	_ =	swait.ge [sflag:s18], $0x2800  }
0x63: {  	s24 =	sshrl.u32 s24, $0xA;
	s5 =	smul.u32 $0x6, s5;
	[sflag:s18] =	ssyncset.done $0x0  }
0x64: {  	s17 =	sshrl.u32 s17, $0xA;
	s24 =	smul.u32 $0x6, s24;
	[sflag:s18] =	ssyncadd.s32 $0xFFFFD800  }
0x65: {  	s15 =	smul.u32 $0x6, s17;
	s5 =	ssub.s32 s26, s5;
	_ =	swait.ge [sflag:s29], $0x100  }
0x66: {  	s17 =	ssub.s32 s19, s24;
	s24 =	smov.u32 s8;
	[sflag:s29] =	ssyncset.done $0x0  }
0x67: {  	s8 =	smov.u32 s16;
	s17 =	sand.u32 $0xFF, s17;
	[sflag:s29] =	ssyncadd.s32 $0xFFFFFF00  }
0x68: {  	[tilespmem:s25], [sflag:$0x3] =	stream.indirect.gather [hbm4b:s4+s22], $0x80, s20, s22, $0xb8;
	[tilespmem:$0x1BE00] =	vst v63  }
0x69: {  	s5 =	sand.u32 $0xFF, s5;
	s15 =	ssub.s32 s23, s15;
	s17 =	sshll.u32 s17, $0x8  }
0x6a: {  	[tilespmem:s17], [sflag:$0x5] =	stream.linear.gather [hbm4b:s10+s21], $0x100, $0x38;
	[tilespmem:$0x1BE00] =	vst v63  }
0x6b: {  	s23 =	sadd.s32 $0x6, s24;
	s30 =	sand.u32 $0xFF, s15;
	_ =	swait.ge [sflag:s31], $0x2800  }
0x6c: {  	s15 =	smov.u32 s9;
	s20 =	sshll.u32 s30, $0x8;
	[sflag:s31] =	ssyncset.done $0x0  }
0x6d: {  	s30 =	simm.s32 $0x600;
	s17 =	sadd.s32 $0x4, s24;
	[sflag:s31] =	ssyncadd.s32 $0xFFFFD800  }
0x6e: {  	[spmem:s3] =	stream.indirect.scatter.add.f32 [tilespmem:s30], [sflag:$0x7], $0x80, s6, s22, $0xb8;
	[tilespmem:$0x1BE00] =	vst v63  }
0x6f: {  	s19 =	sand.u32 $0xFF, s23;
	s26 =	sand.u32 $0xFF, s17;
	_ =	swait.ge [sflag:s18], $0x2800  }
0x70: {  	s9 =	sadd.s32 $0x60, s9;
	s6 =	smul.u32 $0xAB, s26;
	[sflag:s18] =	ssyncset.done $0x0  }
0x71: {  	s25 =	simm.s32 $0x4;
	s16 =	sor.u32 $0x80, s20;
	[sflag:s18] =	ssyncadd.s32 $0xFFFFD800  }
0x72: {  	s26 =	smul.u32 $0xAB, s8;
	s6 =	sshrl.u32 s6, $0xA;
	_ =	swait.ge [sflag:s25], $0x100  }
0x73: {  	s20 =	sshll.u32 s5, $0x8;
	s5 =	smul.u32 $0x6, s6;
	[sflag:s25] =	ssyncset.done $0x0  }
0x74: {  	s10 =	smov.u32 s14;
	[sflag:s25] =	ssyncadd.s32 $0xFFFFFF00;
	s25 =	smul.u32 $0xAB, s19  }
0x75: {  	[tilespmem:s30], [sflag:$0x1] =	stream.indirect.gather [hbm4b:s4+s22], $0x80, s7, s22, $0xb8;
	[tilespmem:$0x1BE00] =	vst v63  }
0x76: {  	s5 =	ssub.s32 s17, s5;
	s19 =	sadd.s32 $0x2, s24;
	s6 =	sshrl.u32 s25, $0xA  }
0x77: {  	[tilespmem:s20], [sflag:$0x6] =	stream.linear.gather [hbm4b:s28+s21], $0x100, $0x38;
	[tilespmem:$0x1BE00] =	vst v63  }
0x78: {  	s7 =	sand.u32 $0xFF, s5;
	s6 =	smul.u32 $0x6, s6;
	_ =	swait.ge [sflag:s1], $0x2800  }
.Ltmp0:
0x79: {  	s28 =	sand.u32 $0xFF, s19;
	[sflag:s1] =	ssyncset.done $0x0;
	(pc) =	sbr.rel @p0 .LBB2_2-.Ltmp0, $4  }
0x7a: {  	s5 =	smul.u32 $0xAB, s28;
	s6 =	ssub.s32 s23, s6;
	[sflag:s1] =	ssyncadd.s32 $0xFFFFD800  }
0x7b: {  	[spmem:s3] =	stream.indirect.scatter.add.f32 [tilespmem:s2], [sflag:$0x7], $0x80, s16, s22, $0xb8;
	[tilespmem:$0x1BE00] =	vst v63  }
0x7c: {  	s30 =	sand.u32 $0xFF, s6;
	s6 =	sshrl.u32 s26, $0xA;
	_ =	swait.ge [sflag:s18], $0x2800  }
0x7d: {  	s16 =	sshrl.u32 s5, $0xA;
	s17 =	sshll.u32 s30, $0x8;
	[sflag:s18] =	ssyncset.done $0x0  }
0x7e: {  	[sflag:s18] =	ssyncadd.s32 $0xFFFFD800;
	s21 =	simm.s32 $0x5  }
0x7f: {  	_ =	swait.ge [sflag:s21], $0x100  }
0x80: {  	[sflag:s21] =	ssyncset.done $0x0  }
0x81: {  	s5 =	sshll.u32 s7, $0x8;
	s23 =	simm.s32 $0x2E00;
	[sflag:s21] =	ssyncadd.s32 $0xFFFFFF00  }
0x82: {  	[tilespmem:s23], [sflag:$0x2] =	stream.indirect.gather [hbm4b:s4+s22], $0x80, s5, s22, $0xb8;
	[tilespmem:$0x1BE00] =	vst v63  }
0x83: {  	s16 =	smul.u32 $0x6, s16;
	s3 =	simm.s32 $0x0  }
0x84: {  	[tilespmem:s17], [sflag:$0x4] =	stream.linear.gather [hbm4b:s15+s3], $0x100, $0x38;
	[tilespmem:$0x1BE00] =	vst v63  }
0x85: {  	s5 =	ssub.s32 s19, s16;
	_ =	swait.ge [sflag:s0], $0x2800  }
0x86: {  	s19 =	sadd.s32 $0x7, s24;
	s5 =	sand.u32 $0xFF, s5;
	[sflag:s0] =	ssyncset.done $0x0  }
0x87: {  	s16 =	simm.s32 $0x5600;
	s5 =	sshll.u32 s5, $0x8;
	[sflag:s0] =	ssyncadd.s32 $0xFFFFD800  }
0x88: {  	s24 =	sand.u32 $0xFF, s19;
	s5 =	sor.u32 $0x80, s5;
	s2 =	rddreg [dreg:$0x2]  }
0x89: {  	[spmem:s2] =	stream.indirect.scatter.add.f32 [tilespmem:s16], [sflag:$0x7], $0x80, s5, s22, $0xb8;
	[tilespmem:$0x1BE00] =	vst v63  }
0x8a: {  	s5 =	smul.u32 $0xAB, s24  }
0x8b: {  	_ =	swait.ge [sflag:s18], $0x2800  }
0x8c: {  	s5 =	sshrl.u32 s5, $0xA;
	[sflag:s18] =	ssyncset.done $0x0  }
0x8d: {  	s5 =	smul.u32 $0x6, s5;
	[sflag:s18] =	ssyncadd.s32 $0xFFFFD800  }
0x8e: {  	_ =	swait.ge [sflag:s29], $0x100  }
0x8f: {  	s6 =	sand.u32 $0x3F, s6;
	s5 =	ssub.s32 s19, s5;
	[sflag:s29] =	ssyncset.done $0x0  }
0x90: {  	s6 =	smul.u32 $0x6, s6;
	s5 =	sand.u32 $0xFF, s5;
	[sflag:s29] =	ssyncadd.s32 $0xFFFFFF00  }
0x91: {  	[tilespmem:s16], [sflag:$0x3] =	stream.indirect.gather [hbm4b:s4+s22], $0x80, s20, s22, $0xb8;
	[tilespmem:$0x1BE00] =	vst v63  }
0x92: {  	s6 =	ssub.s32 s8, s6;
	s5 =	sshll.u32 s5, $0x8  }
0x93: {  	[tilespmem:s5], [sflag:$0x5] =	stream.linear.gather [hbm4b:s10+s3], $0x100, $0x38;
	[tilespmem:$0x1BE00] =	vst v63  }
0x94: {  	s28 =	sadd.s32 $0x5, s8;
	s6 =	sand.u32 $0xFF, s6;
	_ =	swait.ge [sflag:s31], $0x2800  }
0x95: {  	s12 =	simm.s32 $0x600;
	s25 =	sshll.u32 s6, $0x8;
	[sflag:s31] =	ssyncset.done $0x0  }
0x96: {  	s15 =	sand.u32 $0xFF, s28;
	s5 =	sor.u32 $0x80, s25;
	[sflag:s31] =	ssyncadd.s32 $0xFFFFD800  }
0x97: {  	[spmem:s2] =	stream.indirect.scatter.add.f32 [tilespmem:s12], [sflag:$0x7], $0x80, s5, s22, $0xb8;
	[tilespmem:$0x1BE00] =	vst v63  }
0x98: {  	s26 =	sadd.s32 $0x1, s8;
	s5 =	smul.u32 $0xAB, s15  }
0x99: {  	s30 =	sand.u32 $0xFF, s26;
	s17 =	sand.u32 $0xFF, s13;
	_ =	swait.ge [sflag:s18], $0x2800  }
0x9a: {  	s10 =	smul.u32 $0xAB, s30;
	s5 =	sshrl.u32 s5, $0xA;
	[sflag:s18] =	ssyncset.done $0x0  }
0x9b: {  	s15 =	simm.s32 $0x4;
	s5 =	smul.u32 $0x6, s5;
	[sflag:s18] =	ssyncadd.s32 $0xFFFFD800  }
0x9c: {  	s7 =	sshll.u32 s17, $0x8;
	s24 =	sadd.s32 $0x6, s8;
	_ =	swait.ge [sflag:s15], $0x100  }
0x9d: {  	s10 =	sshrl.u32 s10, $0xA;
	s5 =	ssub.s32 s28, s5;
	[sflag:s15] =	ssyncset.done $0x0  }
0x9e: {  	s10 =	smul.u32 $0x6, s10;
	s5 =	sand.u32 $0xFF, s5;
	[sflag:s15] =	ssyncadd.s32 $0xFFFFFF00  }
0x9f: {  	[tilespmem:s12], [sflag:$0x1] =	stream.indirect.gather [hbm4b:s4+s22], $0x80, s7, s22, $0xb8;
	[tilespmem:$0x1BE00] =	vst v63  }
0xa0: {  	s19 =	sadd.s32 $0x4, s8;
	s6 =	ssub.s32 s26, s10;
	s5 =	sshll.u32 s5, $0x8  }
0xa1: {  	[tilespmem:s5], [sflag:$0x6] =	stream.linear.gather [hbm4b:s11+s3], $0x100, $0x38;
	[tilespmem:$0x1BE00] =	vst v63  }
0xa2: {  	s20 =	sand.u32 $0xFF, s19;
	s6 =	sand.u32 $0xFF, s6;
	_ =	swait.ge [sflag:s1], $0x2800  }
0xa3: {  	s25 =	sand.u32 $0xFF, s24;
	s6 =	sshll.u32 s6, $0x8;
	[sflag:s1] =	ssyncset.done $0x0  }
0xa4: {  	s10 =	smul.u32 $0xAB, s20;
	s6 =	sor.u32 $0x80, s6;
	[sflag:s1] =	ssyncadd.s32 $0xFFFFD800  }
0xa5: {  	[spmem:s2] =	stream.indirect.scatter.add.f32 [tilespmem:s23], [sflag:$0x7], $0x80, s6, s22, $0xb8;
	[tilespmem:$0x1BE00] =	vst v63  }
0xa6: {  	s10 =	sshrl.u32 s10, $0xA;
	s6 =	smul.u32 $0xAB, s25  }
0xa7: {  	s26 =	sadd.s32 $0x2, s8;
	s10 =	smul.u32 $0x6, s10;
	_ =	swait.ge [sflag:s18], $0x2800  }
0xa8: {  	s28 =	sand.u32 $0xFF, s26;
	s6 =	sshrl.u32 s6, $0xA;
	[sflag:s18] =	ssyncset.done $0x0  }
0xa9: {  	s7 =	ssub.s32 s19, s10;
	s6 =	smul.u32 $0x6, s6;
	[sflag:s18] =	ssyncadd.s32 $0xFFFFD800  }
0xaa: {  	s7 =	sand.u32 $0xFF, s7;
	s11 =	smul.u32 $0xAB, s28;
	_ =	swait.ge [sflag:s21], $0x100  }
0xab: {  	s7 =	sshll.u32 s7, $0x8;
	s6 =	ssub.s32 s24, s6;
	[sflag:s21] =	ssyncset.done $0x0  }
0xac: {  	s30 =	sshrl.u32 s11, $0xA;
	[sflag:s21] =	ssyncadd.s32 $0xFFFFFF00;
	s6 =	sand.u32 $0xFF, s6  }
0xad: {  	[tilespmem:s23], [sflag:$0x2] =	stream.indirect.gather [hbm4b:s4+s22], $0x80, s7, s22, $0xb8;
	[tilespmem:$0x1BE00] =	vst v63  }
0xae: {  	s6 =	sshll.u32 s6, $0x8;
	s7 =	smul.u32 $0x6, s30  }
0xaf: {  	[tilespmem:s6], [sflag:$0x4] =	stream.linear.gather [hbm4b:s9+s3], $0x100, $0x38;
	[tilespmem:$0x1BE00] =	vst v63  }
0xb0: {  	s9 =	ssub.s32 s26, s7  }
0xb1: {  	s6 =	sand.u32 $0xFF, s9;
	_ =	swait.ge [sflag:s0], $0x2800  }
0xb2: {  	s10 =	sadd.s32 $0x7, s8;
	s6 =	sshll.u32 s6, $0x8;
	[sflag:s0] =	ssyncset.done $0x0  }
0xb3: {  	s11 =	sand.u32 $0xFF, s10;
	s6 =	sor.u32 $0x80, s6;
	[sflag:s0] =	ssyncadd.s32 $0xFFFFD800  }
0xb4: {  	[spmem:s2] =	stream.indirect.scatter.add.f32 [tilespmem:s16], [sflag:$0x7], $0x80, s6, s22, $0xb8;
	[tilespmem:$0x1BE00] =	vst v63  }
0xb5: {  	s6 =	smul.u32 $0xAB, s11  }
0xb6: {  	_ =	swait.ge [sflag:s18], $0x2800  }
0xb7: {  	[sflag:s18] =	ssyncset.done $0x0;
	s6 =	sshrl.u32 s6, $0xA  }
0xb8: {  	[sflag:s18] =	ssyncadd.s32 $0xFFFFD800;
	s6 =	smul.u32 $0x6, s6  }
0xb9: {  	_ =	swait.ge [sflag:s29], $0x100  }
0xba: {  	[sflag:s29] =	ssyncset.done $0x0;
	s6 =	ssub.s32 s10, s6  }
0xbb: {  	[sflag:s29] =	ssyncadd.s32 $0xFFFFFF00;
	s13 =	sand.u32 $0xFF, s6  }
0xbc: {  	[tilespmem:s16], [sflag:$0x3] =	stream.indirect.gather [hbm4b:s4+s22], $0x80, s5, s22, $0xb8;
	[tilespmem:$0x1BE00] =	vst v63  }
0xbd: {  	s17 =	sadd.s32 $0x60, s14;
	s5 =	sshll.u32 s13, $0x8  }
0xbe: {  	[tilespmem:s5], [sflag:$0x5] =	stream.linear.gather [hbm4b:s17+s3], $0x100, $0x38;
	[tilespmem:$0x1BE00] =	vst v63  }
0xbf: {  	_ =	swait.ge [sflag:s31], $0x2800  }
0xc0: {  	[sflag:s31] =	ssyncset.done $0x0  }
0xc1: {  	s19 =	simm.s32 $0x80;
	[sflag:s31] =	ssyncadd.s32 $0xFFFFD800  }
0xc2: {  	[spmem:s2] =	stream.indirect.scatter.add.f32 [tilespmem:s12], [sflag:$0x7], $0x80, s19, s22, $0xb8;
	[tilespmem:$0x1BE00] =	vst v63  }
0xc3: {  	_ =	swait.ge [sflag:s18], $0x2800  }
0xc4: {  	[sflag:s18] =	ssyncset.done $0x0  }
0xc5: {  	[sflag:s18] =	ssyncadd.s32 $0xFFFFD800  }
0xc6: {  	_ =	swait.ge [sflag:s15], $0x100  }
0xc7: {  	[sflag:s15] =	ssyncset.done $0x0  }
0xc8: {  	s7 =	simm.s32 $0x300;
	[sflag:s15] =	ssyncadd.s32 $0xFFFFFF00  }
0xc9: {  	[tilespmem:s12], [sflag:$0x1] =	stream.indirect.gather [hbm4b:s4+s22], $0x80, s7, s22, $0xb8;
	[tilespmem:$0x1BE00] =	vst v63  }
0xca: {  	_ =	swait.ge [sflag:s1], $0x2800  }
0xcb: {  	[sflag:s1] =	ssyncset.done $0x0  }
0xcc: {  	s20 =	simm.s32 $0x180;
	[sflag:s1] =	ssyncadd.s32 $0xFFFFD800  }
0xcd: {  	[spmem:s2] =	stream.indirect.scatter.add.f32 [tilespmem:s23], [sflag:$0x7], $0x80, s20, s22, $0xb8;
	[tilespmem:$0x1BE00] =	vst v63  }
0xce: {  	_ =	swait.ge [sflag:s18], $0x2800  }
0xcf: {  	[sflag:s18] =	ssyncset.done $0x0  }
0xd0: {  	[sflag:s18] =	ssyncadd.s32 $0xFFFFD800  }
0xd1: {  	_ =	swait.ge [sflag:s21], $0x100  }
0xd2: {  	[sflag:s21] =	ssyncset.done $0x0  }
0xd3: {  	s3 =	simm.s32 $0x400;
	[sflag:s21] =	ssyncadd.s32 $0xFFFFFF00  }
0xd4: {  	[tilespmem:s23], [sflag:$0x2] =	stream.indirect.gather [hbm4b:s4+s22], $0x80, s3, s22, $0xb8;
	[tilespmem:$0x1BE00] =	vst v63  }
0xd5: {  	_ =	swait.ge [sflag:s0], $0x2800  }
0xd6: {  	[sflag:s0] =	ssyncset.done $0x0  }
0xd7: {  	s21 =	simm.s32 $0x280;
	[sflag:s0] =	ssyncadd.s32 $0xFFFFD800  }
0xd8: {  	[spmem:s2] =	stream.indirect.scatter.add.f32 [tilespmem:s16], [sflag:$0x7], $0x80, s21, s22, $0xb8;
	[tilespmem:$0x1BE00] =	vst v63  }
0xd9: {  	_ =	swait.ge [sflag:s18], $0x2800  }
0xda: {  	[sflag:s18] =	ssyncset.done $0x0  }
0xdb: {  	[sflag:s18] =	ssyncadd.s32 $0xFFFFD800  }
0xdc: {  	_ =	swait.ge [sflag:s31], $0x2800  }
0xdd: {  	[sflag:s31] =	ssyncset.done $0x0  }
0xde: {  	s24 =	simm.s32 $0x380;
	[sflag:s31] =	ssyncadd.s32 $0xFFFFD800  }
0xdf: {  	[spmem:s2] =	stream.indirect.scatter.add.f32 [tilespmem:s12], [sflag:$0x7], $0x80, s24, s22, $0xb8;
	[tilespmem:$0x1BE00] =	vst v63  }
0xe0: {  	_ =	swait.ge [sflag:s18], $0x2800  }
0xe1: {  	[sflag:s18] =	ssyncset.done $0x0  }
0xe2: {  	[sflag:s18] =	ssyncadd.s32 $0xFFFFD800  }
0xe3: {  	_ =	swait.ge [sflag:s1], $0x2800  }
0xe4: {  	[sflag:s1] =	ssyncset.done $0x0  }
0xe5: {  	s25 =	simm.s32 $0x480;
	[sflag:s1] =	ssyncadd.s32 $0xFFFFD800  }
0xe6: {  	[spmem:s2] =	stream.indirect.scatter.add.f32 [tilespmem:s23], [sflag:$0x7], $0x80, s25, s22, $0xb8;
	[tilespmem:$0x1BE00] =	vst v63  }
0xe7: {  	_ =	swait.ge [sflag:s18], $0x2800  }
0xe8: {  	[sflag:s18] =	ssyncset.done $0x0  }
0xe9: {  	[sflag:s18] =	ssyncadd.s32 $0xFFFFD800  }
0xea: {  	[bflag:$0x0] =	sbarrier.arrive $0xFFFF  }
0xeb: {  	s10 =	rddreg [dreg:$0x6]  }
0xec: {  	s26 =	rddreg [dreg:$0xb]  }
0xed: {  	s6 =	rddreg [dreg:$0x10]  }
0xee: {  	[hbm:s26], [sflag:s10] =	dma.local [spmem:s6], $0x2800  }
0xef: {  	_ =	swait.ge [sflag:s18], $0x2800  }
0xf0: {  	s28 =	rddreg [dreg:$0x11]  }
0xf1: {  	s30 =	rddreg [dreg:$0xc];
	s2 =	sadd.s32 $0x1, s28  }
0xf2: {  	p0 =	sne.s32 s2, s30  }
.Ltmp1:
0xf3: {  	_ = 	snop;
	(pc) =	sbr.rel @p0 .LBB2_1-.Ltmp1, $3  }
0xf4: {  	_ =	sdelay $0x1  }
0xf5: {  	[sflag:s18] =	ssyncset.done $0x0  }
0xf6: {  	s11 =	simm.s32 $0x5600;
	[sflag:s18] =	ssyncadd.s32 $0xFFFFD800  }
0xf7: {  	_ =	sfence.sel $0x180000  }
0xf8: {  	[bflag:$0x0] =	sbarrier.arrive $0xFFFF  }
0xf9: {  	_ =	strace $0x9000004D  }
0xfa: {  	s0 =	stileid.u32;
	[bflag:$0x2] =	sbarrier.arrive $0xFFFF  }
0xfb: {  	p0 =	sne.s32 s0, $0x0;
	s0 =	rddreg [dreg:$0x3]  }
0xfc: {  	s0 =	sadd.s32 @!p0 $0x100000, s0  }
0xfd: {  	[sflag:s0] =	ssyncadd.tile.s32 @!p0 $0x1;
	_ =	shalt  }
.Lfunc_end2:
_tile_overlayer_lowered:
.L_overlay_start_2:
0xfe: {  	(tag) =	ssettag $0x2  }
0xff: {  	s0 =	rddreg [dreg:$0x0];
	s2 =	stileid.u32  }
0x100: {  	s1 =	rddreg [dreg:$0x1];
	p0 =	sne.s32 s2, $0x0  }
0x101: {  	s3 =	rddreg [dreg:$0x2];
	[bflag:$0x3] =	sbarrier.arrive $0xFFFF;
	s2 =	simm.s32 @!p0 $0x1C07  }
0x102: {  	[timem:s3], [sflag:s2] =	dma.local @!p0 [hbm:s0], s1  }
0x103: {  	s0 =	simm.s32 @!p0 $0x7  }
0x104: {  	_ =	swait.ge @!p0 [sflag:s0], s1  }
0x105: {  	s1 =	ssub.s32 @!p0 $0x0, s1;
	[sflag:s0] =	ssyncset.done @!p0 $0x0  }
0x106: {  	[sflag:s0] =	ssyncadd.s32 @!p0 s1  }
0x107: {  	[bflag:$0x3] =	sbarrier.arrive $0xFFFF  }
0x108: {  	_ =	shalt  }

// kernel: kernel.8.cloned.1.call-start
scs
__scs_entry_jumppad:
0x0: {  	(pc) =	sbr.rel $0x88, $3  }
0x1: {  	(tag) =	ssettag $0x0;
	lr =	simm.s32 $0x1  }
0x2: {  	[smem:$0x3F9B] =	sst lr;
	_ =	strace $0xD0000000  }
0x3: {  	_ = 	snop  }
0x4: {  	_ = 	snop  }
0x5: {  	_ = 	snop  }
0x6: {  	_ = 	snop  }
0x7: {  	_ = 	snop  }
__scs_overlays_trampoline_lowered:
0x8: {  	[smem:$0x3FAA] =	sst s0  }
0x9: {  	[smem:$0x3FAB] =	sst s1  }
0xa: {  	[smem:$0x3FAC] =	sst s2  }
0xb: {  	[smem:$0x3FAD] =	sst s3  }
0xc: {  	[smem:$0x3FAE] =	sst s4  }
0xd: {  	[smem:$0x3FAF] =	sst s5  }
0xe: {  	[smem:$0x3FB0] =	sst s6  }
0xf: {  	[smem:$0x3FB1] =	sst s7  }
0x10: {  	[smem:$0x3FB2] =	sst s8  }
0x11: {  	[smem:$0x3FB3] =	sst s9;
	s0 =	simm.s32 @!p0 $0x0  }
0x12: {  	s1 =	sld [smem:$0x3F99];
	s0 =	simm.s32 @p0 $0x1  }
0x13: {  	[smem:$0x3FB4] =	sst s0;
	s0 =	simm.s32 @!p1 $0x0  }
0x14: {  	s2 =	sld [smem:$0x3F98];
	s0 =	simm.s32 @p1 $0x1  }
0x15: {  	[smem:$0x3FB5] =	sst s0;
	s0 =	simm.s32 @!p2 $0x0  }
0x16: {  	s3 =	sld [smem:$0x3FDB];
	s0 =	simm.s32 @p2 $0x1  }
0x17: {  	s4 =	simm.s32 $0x1BF5;
	[smem:$0x3FB7] =	sst s0  }
0x18: {  	s0 =	sld [smem:$0x3F9A];
	_ =	swait.ge [sflag:s4], $0x0  }
0x19: {  	s7 =	sld [smem:$0x3F9B]  }
0x1a: {  	s8 =	sadd.s32 $0xFFFFE003, lr  }
0x1b: {  	s9 =	sadd.s32 $0xFFFFFEF7, lr;
	s5 =	simm.s32 $0xFFFFFFFF;
	p2 =	slt.u32 s8, $0xFFFFF086  }
0x1c: {  	p1 =	slt.u32 s9, $0xF7A;
	s5 =	simm.s32 @!p2 $0x0  }
0x1d: {  	s5 =	simm.s32 @p1 $0x1;
	p0 =	seq.s32 s7, s2  }
0x1e: {  	s7 =	smul.u32 @!p0 $0xF7A, s2;
	p2 =	seq.s32 @!p0 s5, $0x0  }
0x1f: {  	s9 =	smul.u32 $0xF7A, s1;
	s8 =	simm.s32 @!p0 $0x1BF5;
	p2 =	por !p2, p0  }
0x20: {  	[sflag:s8] =	ssyncset.s32 @!p0 $0xFFFFF086;
	s6 =	sadd.s32 @!p0 s3, s7;
	s7 =	simm.s32 @!p0 $0x108  }
0x21: {  	s3 =	sadd.s32 s3, s9;
	s6 =	sadd.s32 @!p0 $0x88, s6;
	s7 =	simm.s32 @p2 $0x1082  }
0x22: {  	[simem:s7], [sflag:s8] =	dma.local @!p0 [hbm:s6], $0xF7A  }
0x23: {  	s9 =	sor.u32 $0xD0000000, s2;
	s6 =	simm.s32 $0x108;
	_ =	swait.ge @!p0 [sflag:s8], $0x0  }
0x24: {  	s3 =	sadd.s32 $0x88, s3;
	s6 =	simm.s32 @!p1 $0x1082;
	[sflag:s4] =	ssyncset.s32 $0xFFFFF086  }
0x25: {  	[simem:s6], [sflag:s4] =	dma.local [hbm:s3], $0xF7A  }
0x26: {  	[smem:$0x3F9B] =	sst s1;
	(tag) =	ssettag s2;
	_ =	strace s9  }
0x27: {  	s1 =	sld [smem:$0x3FAB]  }
0x28: {  	s2 =	sld [smem:$0x3FAC]  }
0x29: {  	s4 =	sld [smem:$0x3FAE]  }
0x2a: {  	p0 =	seq.s32 s5, $0x0;
	s5 =	sld [smem:$0x3FAF]  }
0x2b: {  	s6 =	sld [smem:$0x3FB0]  }
0x2c: {  	s7 =	sld [smem:$0x3FB1]  }
0x2d: {  	s3 =	simm.s32 $0x108;
	s8 =	sld [smem:$0x3FB2]  }
0x2e: {  	s3 =	simm.s32 @!p0 $0x1082;
	s9 =	sld [smem:$0x3FB3]  }
0x2f: {  	lr =	sadd.s32 s0, s3;
	s0 =	sld [smem:$0x3FAA]  }
0x30: {  	s3 =	sld [smem:$0x3FAD]  }
0x31: {  	[smem:$0x3FB6] =	sst s10  }
0x32: {  	s10 =	sld [smem:$0x3FB4];
	_ =	sdelay $0x3  }
0x33: {  	p0 =	seq.s32 s10, $0x1;
	s10 =	sld [smem:$0x3FB6];
	_ =	sdelay $0x3  }
0x34: {  	[smem:$0x3FB6] =	sst s10  }
0x35: {  	s10 =	sld [smem:$0x3FB5];
	_ =	sdelay $0x3  }
0x36: {  	p1 =	seq.s32 s10, $0x1;
	s10 =	sld [smem:$0x3FB6];
	_ =	sdelay $0x3  }
0x37: {  	[smem:$0x3FB6] =	sst s10  }
0x38: {  	s10 =	sld [smem:$0x3FB7]  }
0x39: {  	_ = 	snop;
	(pc) =	sbr.ind lr, $3  }
0x3a: {  	_ = 	snop  }
0x3b: {  	_ = 	snop  }
0x3c: {  	p2 =	seq.s32 s10, $0x1;
	s10 =	sld [smem:$0x3FB6]  }
0x3d: {  	_ =	shalt  }
0x3e: {  	_ =	shalt  }
0x3f: {  	_ =	shalt  }
0x40: {  	_ =	shalt  }
0x41: {  	_ =	shalt  }
0x42: {  	_ =	shalt  }
0x43: {  	_ =	shalt  }
0x44: {  	_ =	shalt  }
0x45: {  	_ =	shalt  }
0x46: {  	_ =	shalt  }
0x47: {  	_ =	shalt  }
0x48: {  	_ =	shalt  }
0x49: {  	_ =	shalt  }
0x4a: {  	_ =	shalt  }
0x4b: {  	_ =	shalt  }
0x4c: {  	_ =	shalt  }
0x4d: {  	_ =	shalt  }
0x4e: {  	_ =	shalt  }
0x4f: {  	_ =	shalt  }
0x50: {  	_ =	shalt  }
0x51: {  	_ =	shalt  }
0x52: {  	_ =	shalt  }
0x53: {  	_ =	shalt  }
0x54: {  	_ =	shalt  }
0x55: {  	_ =	shalt  }
0x56: {  	_ =	shalt  }
0x57: {  	_ =	shalt  }
0x58: {  	_ =	shalt  }
0x59: {  	_ =	shalt  }
0x5a: {  	_ =	shalt  }
0x5b: {  	_ =	shalt  }
0x5c: {  	_ =	shalt  }
0x5d: {  	_ =	shalt  }
0x5e: {  	_ =	shalt  }
0x5f: {  	_ =	shalt  }
0x60: {  	_ =	shalt  }
0x61: {  	_ =	shalt  }
0x62: {  	_ =	shalt  }
0x63: {  	_ =	shalt  }
0x64: {  	_ =	shalt  }
0x65: {  	_ =	shalt  }
0x66: {  	_ =	shalt  }
0x67: {  	_ =	shalt  }
0x68: {  	_ =	shalt  }
0x69: {  	_ =	shalt  }
0x6a: {  	_ =	shalt  }
0x6b: {  	_ =	shalt  }
0x6c: {  	_ =	shalt  }
0x6d: {  	_ =	shalt  }
0x6e: {  	_ =	shalt  }
0x6f: {  	_ =	shalt  }
0x70: {  	_ =	shalt  }
0x71: {  	_ =	shalt  }
0x72: {  	_ =	shalt  }
0x73: {  	_ =	shalt  }
0x74: {  	_ =	shalt  }
0x75: {  	_ =	shalt  }
0x76: {  	_ =	shalt  }
0x77: {  	_ =	shalt  }
0x78: {  	_ =	shalt  }
0x79: {  	_ =	shalt  }
0x7a: {  	_ =	shalt  }
0x7b: {  	_ =	shalt  }
0x7c: {  	_ =	shalt  }
0x7d: {  	_ =	shalt  }
0x7e: {  	_ =	shalt  }
0x7f: {  	_ =	shalt  }
0x80: {  	_ =	shalt  }
0x81: {  	_ =	shalt  }
0x82: {  	_ =	shalt  }
0x83: {  	_ =	shalt  }
0x84: {  	_ =	shalt  }
0x85: {  	_ =	shalt  }
0x86: {  	_ =	shalt  }
0x87: {  	_ =	shalt  }
.Lfunc_end0:
.L_simem_size_0:
called_computation_lowered:
.L_overlay_start_0:
0x88: {  	s2 =	sld [smem:$0x3FD9]  }
0x89: {  	s3 =	sld [smem:$0x3FFE];
	_ =	sdelay $0x1  }
0x8a: {  	s1 =	srdreg.scid  }
0x8b: {  	s0 =	sand.u32 $0x1, s1  }
0x8c: {  	s16 =	sshll.u32 s0, $0xA;
	s2 =	sadd.s32 s3, s2  }
0x8d: {  	s2 =	sadd.s32 s2, s16  }
0x8e: {  	[smem:$0x3FC2] =	sst s2  }
0x8f: {  	_ = 	snop  }
0x90: {  	(tm) =	ssettm $0x1  }
0x91: {  	s17 =	sld [smem:$0x3FFB];
	_ =	sdelay $0x3  }
0x92: {  	_ =	strace s17  }
0x93: {  	s2 =	sld [smem:$0x3FFC];
	_ =	sdelay $0x3  }
0x94: {  	_ =	strace s2  }
0x95: {  	s2 =	sld [smem:$0x3FFD];
	_ =	sdelay $0x3  }
0x96: {  	_ =	strace s2  }
0x97: {  	_ =	strace $0x8FFFFFFF  }
0x98: {  	s18 =	sld [smem:$0x3FDB];
	_ =	sdelay $0x1  }
0x99: {  	s19 =	simm.s32 $_scs_section_size  }
0x9a: {  	s4 =	simm.s32 $_size__tile_overlayer_lowered;
	s5 =	simm.s32 $_tile_overlayer_lowered  }
0x9b: {  	s22 =	simm.s32 $0x1BFF;
	s21 =	sshll.u32 s5, $0x1;
	s2 =	sadd.s32 s19, s18  }
0x9c: {  	s6 =	simm.s32 $0x0;
	s20 =	sshll.u32 s4, $0x1;
	s4 =	sadd.s32 s21, s2  }
0x9d: {  	[timem:s6], [sflag:s22] =	dma.local [hbm:s4], s20  }
0x9e: {  	_ =	swait.ge [sflag:s22], s20  }
0x9f: {  	s3 =	ssub.s32 $0x0, s20;
	[sflag:s22] =	ssyncset.done $0x0  }
0xa0: {  	[sflag:s22] =	ssyncadd.s32 s3;
	_ =	sdelay $0x1  }
0xa1: {  	s23 =	simm.s32 $0x1B8B  }
0xa2: {  	_ =	swait.ge [sflag:s23], $0x1  }
0xa3: {  	[sflag:s23] =	ssyncset.done $0x0  }
0xa4: {  	s25 =	simm.s32 $0x1B8E;
	s24 =	sld [smem:$0x3FFE];
	[sflag:s23] =	ssyncadd.s32 $0xFFFFFFFF  }
0xa5: {  	s26 =	simm.s32 $execute0_lowered;
	[smem:$0x3FD2] =	sst s25  }
0xa6: {  	s4 =	sshll.u32 s26, $0x1;
	_ =	strace $0x80000046;
	[dreg:$0x1] =	wrdreg $0xFFFFFFFF  }
0xa7: {  	s28 =	simm.s32 $_size_execute0_lowered;
	s2 =	sadd.s32 s2, s4;
	[dreg:$0x0] =	wrdreg $0x0  }
0xa8: {  	s4 =	sshll.u32 s28, $0x1;
	[dreg:$0x2] =	wrdreg s2  }
0xa9: {  	[dreg:$0x3] =	wrdreg s4  }
0xaa: {  	[dreg:$0x4] =	wrdreg $0xC0  }
0xab: {  	_ =	task [dreg:s6], $0x5FFFF  }
0xac: {  	[dreg:$0x1] =	wrdreg $0xFFFFFFFF  }
0xad: {  	[dreg:$0x0] =	wrdreg $0x60  }
0xae: {  	[dreg:$0x2] =	wrdreg s24  }
0xaf: {  	[dreg:$0x3] =	wrdreg $0x9  }
0xb0: {  	_ =	task.clear_ibuf [dreg:s6], $0x4FFFF;
	_ =	strace $0x90000046  }
0xb1: {  	s29 =	simm.s32 $0x9;
	_ =	strace $0x80000048  }
0xb2: {  	_ =	swait.ge [sflag:s29], $0x1  }
0xb3: {  	[sflag:s29] =	ssyncadd.s32 $0xFFFFFFFF  }
0xb4: {  	_ =	strace $0x90000048  }
0xb5: {  	_ =	sfence  }
0xb6: {  	s30 =	sld [smem:$0x0];
	_ =	sdelay $0x2  }
0xb7: {  	s31 =	sshll.u32 s1, $0xD;
	s1 =	sshrl.u32 s1, $0x2  }
0xb8: {  	s3 =	sand.u32 $0x4000, s31;
	s1 =	sadd.s32 s1, s30  }
0xb9: {  	s0 =	sor.u32 s3, s0;
	s1 =	sshll.u32 s1, $0x11  }
0xba: {  	s0 =	sor.u32 s1, s0  }
0xbb: {  	s0 =	sadd.s32 $0x8F2B, s0  }
0xbc: {  	[sflag:s0] =	ssyncadd.remote.s32 $0x1  }
0xbd: {  	_ =	sfence.sel $0xFFFF  }
0xbe: {  	[dreg:$0x0] =	wrdreg $0xFFFFFFFF;
	(pc) =	sbr.abs _section_cstart, $3  }
0xbf: {  	[dreg:$0x1] =	wrdreg $0xFFFFFFFF  }
0xc0: {  	_ =	task.clear_ibuf [dreg:s6], $0x2FFFF;
	_ =	strace $0x9FFFFFFF  }
0xc1: {  	(tm) =	ssettm $0x7FFFFFFF  }
tec
execute0_lowered:
.L_overlay_start_1:
0x0: {  	(tag) =	ssettag $0x1  }
0x1: {  	s1 =	srdreg.scid  }
0x2: {  	s0 =	stileid.u32;
	s5 =	rddreg [dreg:$0x0]  }
0x3: {  	s2 =	simm.s32 $0x0;
	s8 =	simm.s32 $0x80;
	s9 =	simm.s32 $0x400  }
0x4: {  	s10 =	simm.s32 $0x0;
	s3 =	sand.u32 $0x1, s1;
	s29 =	sshll.u32 s0, $0x1  }
0x5: {  	s30 =	sshrl.u32 s0, $0x2;
	s1 =	rddreg [dreg:$0x1];
	s4 =	sor.u32 s3, s29  }
0x6: {  	[smem:$0x7FF] =	sst s2;
	s6 =	smul.u32 $0x14000, s30;
	s7 =	sshll.u32 s4, $0x7  }
0x7: {  	s3 =	ssub.s32 $0x2, s3;
	s4 =	smul.u32 $0x4E2, s4;
	s7 =	sand.u32 $0x380, s7  }
0x8: {  	_ =	strace $0x80000047;
	s31 =	sshrl.u32 s3, $0x1;
	s6 =	sor.u32 s6, s7  }
0x9: {  	s4 =	sadd.s32 s4, s5;
	s7 =	simm.s32 $0x2780;
	s6 =	sshrl.u32 s6, $0x3  }
0xa: {  	s5 =	sadd.s32 s6, s5;
	s6 =	ssub.s32 s3, s31;
	s3 =	sadd.s32 $0x3600, s4  }
0xb: {  	v0 =	vimm.f32 $0.0e+00;
	v1 =	vimm.f32 $1.000000000e+00;
	s4 =	sadd.s32 $0xD400, s5;
	s5 =	smax.u32 s6, $0x1;
	s6 =	simm.s32 $0x1  }
.LBB2_1:
0xc: {  	[tilespmem:s2], [sflag:$0x1] =	stream.linear.gather [hbm4b:s3+s2], $0x2710, $0x38;
	[tilespmem:$0x4F80] =	vst v63  }
0xd: {  	_ =	swait.ge [sflag:s6], $0x2710  }
0xe: {  	[sflag:s6] =	ssyncset.done $0x0  }
0xf: {  	s11 =	simm.s32 $0x0;
	[sflag:s6] =	ssyncadd.s32 $0xFFFFD8F0  }
.LBB2_2:
0x10: {  	p0 =	sne.s32 s11, $0x9FC0  }
.Ltmp0:
0x11: {  	_ = 	snop;
	(pc) =	sbr.rel @p0 .LBB2_2-.Ltmp0, $3  }
0x12: {  	_ =	sdelay $0x1  }
0x13: {  	s12 =	sshra.s32 s11, $0x2  }
0x14: {  	s11 =	sadd.s32 $0x40, s11;
	[tilespmem:s12+$0x2780] =	vst v0  }
0x15: {  	s12 =	simm.s32 $0x0;
	s11 =	simm.s32 $0x40  }
.LBB2_4:
0x16: {  	p0 =	sne.s32 s11, $0x9C00;
	v2 =	vld [tilespmem:s12+$0x0];
	_ =	sdelay $0x3  }
.Ltmp1:
0x17: {  	(pc) =	sbr.rel @p0 .LBB2_4-.Ltmp1, $2  }
0x18: {  	_ =	sdelay $0x2  }
0x19: {  	s12 =	sshra.s32 s11, $0x2;
	s11 =	sadd.s32 $0x40, s11;
	[tilespmem:v2+s7+$0x0] =	vst.idx.add.f32.msk $0xffff, v1  }
0x1a: {  	v2 =	vld [tilespmem:s12+$0x0];
	_ =	sdelay $0x5  }
0x1b: {  	s10 =	sadd.s32 $0x1, s10  }
0x1c: {  	p0 =	sne.s32 s10, s5  }
.Ltmp2:
0x1d: {  	[tilespmem:v2+s7+$0x0] =	vst.idx.add.f32.msk $0xffff, v1;
	(pc) =	sbr.rel @p0 .LBB2_1-.Ltmp2, $4  }
0x1e: {  	[hbm4b:s4+s8] =	stream.strided.scatter [tilespmem:s7], [sflag:$0x1], $0x2800, s9, s8, $0x38;
	[tilespmem:$0x4F80] =	vst v63  }
0x1f: {  	_ =	swait.ge [sflag:s6], $0x2800  }
0x20: {  	[sflag:s6] =	ssyncset.done $0x0  }
0x21: {  	[sflag:s6] =	ssyncadd.s32 $0xFFFFD800  }
0x22: {  	_ =	sfence.sel $0x180000  }
0x23: {  	[bflag:$0x0] =	sbarrier.arrive $0xFFFF  }
0x24: {  	p0 =	sne.s32 s0, $0x0;
	_ =	strace $0x90000047  }
0x25: {  	s0 =	sadd.s32 @!p0 $0x100000, s1;
	[bflag:$0x2] =	sbarrier.arrive $0xFFFF  }
0x26: {  	[sflag:s0] =	ssyncadd.tile.s32 @!p0 $0x1;
	_ =	shalt  }
.Lfunc_end2:
_tile_overlayer_lowered:
.L_overlay_start_2:
0x27: {  	(tag) =	ssettag $0x2  }
0x28: {  	s0 =	rddreg [dreg:$0x0];
	s2 =	stileid.u32  }
0x29: {  	s1 =	rddreg [dreg:$0x1];
	p0 =	sne.s32 s2, $0x0  }
0x2a: {  	s3 =	rddreg [dreg:$0x2];
	[bflag:$0x3] =	sbarrier.arrive $0xFFFF;
	s2 =	simm.s32 @!p0 $0x1C01  }
0x2b: {  	[timem:s3], [sflag:s2] =	dma.local @!p0 [hbm:s0], s1  }
0x2c: {  	s0 =	simm.s32 @!p0 $0x1  }
0x2d: {  	_ =	swait.ge @!p0 [sflag:s0], s1  }
0x2e: {  	s1 =	ssub.s32 @!p0 $0x0, s1;
	[sflag:s0] =	ssyncset.done @!p0 $0x0  }
0x2f: {  	[sflag:s0] =	ssyncadd.s32 @!p0 s1  }
0x30: {  	[bflag:$0x3] =	sbarrier.arrive $0xFFFF  }
0x31: {  	_ =	shalt  }

</sc_bundles>
